<compile_context>
chip_gen: v7x
topology: tpu7x:2x2x1
jax: 0.10.2.dev20260603
libtpu: 0.0.44.dev20260713+nightly
codegen_flags: <defaults>
</compile_context>

<pallas_src>
import functools

import jax
import jax.numpy as jnp
from jax import lax
from jax.experimental import pallas as pl
from jax.experimental.pallas import tpu as pltpu
from jax.experimental.pallas import tpu_sc as plsc

N = 10000
E = 320000
F_IN = 128
DIM = 256
L = 3
RES = 3
NUM_CODE = 1024
G = 128

_CHUNK = 80
_MAXC = 72
_RB = 8
_BLK = 36
_NBLK = _MAXC * _RB // _BLK
_TILES = 16
_ACC_N = 10240
_ROWS_PER_TILE = _ACC_N // _TILES
_BAND = 640
_PAD_ROW = 10000
_R = 1000
_GRID = N // _R
_PREC = jax.lax.Precision.HIGHEST
_PREC_MM = jax.lax.Precision.DEFAULT



def _make_sc_agg(dh: int):
    mesh = plsc.VectorSubcoreMesh(core_axis_name="c", subcore_axis_name="s")

    @functools.partial(
        pl.kernel,
        mesh=mesh,
        out_type=jax.ShapeDtypeStruct((2, N, dh), jnp.float32),
        scratch_types=[
            pltpu.VMEM((_BLK, _CHUNK), jnp.int32),
            pltpu.VMEM((_BLK, _CHUNK), jnp.int32),
            pltpu.VMEM((_CHUNK, dh), jnp.float32),
            pltpu.VMEM_SHARED((_ACC_N, dh), jnp.float32),
            pltpu.SemaphoreType.DMA,
        ],
    )
    def sc_agg(table_hbm, src_hbm, dst_hbm, zeros_hbm, out_hbm,
               sidx_v, didx_v, rows_v, acc_sh, sem):
        c = lax.axis_index("c")
        s = lax.axis_index("s")
        row0 = s * _ROWS_PER_TILE
        pltpu.sync_copy(zeros_hbm, acc_sh.at[pl.ds(row0, _ROWS_PER_TILE)])
        plsc.subcore_barrier()

        def blk(b, carry):
            pltpu.sync_copy(src_hbm.at[c, s, b], sidx_v)
            pltpu.sync_copy(dst_hbm.at[s, b], didx_v)

            def chunk(i, carry2):
                pltpu.async_copy(table_hbm.at[sidx_v.at[i]], rows_v,
                                 sem).wait()
                pltpu.sync_copy(rows_v, acc_sh.at[didx_v.at[i]], add=True)
                return carry2

            return lax.fori_loop(0, _BLK, chunk, carry, unroll=False)

        lax.fori_loop(0, _NBLK, blk, 0, unroll=False)
        plsc.subcore_barrier()
        tail = N - (_TILES - 1) * _ROWS_PER_TILE

        @pl.when(s < _TILES - 1)
        def _():
            pltpu.sync_copy(acc_sh.at[pl.ds(row0, _ROWS_PER_TILE)],
                            out_hbm.at[c, pl.ds(row0, _ROWS_PER_TILE)])

        @pl.when(s == _TILES - 1)
        def _():
            pltpu.sync_copy(acc_sh.at[pl.ds(row0, tail)],
                            out_hbm.at[c, pl.ds(row0, tail)])

    return sc_agg


_make_sc_agg = functools.lru_cache(maxsize=None)(_make_sc_agg)



def _a_body(h_ref, agg_ref, w1_ref, b1_ref, w2_ref, b2_ref, z_ref,
            *, first_layer):
    if first_layer:
        hin = h_ref[...] + agg_ref[0]
    else:
        hin = h_ref[...] + jnp.concatenate([agg_ref[0], agg_ref[1]], axis=1)
    t = jnp.maximum(
        lax.dot_general(hin, w1_ref[...], (((1,), (0,)), ((), ())),
                        precision=_PREC_MM) + b1_ref[...], 0.0)
    z_ref[...] = jnp.maximum(
        lax.dot_general(t, w2_ref[...], (((1,), (0,)), ((), ())),
                        precision=_PREC_MM) + b2_ref[...], 0.0)


def _run_a(h_in, agg, w1, b1, w2, b2, first_layer: bool):
    in_dim = F_IN if first_layer else DIM
    dh = 128
    return pl.pallas_call(
        functools.partial(_a_body, first_layer=first_layer),
        grid=(_GRID,),
        in_specs=[
            pl.BlockSpec((_R, in_dim), lambda g: (g, 0)),
            pl.BlockSpec((2, _R, dh), lambda g: (0, g, 0)),
            pl.BlockSpec((in_dim, DIM), lambda g: (0, 0)),
            pl.BlockSpec((1, DIM), lambda g: (0, 0)),
            pl.BlockSpec((DIM, DIM), lambda g: (0, 0)),
            pl.BlockSpec((1, DIM), lambda g: (0, 0)),
        ],
        out_specs=pl.BlockSpec((_R, DIM), lambda g: (g, 0)),
        out_shape=jax.ShapeDtypeStruct((N, DIM), jnp.float32),
    )(h_in, agg, w1, b1.reshape(1, DIM), w2, b2.reshape(1, DIM))



def _b_body(z_ref, stats_ref, gamma_ref, beta_ref, cb_ref, batch_ref,
            m_ref, mh_ref, ids_ref, pool_ref, closs_ref, cbn_ref):
    g = pl.program_id(0)

    @pl.when(g == 0)
    def _():
        pool_ref[...] = jnp.zeros_like(pool_ref)
        closs_ref[...] = jnp.zeros_like(closs_ref)
        for l in range(RES):
            for ch in range(4):
                blk = cb_ref[l, ch * 256:(ch + 1) * 256, :]
                nrm = jnp.sqrt(jnp.sum(blk * blk, axis=1, keepdims=True))
                cbn_ref[l, ch * 256:(ch + 1) * 256, :] = blk / (nrm + 1e-8)

    mean = stats_ref[0:1, :]
    var = stats_ref[1:2, :]
    m = (z_ref[...] - mean) / jnp.sqrt(var + 1e-5) * gamma_ref[...] \
        + beta_ref[...]
    m_ref[...] = m
    mh_ref[0] = m[:, :128]
    mh_ref[1] = m[:, 128:]

    r = m
    idx_cols = []
    for l in range(RES):
        nrm = jnp.sqrt(jnp.sum(r * r, axis=1, keepdims=True))
        xn = r / (nrm + 1e-8)
        sim = lax.dot_general(xn, cbn_ref[l], (((1,), (1,)), ((), ())),
                              precision=_PREC_MM)
        mx = jnp.max(sim, axis=1, keepdims=True)
        lane = lax.broadcasted_iota(jnp.int32, sim.shape, 1)
        idx = jnp.min(jnp.where(sim >= mx, lane, jnp.int32(1 << 30)), axis=1)
        oh = (lane == idx[:, None]).astype(jnp.float32)
        q = lax.dot_general(oh, cb_ref[l], (((1,), (0,)), ((), ())),
                            precision=_PREC)
        d = q - r
        closs_ref[l:l + 1, :] += jnp.sum(d * d, axis=0, keepdims=True)
        idx_cols.append(idx[:, None])
        r = r - q

    ids_ref[...] = jnp.concatenate(idx_cols, axis=1)
    ohb = (batch_ref[...] ==
           lax.broadcasted_iota(jnp.int32, (_R, G), 1)).astype(jnp.float32)
    pool_ref[...] += lax.dot_general(ohb, m, (((0,), (0,)), ((), ())),
                                     precision=_PREC)


def _run_b(z, stats, gamma, beta, cb, batch2d):
    return pl.pallas_call(
        _b_body,
        grid=(_GRID,),
        in_specs=[
            pl.BlockSpec((_R, DIM), lambda g: (g, 0)),
            pl.BlockSpec((2, DIM), lambda g: (0, 0)),
            pl.BlockSpec((1, DIM), lambda g: (0, 0)),
            pl.BlockSpec((1, DIM), lambda g: (0, 0)),
            pl.BlockSpec((RES, NUM_CODE, DIM), lambda g: (0, 0, 0)),
            pl.BlockSpec((_R, 1), lambda g: (g, 0)),
        ],
        out_specs=[
            pl.BlockSpec((_R, DIM), lambda g: (g, 0)),
            pl.BlockSpec((2, _R, 128), lambda g: (0, g, 0)),
            pl.BlockSpec((_R, RES), lambda g: (g, 0)),
            pl.BlockSpec((G, DIM), lambda g: (0, 0)),
            pl.BlockSpec((8, DIM), lambda g: (0, 0)),
        ],
        out_shape=[
            jax.ShapeDtypeStruct((N, DIM), jnp.float32),
            jax.ShapeDtypeStruct((2, N, 128), jnp.float32),
            jax.ShapeDtypeStruct((N, RES), jnp.int32),
            jax.ShapeDtypeStruct((G, DIM), jnp.float32),
            jax.ShapeDtypeStruct((8, DIM), jnp.float32),
        ],
        scratch_shapes=[pltpu.VMEM((RES, NUM_CODE, DIM), jnp.float32)],
    )(z, stats, gamma.reshape(1, DIM), beta.reshape(1, DIM), cb, batch2d)



def kernel(x, edge_index, batch, params):
    src = edge_index[0]
    dst = edge_index[1]
    perm = jnp.argsort(dst, stable=True)
    src_s = src[perm]
    dst_s = dst[perm]
    band = dst_s // _BAND
    starts = jnp.searchsorted(dst_s, jnp.arange(N, dtype=jnp.int32))
    rk = jnp.arange(E, dtype=jnp.int32) - starts[dst_s]
    rb = (dst_s % _BAND) // _CHUNK
    slot = dst_s % _CHUNK
    cidx = rk * _RB + rb
    src_p = jnp.zeros((_TILES, _MAXC * _RB, _CHUNK),
                      jnp.int32).at[band, cidx, slot].set(src_s)
    dst_p = jnp.full((_TILES, _MAXC * _RB, _CHUNK), _PAD_ROW,
                     jnp.int32).at[band, cidx, slot].set(dst_s)
    src_p2 = jnp.stack([src_p, src_p + N]).reshape(
        2, _TILES, _NBLK, _BLK, _CHUNK)
    dst_p2 = dst_p.reshape(_TILES, _NBLK, _BLK, _CHUNK)
    batch2d = batch.reshape(N, 1)
    zeros128 = jnp.zeros((_ROWS_PER_TILE, 128), jnp.float32)

    ms, ids_list, pools, closs_list = [], [], [], []
    mh = None
    for i in range(L):
        if i == 0:
            table = jnp.concatenate([x, x], axis=0)
            agg = _make_sc_agg(128)(table, src_p2, dst_p2, zeros128)
            h_in = x
        else:
            table = mh.reshape(2 * N, 128)
            agg = _make_sc_agg(128)(table, src_p2, dst_p2, zeros128)
            h_in = ms[-1]
        z = _run_a(h_in, agg, params['W1_%d' % i], params['b1_%d' % i],
                   params['W2_%d' % i], params['b2_%d' % i], i == 0)
        stats = jnp.stack([jnp.mean(z, axis=0), jnp.var(z, axis=0)])
        m, mh, ids, pool, closs = _run_b(
            z, stats, params['gamma_%d' % i], params['beta_%d' % i],
            params['codebook_%d' % i], batch2d)
        ms.append(m)
        ids_list.append(ids)
        pools.append(pool)
        closs_list.append(closs)

    x_cat = jnp.concatenate(ms, axis=1)
    xpool = jnp.concatenate(pools, axis=1)
    id_cat = jnp.concatenate(ids_list, axis=1)
    total_commit = (0.25 / (N * DIM)) * sum(
        jnp.sum(c[:RES]) for c in closs_list)
    return xpool, x_cat, total_commit, id_cat

# --- scband reference (transcript-rebuilt; emitter-appended) ---
"""Pipeline reference for scband-encoder-13657996001662 (READ-ONLY COPY).

The authoritative reference and input builder live on the scoring server;
editing this copy changes nothing except your own understanding.
"""

import jax, jax.numpy as jnp
import numpy as np

N = 10000
E = 320000
F_IN = 128
DIM = 256
L = 3
RES = 3
NUM_CODE = 1024
G = 128


def _make_params(key):
    params = {}
    k = key
    for i in range(L):
        in_dim = F_IN if i == 0 else DIM
        k, k1, k2, k3 = jax.random.split(k, 4)
        params['W1_%d' % i] = jax.random.normal(k1, (in_dim, DIM), dtype=jnp.float32) * (1.0 / np.sqrt(in_dim))
        params['b1_%d' % i] = jnp.zeros((DIM,), jnp.float32)
        params['W2_%d' % i] = jax.random.normal(k2, (DIM, DIM), dtype=jnp.float32) * (1.0 / np.sqrt(DIM))
        params['b2_%d' % i] = jnp.zeros((DIM,), jnp.float32)
        params['gamma_%d' % i] = jnp.ones((DIM,), jnp.float32)
        params['beta_%d' % i] = jnp.zeros((DIM,), jnp.float32)
        params['codebook_%d' % i] = jax.random.normal(k3, (RES, NUM_CODE, DIM), dtype=jnp.float32)
    return params


def setup_inputs(seed: int = 0):
    key = jax.random.key(seed)
    kx, ke, kb, kp = jax.random.split(key, 4)
    x = jax.random.normal(kx, (N, F_IN), dtype=jnp.float32)
    edge_index = jax.random.randint(ke, (2, E), 0, N, dtype=jnp.int32)
    batch = jnp.sort(jax.random.randint(kb, (N,), 0, G, dtype=jnp.int32))
    params = _make_params(kp)
    return {'x': x, 'edge_index': edge_index, 'batch': batch, 'params': params}


def _rvq(x, codebooks):
    # ResidualVectorQuant: 3 residual layers, cosine-sim nearest code, commitment_weight=0.25
    residual = x
    qout = jnp.zeros_like(x)
    ids = []
    closs = 0.0
    for l in range(RES):
        cb = codebooks[l]
        xn = residual / (jnp.linalg.norm(residual, axis=-1, keepdims=True) + 1e-8)
        cbn = cb / (jnp.linalg.norm(cb, axis=-1, keepdims=True) + 1e-8)
        sim = xn @ cbn.T
        idx = jnp.argmax(sim, axis=-1)
        q = jnp.take(cb, idx, axis=0)
        closs = closs + 0.25 * jnp.mean((jax.lax.stop_gradient(q) - residual) ** 2)
        # straight-through quantized output accumulation
        qout = qout + residual + jax.lax.stop_gradient(q - residual)
        residual = residual - jax.lax.stop_gradient(q)
        ids.append(idx)
    return qout, jnp.stack(ids, axis=1), closs


def _forward(x, edge_index, batch, params):
    src = edge_index[0]
    dst = edge_index[1]
    xs = []
    id_list = []
    total_commit = 0.0
    h = x
    for i in range(L):
        # GINConv (eps=0): MLP(x + sum_{j in N(i)} x_j)
        agg = jnp.zeros((h.shape[0], h.shape[1]), h.dtype).at[dst].add(jnp.take(h, src, axis=0))
        m = h + agg
        m = jnp.maximum(m @ params['W1_%d' % i] + params['b1_%d' % i], 0.0) @ params['W2_%d' % i] + params['b2_%d' % i]
        m = jnp.maximum(m, 0.0)  # F.relu(conv(...))
        # BatchNorm1d (training-mode batch stats)
        mean = jnp.mean(m, axis=0)
        var = jnp.var(m, axis=0)
        m = (m - mean) / jnp.sqrt(var + 1e-5) * params['gamma_%d' % i] + params['beta_%d' % i]
        xs.append(m)
        qout, ids, closs = _rvq(m, params['codebook_%d' % i])
        id_list.append(ids)
        total_commit = total_commit + closs
        h = m
    id_cat = jnp.concatenate(id_list, axis=1)
    xpool = jnp.concatenate([jax.ops.segment_sum(t, batch, num_segments=G) for t in xs], axis=1)
    return xpool, jnp.concatenate(xs, axis=1), total_commit, id_cat


def reference(x, edge_index, batch, params):
    return _forward(x, edge_index, batch, params)

if __name__ == "__main__":
    import jax
    _d = setup_inputs()
    print(jax.jit(kernel)(*tuple(_d.values())))

</pallas_src>

<mosaic_0001>
#map = affine_map<(d0, d1) -> (0, 0)>
#map1 = affine_map<(d0, d1) -> (0, 0, 0, 0, 0)>
#map2 = affine_map<(d0, d1) -> (0, 0, 0, 0)>
#map3 = affine_map<(d0, d1) -> (0, 0, 0)>
module attributes {stable_mosaic.version = 14 : i64} {
  func.func @sc_agg(%arg0: i32, %arg1: i32, %arg2: memref<20000x128xf32, #tpu.memory_space<hbm>>, %arg3: memref<2x16x16x36x80xi32, #tpu.memory_space<hbm>>, %arg4: memref<16x16x36x80xi32, #tpu.memory_space<hbm>>, %arg5: memref<640x128xf32, #tpu.memory_space<hbm>>, %arg6: memref<2x10000x128xf32, #tpu.memory_space<hbm>>, %arg7: memref<36x80xi32, #tpu.memory_space<vmem>>, %arg8: memref<36x80xi32, #tpu.memory_space<vmem>>, %arg9: memref<80x128xf32, #tpu.memory_space<vmem>>, %arg10: memref<10240x128xf32, #tpu.memory_space<vmem_shared>>, %arg11: memref<!tpu.dma_semaphore, #tpu.memory_space<semaphore_mem>>) attributes {dimension_semantics = [#tpu.dimension_semantics<core_parallel>, #tpu.dimension_semantics<subcore_parallel>], iteration_bounds = array<i64: 2, 16>, scalar_prefetch = 0 : i64, scratch_operands = 5 : i64, tpu.core_type = #tpu.core_type<sc_vector_subcore>, window_params = [{transform_indices = #map}, {transform_indices = #map1}, {transform_indices = #map2}, {transform_indices = #map}, {transform_indices = #map3}]} {
    %mul3A = arith.constant 640 : i32
    %mul3A_0 = arith.muli %arg1, %mul3A : i32
    "tpu.region"() ({
      %run_scoped3A = tpu.sem_alloc : memref<!tpu.dma_semaphore, #tpu.memory_space<semaphore_mem>>
      %dma_start3A = arith.constant 0 : i32
      %dma_start3A_13 = tpu.memref_slice %arg10[%mul3A_0, %dma_start3A] : memref<10240x128xf32, #tpu.memory_space<vmem_shared>> -> memref<640x128xf32, #tpu.memory_space<vmem_shared>>
      tpu.enqueue_dma source(%arg5 : memref<640x128xf32, #tpu.memory_space<hbm>>) target(%dma_start3A_13 : memref<640x128xf32, #tpu.memory_space<vmem_shared>>) target_semaphore(%run_scoped3A : memref<!tpu.dma_semaphore, #tpu.memory_space<semaphore_mem>>)
      %dma_wait3A = arith.constant 0 : i32
      %dma_wait3A_14 = tpu.memref_slice %arg10[%mul3A_0, %dma_wait3A] : memref<10240x128xf32, #tpu.memory_space<vmem_shared>> -> memref<640x128xf32, #tpu.memory_space<vmem_shared>>
      tpu.wait_dma2 semaphore(%run_scoped3A : memref<!tpu.dma_semaphore, #tpu.memory_space<semaphore_mem>>) src(%arg5 : memref<640x128xf32, #tpu.memory_space<hbm>>) dst(%dma_wait3A_14 : memref<640x128xf32, #tpu.memory_space<vmem_shared>>)
      tpu.yield
    }) : () -> ()
    %barrier3A = arith.constant 0 : index
    tpu.barrier barrier_id(%barrier3A)
    %scan3A = arith.constant 0 : i32
    %scan3A_1 = arith.constant 0 : i32
    %scan3A_2 = arith.constant 16 : i32
    %scan3A_3 = arith.addi %scan3A_1, %scan3A_2 : i32
    %scan3A_4 = arith.constant 1 : i32
    scf.for %scan3A_13 = %scan3A_1 to %scan3A_3 step %scan3A_4  : i32 {
      "tpu.region"() ({
        %run_scoped3A = tpu.sem_alloc : memref<!tpu.dma_semaphore, #tpu.memory_space<semaphore_mem>>
        %dma_start3A = arith.constant 0 : i32
        %dma_start3A_19 = arith.constant 0 : i32
        %dma_start3A_20 = tpu.memref_slice %arg3[%arg0, %arg1, %scan3A_13, %dma_start3A, %dma_start3A_19] : memref<2x16x16x36x80xi32, #tpu.memory_space<hbm>> -> memref<1x1x1x36x80xi32, #tpu.memory_space<hbm>>
        %dma_start3A_21 = tpu.memref_squeeze %dma_start3A_20 : memref<1x1x1x36x80xi32, #tpu.memory_space<hbm>> -> memref<36x80xi32, #tpu.memory_space<hbm>>
        %dma_start3A_22 = arith.constant 0 : i32
        %dma_start3A_23 = arith.constant 0 : i32
        %dma_start3A_24 = tpu.memref_slice %arg3[%arg0, %arg1, %scan3A_13, %dma_start3A_22, %dma_start3A_23] : memref<2x16x16x36x80xi32, #tpu.memory_space<hbm>> -> memref<1x1x1x36x80xi32, #tpu.memory_space<hbm>>
        %dma_start3A_25 = tpu.memref_squeeze %dma_start3A_24 : memref<1x1x1x36x80xi32, #tpu.memory_space<hbm>> -> memref<36x80xi32, #tpu.memory_space<hbm>>
        tpu.enqueue_dma source(%dma_start3A_25 : memref<36x80xi32, #tpu.memory_space<hbm>>) target(%arg7 : memref<36x80xi32, #tpu.memory_space<vmem>>) target_semaphore(%run_scoped3A : memref<!tpu.dma_semaphore, #tpu.memory_space<semaphore_mem>>)
        %dma_wait3A = arith.constant 0 : i32
        %dma_wait3A_26 = arith.constant 0 : i32
        %dma_wait3A_27 = tpu.memref_slice %arg3[%arg0, %arg1, %scan3A_13, %dma_wait3A, %dma_wait3A_26] : memref<2x16x16x36x80xi32, #tpu.memory_space<hbm>> -> memref<1x1x1x36x80xi32, #tpu.memory_space<hbm>>
        %dma_wait3A_28 = tpu.memref_squeeze %dma_wait3A_27 : memref<1x1x1x36x80xi32, #tpu.memory_space<hbm>> -> memref<36x80xi32, #tpu.memory_space<hbm>>
        %dma_wait3A_29 = arith.constant 0 : i32
        %dma_wait3A_30 = arith.constant 0 : i32
        %dma_wait3A_31 = tpu.memref_slice %arg3[%arg0, %arg1, %scan3A_13, %dma_wait3A_29, %dma_wait3A_30] : memref<2x16x16x36x80xi32, #tpu.memory_space<hbm>> -> memref<1x1x1x36x80xi32, #tpu.memory_space<hbm>>
        %dma_wait3A_32 = tpu.memref_squeeze %dma_wait3A_31 : memref<1x1x1x36x80xi32, #tpu.memory_space<hbm>> -> memref<36x80xi32, #tpu.memory_space<hbm>>
        tpu.wait_dma2 semaphore(%run_scoped3A : memref<!tpu.dma_semaphore, #tpu.memory_space<semaphore_mem>>) src(%dma_wait3A_32 : memref<36x80xi32, #tpu.memory_space<hbm>>) dst(%arg7 : memref<36x80xi32, #tpu.memory_space<vmem>>)
        tpu.yield
      }) : () -> ()
      "tpu.region"() ({
        %run_scoped3A = tpu.sem_alloc : memref<!tpu.dma_semaphore, #tpu.memory_space<semaphore_mem>>
        %dma_start3A = arith.constant 0 : i32
        %dma_start3A_19 = arith.constant 0 : i32
        %dma_start3A_20 = tpu.memref_slice %arg4[%arg1, %scan3A_13, %dma_start3A, %dma_start3A_19] : memref<16x16x36x80xi32, #tpu.memory_space<hbm>> -> memref<1x1x36x80xi32, #tpu.memory_space<hbm>>
        %dma_start3A_21 = tpu.memref_squeeze %dma_start3A_20 : memref<1x1x36x80xi32, #tpu.memory_space<hbm>> -> memref<36x80xi32, #tpu.memory_space<hbm>>
        %dma_start3A_22 = arith.constant 0 : i32
        %dma_start3A_23 = arith.constant 0 : i32
        %dma_start3A_24 = tpu.memref_slice %arg4[%arg1, %scan3A_13, %dma_start3A_22, %dma_start3A_23] : memref<16x16x36x80xi32, #tpu.memory_space<hbm>> -> memref<1x1x36x80xi32, #tpu.memory_space<hbm>>
        %dma_start3A_25 = tpu.memref_squeeze %dma_start3A_24 : memref<1x1x36x80xi32, #tpu.memory_space<hbm>> -> memref<36x80xi32, #tpu.memory_space<hbm>>
        tpu.enqueue_dma source(%dma_start3A_25 : memref<36x80xi32, #tpu.memory_space<hbm>>) target(%arg8 : memref<36x80xi32, #tpu.memory_space<vmem>>) target_semaphore(%run_scoped3A : memref<!tpu.dma_semaphore, #tpu.memory_space<semaphore_mem>>)
        %dma_wait3A = arith.constant 0 : i32
        %dma_wait3A_26 = arith.constant 0 : i32
        %dma_wait3A_27 = tpu.memref_slice %arg4[%arg1, %scan3A_13, %dma_wait3A, %dma_wait3A_26] : memref<16x16x36x80xi32, #tpu.memory_space<hbm>> -> memref<1x1x36x80xi32, #tpu.memory_space<hbm>>
        %dma_wait3A_28 = tpu.memref_squeeze %dma_wait3A_27 : memref<1x1x36x80xi32, #tpu.memory_space<hbm>> -> memref<36x80xi32, #tpu.memory_space<hbm>>
        %dma_wait3A_29 = arith.constant 0 : i32
        %dma_wait3A_30 = arith.constant 0 : i32
        %dma_wait3A_31 = tpu.memref_slice %arg4[%arg1, %scan3A_13, %dma_wait3A_29, %dma_wait3A_30] : memref<16x16x36x80xi32, #tpu.memory_space<hbm>> -> memref<1x1x36x80xi32, #tpu.memory_space<hbm>>
        %dma_wait3A_32 = tpu.memref_squeeze %dma_wait3A_31 : memref<1x1x36x80xi32, #tpu.memory_space<hbm>> -> memref<36x80xi32, #tpu.memory_space<hbm>>
        tpu.wait_dma2 semaphore(%run_scoped3A : memref<!tpu.dma_semaphore, #tpu.memory_space<semaphore_mem>>) src(%dma_wait3A_32 : memref<36x80xi32, #tpu.memory_space<hbm>>) dst(%arg8 : memref<36x80xi32, #tpu.memory_space<vmem>>)
        tpu.yield
      }) : () -> ()
      %scan3A_14 = arith.constant 0 : i32
      %scan3A_15 = arith.constant 36 : i32
      %scan3A_16 = arith.addi %scan3A_14, %scan3A_15 : i32
      %scan3A_17 = arith.constant 1 : i32
      scf.for %scan3A_19 = %scan3A_14 to %scan3A_16 step %scan3A_17  : i32 {
        %dma_start3A = arith.constant 0 : i32
        %dma_start3A_20 = tpu.memref_slice %arg7[%scan3A_19, %dma_start3A] : memref<36x80xi32, #tpu.memory_space<vmem>> -> memref<1x80xi32, #tpu.memory_space<vmem>>
        %dma_start3A_21 = tpu.memref_squeeze %dma_start3A_20 : memref<1x80xi32, #tpu.memory_space<vmem>> -> memref<80xi32, #tpu.memory_space<vmem>>
        %dma_start3A_22 = arith.constant 0 : i32
        %dma_start3A_23 = arith.constant 0 : i32
        %dma_start3A_24 = tpu.memref_slice %arg2[%dma_start3A_22, %dma_start3A_23] : memref<20000x128xf32, #tpu.memory_space<hbm>> -> memref<20000x128xf32, #tpu.memory_space<hbm>>
        tpu.enqueue_indirect_dma source(%dma_start3A_24 : memref<20000x128xf32, #tpu.memory_space<hbm>>) target(%arg9 : memref<80x128xf32, #tpu.memory_space<vmem>>) offsets(%dma_start3A_21 : memref<80xi32, #tpu.memory_space<vmem>>) semaphore(%arg11 : memref<!tpu.dma_semaphore, #tpu.memory_space<semaphore_mem>>)
        %dma_wait3A = arith.constant 0 : i32
        %dma_wait3A_25 = tpu.memref_slice %arg7[%scan3A_19, %dma_wait3A] : memref<36x80xi32, #tpu.memory_space<vmem>> -> memref<1x80xi32, #tpu.memory_space<vmem>>
        %dma_wait3A_26 = tpu.memref_squeeze %dma_wait3A_25 : memref<1x80xi32, #tpu.memory_space<vmem>> -> memref<80xi32, #tpu.memory_space<vmem>>
        %dma_wait3A_27 = arith.constant 0 : i32
        %dma_wait3A_28 = arith.constant 0 : i32
        %dma_wait3A_29 = tpu.memref_slice %arg2[%dma_wait3A_27, %dma_wait3A_28] : memref<20000x128xf32, #tpu.memory_space<hbm>> -> memref<20000x128xf32, #tpu.memory_space<hbm>>
        tpu.wait_indirect_dma semaphore(%arg11 : memref<!tpu.dma_semaphore, #tpu.memory_space<semaphore_mem>>) src(%dma_wait3A_29 : memref<20000x128xf32, #tpu.memory_space<hbm>>) dst(%arg9 : memref<80x128xf32, #tpu.memory_space<vmem>>)
        "tpu.region"() ({
          %run_scoped3A = tpu.sem_alloc : memref<!tpu.dma_semaphore, #tpu.memory_space<semaphore_mem>>
          %dma_start3A_30 = arith.constant 0 : i32
          %dma_start3A_31 = tpu.memref_slice %arg8[%scan3A_19, %dma_start3A_30] : memref<36x80xi32, #tpu.memory_space<vmem>> -> memref<1x80xi32, #tpu.memory_space<vmem>>
          %dma_start3A_32 = tpu.memref_squeeze %dma_start3A_31 : memref<1x80xi32, #tpu.memory_space<vmem>> -> memref<80xi32, #tpu.memory_space<vmem>>
          %dma_start3A_33 = arith.constant 0 : i32
          %dma_start3A_34 = arith.constant 0 : i32
          %dma_start3A_35 = tpu.memref_slice %arg10[%dma_start3A_33, %dma_start3A_34] : memref<10240x128xf32, #tpu.memory_space<vmem_shared>> -> memref<10240x128xf32, #tpu.memory_space<vmem_shared>>
          tpu.enqueue_indirect_dma source(%arg9 : memref<80x128xf32, #tpu.memory_space<vmem>>) target(%dma_start3A_35 : memref<10240x128xf32, #tpu.memory_space<vmem_shared>>) offsets(%dma_start3A_32 : memref<80xi32, #tpu.memory_space<vmem>>) semaphore(%run_scoped3A : memref<!tpu.dma_semaphore, #tpu.memory_space<semaphore_mem>>) {add = true}
          %dma_wait3A_36 = arith.constant 0 : i32
          %dma_wait3A_37 = tpu.memref_slice %arg8[%scan3A_19, %dma_wait3A_36] : memref<36x80xi32, #tpu.memory_space<vmem>> -> memref<1x80xi32, #tpu.memory_space<vmem>>
          %dma_wait3A_38 = tpu.memref_squeeze %dma_wait3A_37 : memref<1x80xi32, #tpu.memory_space<vmem>> -> memref<80xi32, #tpu.memory_space<vmem>>
          %dma_wait3A_39 = arith.constant 0 : i32
          %dma_wait3A_40 = arith.constant 0 : i32
          %dma_wait3A_41 = tpu.memref_slice %arg10[%dma_wait3A_39, %dma_wait3A_40] : memref<10240x128xf32, #tpu.memory_space<vmem_shared>> -> memref<10240x128xf32, #tpu.memory_space<vmem_shared>>
          tpu.wait_indirect_dma semaphore(%run_scoped3A : memref<!tpu.dma_semaphore, #tpu.memory_space<semaphore_mem>>) src(%arg9 : memref<80x128xf32, #tpu.memory_space<vmem>>) dst(%dma_wait3A_41 : memref<10240x128xf32, #tpu.memory_space<vmem_shared>>)
          tpu.yield
        }) : () -> ()
      }
      %scan3A_18 = arith.constant 36 : i32
    }
    %scan3A_5 = arith.constant 16 : i32
    %barrier3A_6 = arith.constant 0 : index
    tpu.barrier barrier_id(%barrier3A_6)
    %lt3A = arith.constant 15 : i32
    %lt3A_7 = arith.cmpi slt, %arg1, %lt3A : i32
    %convert_element_type3A = arith.extui %lt3A_7 : i1 to i32
    %cond3A = arith.constant 0 : i32
    %cond3A_8 = arith.cmpi ne, %convert_element_type3A, %cond3A : i32
    scf.if %cond3A_8 {
      "tpu.region"() ({
        %run_scoped3A = tpu.sem_alloc : memref<!tpu.dma_semaphore, #tpu.memory_space<semaphore_mem>>
        %dma_start3A = arith.constant 0 : i32
        %dma_start3A_13 = tpu.memref_slice %arg6[%arg0, %mul3A_0, %dma_start3A] : memref<2x10000x128xf32, #tpu.memory_space<hbm>> -> memref<1x640x128xf32, #tpu.memory_space<hbm>>
        %dma_start3A_14 = tpu.memref_squeeze %dma_start3A_13 : memref<1x640x128xf32, #tpu.memory_space<hbm>> -> memref<640x128xf32, #tpu.memory_space<hbm>>
        %dma_start3A_15 = arith.constant 0 : i32
        %dma_start3A_16 = tpu.memref_slice %arg10[%mul3A_0, %dma_start3A_15] : memref<10240x128xf32, #tpu.memory_space<vmem_shared>> -> memref<640x128xf32, #tpu.memory_space<vmem_shared>>
        tpu.enqueue_dma source(%dma_start3A_16 : memref<640x128xf32, #tpu.memory_space<vmem_shared>>) target(%dma_start3A_14 : memref<640x128xf32, #tpu.memory_space<hbm>>) target_semaphore(%run_scoped3A : memref<!tpu.dma_semaphore, #tpu.memory_space<semaphore_mem>>)
        %dma_wait3A = arith.constant 0 : i32
        %dma_wait3A_17 = tpu.memref_slice %arg6[%arg0, %mul3A_0, %dma_wait3A] : memref<2x10000x128xf32, #tpu.memory_space<hbm>> -> memref<1x640x128xf32, #tpu.memory_space<hbm>>
        %dma_wait3A_18 = tpu.memref_squeeze %dma_wait3A_17 : memref<1x640x128xf32, #tpu.memory_space<hbm>> -> memref<640x128xf32, #tpu.memory_space<hbm>>
        %dma_wait3A_19 = arith.constant 0 : i32
        %dma_wait3A_20 = tpu.memref_slice %arg10[%mul3A_0, %dma_wait3A_19] : memref<10240x128xf32, #tpu.memory_space<vmem_shared>> -> memref<640x128xf32, #tpu.memory_space<vmem_shared>>
        tpu.wait_dma2 semaphore(%run_scoped3A : memref<!tpu.dma_semaphore, #tpu.memory_space<semaphore_mem>>) src(%dma_wait3A_20 : memref<640x128xf32, #tpu.memory_space<vmem_shared>>) dst(%dma_wait3A_18 : memref<640x128xf32, #tpu.memory_space<hbm>>)
        tpu.yield
      }) : () -> ()
    } else {
    }
    %eq3A = arith.constant 15 : i32
    %eq3A_9 = arith.cmpi eq, %arg1, %eq3A : i32
    %convert_element_type3A_10 = arith.extui %eq3A_9 : i1 to i32
    %cond3A_11 = arith.constant 0 : i32
    %cond3A_12 = arith.cmpi ne, %convert_element_type3A_10, %cond3A_11 : i32
    scf.if %cond3A_12 {
      "tpu.region"() ({
        %run_scoped3A = tpu.sem_alloc : memref<!tpu.dma_semaphore, #tpu.memory_space<semaphore_mem>>
        %dma_start3A = arith.constant 0 : i32
        %dma_start3A_13 = tpu.memref_slice %arg6[%arg0, %mul3A_0, %dma_start3A] : memref<2x10000x128xf32, #tpu.memory_space<hbm>> -> memref<1x400x128xf32, #tpu.memory_space<hbm>>
        %dma_start3A_14 = tpu.memref_squeeze %dma_start3A_13 : memref<1x400x128xf32, #tpu.memory_space<hbm>> -> memref<400x128xf32, #tpu.memory_space<hbm>>
        %dma_start3A_15 = arith.constant 0 : i32
        %dma_start3A_16 = tpu.memref_slice %arg10[%mul3A_0, %dma_start3A_15] : memref<10240x128xf32, #tpu.memory_space<vmem_shared>> -> memref<400x128xf32, #tpu.memory_space<vmem_shared>>
        tpu.enqueue_dma source(%dma_start3A_16 : memref<400x128xf32, #tpu.memory_space<vmem_shared>>) target(%dma_start3A_14 : memref<400x128xf32, #tpu.memory_space<hbm>>) target_semaphore(%run_scoped3A : memref<!tpu.dma_semaphore, #tpu.memory_space<semaphore_mem>>)
        %dma_wait3A = arith.constant 0 : i32
        %dma_wait3A_17 = tpu.memref_slice %arg6[%arg0, %mul3A_0, %dma_wait3A] : memref<2x10000x128xf32, #tpu.memory_space<hbm>> -> memref<1x400x128xf32, #tpu.memory_space<hbm>>
        %dma_wait3A_18 = tpu.memref_squeeze %dma_wait3A_17 : memref<1x400x128xf32, #tpu.memory_space<hbm>> -> memref<400x128xf32, #tpu.memory_space<hbm>>
        %dma_wait3A_19 = arith.constant 0 : i32
        %dma_wait3A_20 = tpu.memref_slice %arg10[%mul3A_0, %dma_wait3A_19] : memref<10240x128xf32, #tpu.memory_space<vmem_shared>> -> memref<400x128xf32, #tpu.memory_space<vmem_shared>>
        tpu.wait_dma2 semaphore(%run_scoped3A : memref<!tpu.dma_semaphore, #tpu.memory_space<semaphore_mem>>) src(%dma_wait3A_20 : memref<400x128xf32, #tpu.memory_space<vmem_shared>>) dst(%dma_wait3A_18 : memref<400x128xf32, #tpu.memory_space<hbm>>)
        tpu.yield
      }) : () -> ()
    } else {
    }
    return
  }
}

#map = affine_map<(d0, d1) -> (0, 0)>
#map1 = affine_map<(d0, d1) -> (0, 0, 0, 0, 0)>
#map2 = affine_map<(d0, d1) -> (0, 0, 0, 0)>
#map3 = affine_map<(d0, d1) -> (0, 0, 0)>
module attributes {stable_mosaic.version = 14 : i64} {
  func.func @sc_agg(%arg0: i32, %arg1: i32, %arg2: memref<20000x128xf32, #tpu.memory_space<hbm>>, %arg3: memref<2x16x16x36x80xi32, #tpu.memory_space<hbm>>, %arg4: memref<16x16x36x80xi32, #tpu.memory_space<hbm>>, %arg5: memref<640x128xf32, #tpu.memory_space<hbm>>, %arg6: memref<2x10000x128xf32, #tpu.memory_space<hbm>>, %arg7: memref<36x80xi32, #tpu.memory_space<vmem>>, %arg8: memref<36x80xi32, #tpu.memory_space<vmem>>, %arg9: memref<80x128xf32, #tpu.memory_space<vmem>>, %arg10: memref<10240x128xf32, #tpu.memory_space<vmem_shared>>, %arg11: memref<!tpu.dma_semaphore, #tpu.memory_space<semaphore_mem>>) attributes {dimension_semantics = [#tpu.dimension_semantics<core_parallel>, #tpu.dimension_semantics<subcore_parallel>], iteration_bounds = array<i64: 2, 16>, scalar_prefetch = 0 : i64, scratch_operands = 5 : i64, tpu.core_type = #tpu.core_type<sc_vector_subcore>, window_params = [{transform_indices = #map}, {transform_indices = #map1}, {transform_indices = #map2}, {transform_indices = #map}, {transform_indices = #map3}]} {
    %mul3A = arith.constant 640 : i32
    %mul3A_0 = arith.muli %arg1, %mul3A : i32
    "tpu.region"() ({
      %run_scoped3A = tpu.sem_alloc : memref<!tpu.dma_semaphore, #tpu.memory_space<semaphore_mem>>
      %dma_start3A = arith.constant 0 : i32
      %dma_start3A_13 = tpu.memref_slice %arg10[%mul3A_0, %dma_start3A] : memref<10240x128xf32, #tpu.memory_space<vmem_shared>> -> memref<640x128xf32, #tpu.memory_space<vmem_shared>>
      tpu.enqueue_dma source(%arg5 : memref<640x128xf32, #tpu.memory_space<hbm>>) target(%dma_start3A_13 : memref<640x128xf32, #tpu.memory_space<vmem_shared>>) target_semaphore(%run_scoped3A : memref<!tpu.dma_semaphore, #tpu.memory_space<semaphore_mem>>)
      %dma_wait3A = arith.constant 0 : i32
      %dma_wait3A_14 = tpu.memref_slice %arg10[%mul3A_0, %dma_wait3A] : memref<10240x128xf32, #tpu.memory_space<vmem_shared>> -> memref<640x128xf32, #tpu.memory_space<vmem_shared>>
      tpu.wait_dma2 semaphore(%run_scoped3A : memref<!tpu.dma_semaphore, #tpu.memory_space<semaphore_mem>>) src(%arg5 : memref<640x128xf32, #tpu.memory_space<hbm>>) dst(%dma_wait3A_14 : memref<640x128xf32, #tpu.memory_space<vmem_shared>>)
      tpu.yield
    }) : () -> ()
    %barrier3A = arith.constant 0 : index
    tpu.barrier barrier_id(%barrier3A)
    %scan3A = arith.constant 0 : i32
    %scan3A_1 = arith.constant 0 : i32
    %scan3A_2 = arith.constant 16 : i32
    %scan3A_3 = arith.addi %scan3A_1, %scan3A_2 : i32
    %scan3A_4 = arith.constant 1 : i32
    scf.for %scan3A_13 = %scan3A_1 to %scan3A_3 step %scan3A_4  : i32 {
      "tpu.region"() ({
        %run_scoped3A = tpu.sem_alloc : memref<!tpu.dma_semaphore, #tpu.memory_space<semaphore_mem>>
        %dma_start3A = arith.constant 0 : i32
        %dma_start3A_19 = arith.constant 0 : i32
        %dma_start3A_20 = tpu.memref_slice %arg3[%arg0, %arg1, %scan3A_13, %dma_start3A, %dma_start3A_19] : memref<2x16x16x36x80xi32, #tpu.memory_space<hbm>> -> memref<1x1x1x36x80xi32, #tpu.memory_space<hbm>>
        %dma_start3A_21 = tpu.memref_squeeze %dma_start3A_20 : memref<1x1x1x36x80xi32, #tpu.memory_space<hbm>> -> memref<36x80xi32, #tpu.memory_space<hbm>>
        %dma_start3A_22 = arith.constant 0 : i32
        %dma_start3A_23 = arith.constant 0 : i32
        %dma_start3A_24 = tpu.memref_slice %arg3[%arg0, %arg1, %scan3A_13, %dma_start3A_22, %dma_start3A_23] : memref<2x16x16x36x80xi32, #tpu.memory_space<hbm>> -> memref<1x1x1x36x80xi32, #tpu.memory_space<hbm>>
        %dma_start3A_25 = tpu.memref_squeeze %dma_start3A_24 : memref<1x1x1x36x80xi32, #tpu.memory_space<hbm>> -> memref<36x80xi32, #tpu.memory_space<hbm>>
        tpu.enqueue_dma source(%dma_start3A_25 : memref<36x80xi32, #tpu.memory_space<hbm>>) target(%arg7 : memref<36x80xi32, #tpu.memory_space<vmem>>) target_semaphore(%run_scoped3A : memref<!tpu.dma_semaphore, #tpu.memory_space<semaphore_mem>>)
        %dma_wait3A = arith.constant 0 : i32
        %dma_wait3A_26 = arith.constant 0 : i32
        %dma_wait3A_27 = tpu.memref_slice %arg3[%arg0, %arg1, %scan3A_13, %dma_wait3A, %dma_wait3A_26] : memref<2x16x16x36x80xi32, #tpu.memory_space<hbm>> -> memref<1x1x1x36x80xi32, #tpu.memory_space<hbm>>
        %dma_wait3A_28 = tpu.memref_squeeze %dma_wait3A_27 : memref<1x1x1x36x80xi32, #tpu.memory_space<hbm>> -> memref<36x80xi32, #tpu.memory_space<hbm>>
        %dma_wait3A_29 = arith.constant 0 : i32
        %dma_wait3A_30 = arith.constant 0 : i32
        %dma_wait3A_31 = tpu.memref_slice %arg3[%arg0, %arg1, %scan3A_13, %dma_wait3A_29, %dma_wait3A_30] : memref<2x16x16x36x80xi32, #tpu.memory_space<hbm>> -> memref<1x1x1x36x80xi32, #tpu.memory_space<hbm>>
        %dma_wait3A_32 = tpu.memref_squeeze %dma_wait3A_31 : memref<1x1x1x36x80xi32, #tpu.memory_space<hbm>> -> memref<36x80xi32, #tpu.memory_space<hbm>>
        tpu.wait_dma2 semaphore(%run_scoped3A : memref<!tpu.dma_semaphore, #tpu.memory_space<semaphore_mem>>) src(%dma_wait3A_32 : memref<36x80xi32, #tpu.memory_space<hbm>>) dst(%arg7 : memref<36x80xi32, #tpu.memory_space<vmem>>)
        tpu.yield
      }) : () -> ()
      "tpu.region"() ({
        %run_scoped3A = tpu.sem_alloc : memref<!tpu.dma_semaphore, #tpu.memory_space<semaphore_mem>>
        %dma_start3A = arith.constant 0 : i32
        %dma_start3A_19 = arith.constant 0 : i32
        %dma_start3A_20 = tpu.memref_slice %arg4[%arg1, %scan3A_13, %dma_start3A, %dma_start3A_19] : memref<16x16x36x80xi32, #tpu.memory_space<hbm>> -> memref<1x1x36x80xi32, #tpu.memory_space<hbm>>
        %dma_start3A_21 = tpu.memref_squeeze %dma_start3A_20 : memref<1x1x36x80xi32, #tpu.memory_space<hbm>> -> memref<36x80xi32, #tpu.memory_space<hbm>>
        %dma_start3A_22 = arith.constant 0 : i32
        %dma_start3A_23 = arith.constant 0 : i32
        %dma_start3A_24 = tpu.memref_slice %arg4[%arg1, %scan3A_13, %dma_start3A_22, %dma_start3A_23] : memref<16x16x36x80xi32, #tpu.memory_space<hbm>> -> memref<1x1x36x80xi32, #tpu.memory_space<hbm>>
        %dma_start3A_25 = tpu.memref_squeeze %dma_start3A_24 : memref<1x1x36x80xi32, #tpu.memory_space<hbm>> -> memref<36x80xi32, #tpu.memory_space<hbm>>
        tpu.enqueue_dma source(%dma_start3A_25 : memref<36x80xi32, #tpu.memory_space<hbm>>) target(%arg8 : memref<36x80xi32, #tpu.memory_space<vmem>>) target_semaphore(%run_scoped3A : memref<!tpu.dma_semaphore, #tpu.memory_space<semaphore_mem>>)
        %dma_wait3A = arith.constant 0 : i32
        %dma_wait3A_26 = arith.constant 0 : i32
        %dma_wait3A_27 = tpu.memref_slice %arg4[%arg1, %scan3A_13, %dma_wait3A, %dma_wait3A_26] : memref<16x16x36x80xi32, #tpu.memory_space<hbm>> -> memref<1x1x36x80xi32, #tpu.memory_space<hbm>>
        %dma_wait3A_28 = tpu.memref_squeeze %dma_wait3A_27 : memref<1x1x36x80xi32, #tpu.memory_space<hbm>> -> memref<36x80xi32, #tpu.memory_space<hbm>>
        %dma_wait3A_29 = arith.constant 0 : i32
        %dma_wait3A_30 = arith.constant 0 : i32
        %dma_wait3A_31 = tpu.memref_slice %arg4[%arg1, %scan3A_13, %dma_wait3A_29, %dma_wait3A_30] : memref<16x16x36x80xi32, #tpu.memory_space<hbm>> -> memref<1x1x36x80xi32, #tpu.memory_space<hbm>>
        %dma_wait3A_32 = tpu.memref_squeeze %dma_wait3A_31 : memref<1x1x36x80xi32, #tpu.memory_space<hbm>> -> memref<36x80xi32, #tpu.memory_space<hbm>>
        tpu.wait_dma2 semaphore(%run_scoped3A : memref<!tpu.dma_semaphore, #tpu.memory_space<semaphore_mem>>) src(%dma_wait3A_32 : memref<36x80xi32, #tpu.memory_space<hbm>>) dst(%arg8 : memref<36x80xi32, #tpu.memory_space<vmem>>)
        tpu.yield
      }) : () -> ()
      %scan3A_14 = arith.constant 0 : i32
      %scan3A_15 = arith.constant 36 : i32
      %scan3A_16 = arith.addi %scan3A_14, %scan3A_15 : i32
      %scan3A_17 = arith.constant 1 : i32
      scf.for %scan3A_19 = %scan3A_14 to %scan3A_16 step %scan3A_17  : i32 {
        %dma_start3A = arith.constant 0 : i32
        %dma_start3A_20 = tpu.memref_slice %arg7[%scan3A_19, %dma_start3A] : memref<36x80xi32, #tpu.memory_space<vmem>> -> memref<1x80xi32, #tpu.memory_space<vmem>>
        %dma_start3A_21 = tpu.memref_squeeze %dma_start3A_20 : memref<1x80xi32, #tpu.memory_space<vmem>> -> memref<80xi32, #tpu.memory_space<vmem>>
        %dma_start3A_22 = arith.constant 0 : i32
        %dma_start3A_23 = arith.constant 0 : i32
        %dma_start3A_24 = tpu.memref_slice %arg2[%dma_start3A_22, %dma_start3A_23] : memref<20000x128xf32, #tpu.memory_space<hbm>> -> memref<20000x128xf32, #tpu.memory_space<hbm>>
        tpu.enqueue_indirect_dma source(%dma_start3A_24 : memref<20000x128xf32, #tpu.memory_space<hbm>>) target(%arg9 : memref<80x128xf32, #tpu.memory_space<vmem>>) offsets(%dma_start3A_21 : memref<80xi32, #tpu.memory_space<vmem>>) semaphore(%arg11 : memref<!tpu.dma_semaphore, #tpu.memory_space<semaphore_mem>>)
        %dma_wait3A = arith.constant 0 : i32
        %dma_wait3A_25 = tpu.memref_slice %arg7[%scan3A_19, %dma_wait3A] : memref<36x80xi32, #tpu.memory_space<vmem>> -> memref<1x80xi32, #tpu.memory_space<vmem>>
        %dma_wait3A_26 = tpu.memref_squeeze %dma_wait3A_25 : memref<1x80xi32, #tpu.memory_space<vmem>> -> memref<80xi32, #tpu.memory_space<vmem>>
        %dma_wait3A_27 = arith.constant 0 : i32
        %dma_wait3A_28 = arith.constant 0 : i32
        %dma_wait3A_29 = tpu.memref_slice %arg2[%dma_wait3A_27, %dma_wait3A_28] : memref<20000x128xf32, #tpu.memory_space<hbm>> -> memref<20000x128xf32, #tpu.memory_space<hbm>>
        tpu.wait_indirect_dma semaphore(%arg11 : memref<!tpu.dma_semaphore, #tpu.memory_space<semaphore_mem>>) src(%dma_wait3A_29 : memref<20000x128xf32, #tpu.memory_space<hbm>>) dst(%arg9 : memref<80x128xf32, #tpu.memory_space<vmem>>)
        "tpu.region"() ({
          %run_scoped3A = tpu.sem_alloc : memref<!tpu.dma_semaphore, #tpu.memory_space<semaphore_mem>>
          %dma_start3A_30 = arith.constant 0 : i32
          %dma_start3A_31 = tpu.memref_slice %arg8[%scan3A_19, %dma_start3A_30] : memref<36x80xi32, #tpu.memory_space<vmem>> -> memref<1x80xi32, #tpu.memory_space<vmem>>
          %dma_start3A_32 = tpu.memref_squeeze %dma_start3A_31 : memref<1x80xi32, #tpu.memory_space<vmem>> -> memref<80xi32, #tpu.memory_space<vmem>>
          %dma_start3A_33 = arith.constant 0 : i32
          %dma_start3A_34 = arith.constant 0 : i32
          %dma_start3A_35 = tpu.memref_slice %arg10[%dma_start3A_33, %dma_start3A_34] : memref<10240x128xf32, #tpu.memory_space<vmem_shared>> -> memref<10240x128xf32, #tpu.memory_space<vmem_shared>>
          tpu.enqueue_indirect_dma source(%arg9 : memref<80x128xf32, #tpu.memory_space<vmem>>) target(%dma_start3A_35 : memref<10240x128xf32, #tpu.memory_space<vmem_shared>>) offsets(%dma_start3A_32 : memref<80xi32, #tpu.memory_space<vmem>>) semaphore(%run_scoped3A : memref<!tpu.dma_semaphore, #tpu.memory_space<semaphore_mem>>) {add = true}
          %dma_wait3A_36 = arith.constant 0 : i32
          %dma_wait3A_37 = tpu.memref_slice %arg8[%scan3A_19, %dma_wait3A_36] : memref<36x80xi32, #tpu.memory_space<vmem>> -> memref<1x80xi32, #tpu.memory_space<vmem>>
          %dma_wait3A_38 = tpu.memref_squeeze %dma_wait3A_37 : memref<1x80xi32, #tpu.memory_space<vmem>> -> memref<80xi32, #tpu.memory_space<vmem>>
          %dma_wait3A_39 = arith.constant 0 : i32
          %dma_wait3A_40 = arith.constant 0 : i32
          %dma_wait3A_41 = tpu.memref_slice %arg10[%dma_wait3A_39, %dma_wait3A_40] : memref<10240x128xf32, #tpu.memory_space<vmem_shared>> -> memref<10240x128xf32, #tpu.memory_space<vmem_shared>>
          tpu.wait_indirect_dma semaphore(%run_scoped3A : memref<!tpu.dma_semaphore, #tpu.memory_space<semaphore_mem>>) src(%arg9 : memref<80x128xf32, #tpu.memory_space<vmem>>) dst(%dma_wait3A_41 : memref<10240x128xf32, #tpu.memory_space<vmem_shared>>)
          tpu.yield
        }) : () -> ()
      }
      %scan3A_18 = arith.constant 36 : i32
    }
    %scan3A_5 = arith.constant 16 : i32
    %barrier3A_6 = arith.constant 0 : index
    tpu.barrier barrier_id(%barrier3A_6)
    %lt3A = arith.constant 15 : i32
    %lt3A_7 = arith.cmpi slt, %arg1, %lt3A : i32
    %convert_element_type3A = arith.extui %lt3A_7 : i1 to i32
    %cond3A = arith.constant 0 : i32
    %cond3A_8 = arith.cmpi ne, %convert_element_type3A, %cond3A : i32
    scf.if %cond3A_8 {
      "tpu.region"() ({
        %run_scoped3A = tpu.sem_alloc : memref<!tpu.dma_semaphore, #tpu.memory_space<semaphore_mem>>
        %dma_start3A = arith.constant 0 : i32
        %dma_start3A_13 = tpu.memref_slice %arg6[%arg0, %mul3A_0, %dma_start3A] : memref<2x10000x128xf32, #tpu.memory_space<hbm>> -> memref<1x640x128xf32, #tpu.memory_space<hbm>>
        %dma_start3A_14 = tpu.memref_squeeze %dma_start3A_13 : memref<1x640x128xf32, #tpu.memory_space<hbm>> -> memref<640x128xf32, #tpu.memory_space<hbm>>
        %dma_start3A_15 = arith.constant 0 : i32
        %dma_start3A_16 = tpu.memref_slice %arg10[%mul3A_0, %dma_start3A_15] : memref<10240x128xf32, #tpu.memory_space<vmem_shared>> -> memref<640x128xf32, #tpu.memory_space<vmem_shared>>
        tpu.enqueue_dma source(%dma_start3A_16 : memref<640x128xf32, #tpu.memory_space<vmem_shared>>) target(%dma_start3A_14 : memref<640x128xf32, #tpu.memory_space<hbm>>) target_semaphore(%run_scoped3A : memref<!tpu.dma_semaphore, #tpu.memory_space<semaphore_mem>>)
        %dma_wait3A = arith.constant 0 : i32
        %dma_wait3A_17 = tpu.memref_slice %arg6[%arg0, %mul3A_0, %dma_wait3A] : memref<2x10000x128xf32, #tpu.memory_space<hbm>> -> memref<1x640x128xf32, #tpu.memory_space<hbm>>
        %dma_wait3A_18 = tpu.memref_squeeze %dma_wait3A_17 : memref<1x640x128xf32, #tpu.memory_space<hbm>> -> memref<640x128xf32, #tpu.memory_space<hbm>>
        %dma_wait3A_19 = arith.constant 0 : i32
        %dma_wait3A_20 = tpu.memref_slice %arg10[%mul3A_0, %dma_wait3A_19] : memref<10240x128xf32, #tpu.memory_space<vmem_shared>> -> memref<640x128xf32, #tpu.memory_space<vmem_shared>>
        tpu.wait_dma2 semaphore(%run_scoped3A : memref<!tpu.dma_semaphore, #tpu.memory_space<semaphore_mem>>) src(%dma_wait3A_20 : memref<640x128xf32, #tpu.memory_space<vmem_shared>>) dst(%dma_wait3A_18 : memref<640x128xf32, #tpu.memory_space<hbm>>)
        tpu.yield
      }) : () -> ()
    } else {
    }
    %eq3A = arith.constant 15 : i32
    %eq3A_9 = arith.cmpi eq, %arg1, %eq3A : i32
    %convert_element_type3A_10 = arith.extui %eq3A_9 : i1 to i32
    %cond3A_11 = arith.constant 0 : i32
    %cond3A_12 = arith.cmpi ne, %convert_element_type3A_10, %cond3A_11 : i32
    scf.if %cond3A_12 {
      "tpu.region"() ({
        %run_scoped3A = tpu.sem_alloc : memref<!tpu.dma_semaphore, #tpu.memory_space<semaphore_mem>>
        %dma_start3A = arith.constant 0 : i32
        %dma_start3A_13 = tpu.memref_slice %arg6[%arg0, %mul3A_0, %dma_start3A] : memref<2x10000x128xf32, #tpu.memory_space<hbm>> -> memref<1x400x128xf32, #tpu.memory_space<hbm>>
        %dma_start3A_14 = tpu.memref_squeeze %dma_start3A_13 : memref<1x400x128xf32, #tpu.memory_space<hbm>> -> memref<400x128xf32, #tpu.memory_space<hbm>>
        %dma_start3A_15 = arith.constant 0 : i32
        %dma_start3A_16 = tpu.memref_slice %arg10[%mul3A_0, %dma_start3A_15] : memref<10240x128xf32, #tpu.memory_space<vmem_shared>> -> memref<400x128xf32, #tpu.memory_space<vmem_shared>>
        tpu.enqueue_dma source(%dma_start3A_16 : memref<400x128xf32, #tpu.memory_space<vmem_shared>>) target(%dma_start3A_14 : memref<400x128xf32, #tpu.memory_space<hbm>>) target_semaphore(%run_scoped3A : memref<!tpu.dma_semaphore, #tpu.memory_space<semaphore_mem>>)
        %dma_wait3A = arith.constant 0 : i32
        %dma_wait3A_17 = tpu.memref_slice %arg6[%arg0, %mul3A_0, %dma_wait3A] : memref<2x10000x128xf32, #tpu.memory_space<hbm>> -> memref<1x400x128xf32, #tpu.memory_space<hbm>>
        %dma_wait3A_18 = tpu.memref_squeeze %dma_wait3A_17 : memref<1x400x128xf32, #tpu.memory_space<hbm>> -> memref<400x128xf32, #tpu.memory_space<hbm>>
        %dma_wait3A_19 = arith.constant 0 : i32
        %dma_wait3A_20 = tpu.memref_slice %arg10[%mul3A_0, %dma_wait3A_19] : memref<10240x128xf32, #tpu.memory_space<vmem_shared>> -> memref<400x128xf32, #tpu.memory_space<vmem_shared>>
        tpu.wait_dma2 semaphore(%run_scoped3A : memref<!tpu.dma_semaphore, #tpu.memory_space<semaphore_mem>>) src(%dma_wait3A_20 : memref<400x128xf32, #tpu.memory_space<vmem_shared>>) dst(%dma_wait3A_18 : memref<400x128xf32, #tpu.memory_space<hbm>>)
        tpu.yield
      }) : () -> ()
    } else {
    }
    return
  }
}

#map = affine_map<(d0, d1) -> (0, 0)>
#map1 = affine_map<(d0, d1) -> (0, 0, 0, 0, 0)>
#map2 = affine_map<(d0, d1) -> (0, 0, 0, 0)>
#map3 = affine_map<(d0, d1) -> (0, 0, 0)>
module attributes {stable_mosaic.version = 14 : i64} {
  func.func @sc_agg(%arg0: i32, %arg1: i32, %arg2: memref<20000x128xf32, #tpu.memory_space<hbm>>, %arg3: memref<2x16x16x36x80xi32, #tpu.memory_space<hbm>>, %arg4: memref<16x16x36x80xi32, #tpu.memory_space<hbm>>, %arg5: memref<640x128xf32, #tpu.memory_space<hbm>>, %arg6: memref<2x10000x128xf32, #tpu.memory_space<hbm>>, %arg7: memref<36x80xi32, #tpu.memory_space<vmem>>, %arg8: memref<36x80xi32, #tpu.memory_space<vmem>>, %arg9: memref<80x128xf32, #tpu.memory_space<vmem>>, %arg10: memref<10240x128xf32, #tpu.memory_space<vmem_shared>>, %arg11: memref<!tpu.dma_semaphore, #tpu.memory_space<semaphore_mem>>) attributes {dimension_semantics = [#tpu.dimension_semantics<core_parallel>, #tpu.dimension_semantics<subcore_parallel>], iteration_bounds = array<i64: 2, 16>, scalar_prefetch = 0 : i64, scratch_operands = 5 : i64, tpu.core_type = #tpu.core_type<sc_vector_subcore>, window_params = [{transform_indices = #map}, {transform_indices = #map1}, {transform_indices = #map2}, {transform_indices = #map}, {transform_indices = #map3}]} {
    %mul3A = arith.constant 640 : i32
    %mul3A_0 = arith.muli %arg1, %mul3A : i32
    "tpu.region"() ({
      %run_scoped3A = tpu.sem_alloc : memref<!tpu.dma_semaphore, #tpu.memory_space<semaphore_mem>>
      %dma_start3A = arith.constant 0 : i32
      %dma_start3A_13 = tpu.memref_slice %arg10[%mul3A_0, %dma_start3A] : memref<10240x128xf32, #tpu.memory_space<vmem_shared>> -> memref<640x128xf32, #tpu.memory_space<vmem_shared>>
      tpu.enqueue_dma source(%arg5 : memref<640x128xf32, #tpu.memory_space<hbm>>) target(%dma_start3A_13 : memref<640x128xf32, #tpu.memory_space<vmem_shared>>) target_semaphore(%run_scoped3A : memref<!tpu.dma_semaphore, #tpu.memory_space<semaphore_mem>>)
      %dma_wait3A = arith.constant 0 : i32
      %dma_wait3A_14 = tpu.memref_slice %arg10[%mul3A_0, %dma_wait3A] : memref<10240x128xf32, #tpu.memory_space<vmem_shared>> -> memref<640x128xf32, #tpu.memory_space<vmem_shared>>
      tpu.wait_dma2 semaphore(%run_scoped3A : memref<!tpu.dma_semaphore, #tpu.memory_space<semaphore_mem>>) src(%arg5 : memref<640x128xf32, #tpu.memory_space<hbm>>) dst(%dma_wait3A_14 : memref<640x128xf32, #tpu.memory_space<vmem_shared>>)
      tpu.yield
    }) : () -> ()
    %barrier3A = arith.constant 0 : index
    tpu.barrier barrier_id(%barrier3A)
    %scan3A = arith.constant 0 : i32
    %scan3A_1 = arith.constant 0 : i32
    %scan3A_2 = arith.constant 16 : i32
    %scan3A_3 = arith.addi %scan3A_1, %scan3A_2 : i32
    %scan3A_4 = arith.constant 1 : i32
    scf.for %scan3A_13 = %scan3A_1 to %scan3A_3 step %scan3A_4  : i32 {
      "tpu.region"() ({
        %run_scoped3A = tpu.sem_alloc : memref<!tpu.dma_semaphore, #tpu.memory_space<semaphore_mem>>
        %dma_start3A = arith.constant 0 : i32
        %dma_start3A_19 = arith.constant 0 : i32
        %dma_start3A_20 = tpu.memref_slice %arg3[%arg0, %arg1, %scan3A_13, %dma_start3A, %dma_start3A_19] : memref<2x16x16x36x80xi32, #tpu.memory_space<hbm>> -> memref<1x1x1x36x80xi32, #tpu.memory_space<hbm>>
        %dma_start3A_21 = tpu.memref_squeeze %dma_start3A_20 : memref<1x1x1x36x80xi32, #tpu.memory_space<hbm>> -> memref<36x80xi32, #tpu.memory_space<hbm>>
        %dma_start3A_22 = arith.constant 0 : i32
        %dma_start3A_23 = arith.constant 0 : i32
        %dma_start3A_24 = tpu.memref_slice %arg3[%arg0, %arg1, %scan3A_13, %dma_start3A_22, %dma_start3A_23] : memref<2x16x16x36x80xi32, #tpu.memory_space<hbm>> -> memref<1x1x1x36x80xi32, #tpu.memory_space<hbm>>
        %dma_start3A_25 = tpu.memref_squeeze %dma_start3A_24 : memref<1x1x1x36x80xi32, #tpu.memory_space<hbm>> -> memref<36x80xi32, #tpu.memory_space<hbm>>
        tpu.enqueue_dma source(%dma_start3A_25 : memref<36x80xi32, #tpu.memory_space<hbm>>) target(%arg7 : memref<36x80xi32, #tpu.memory_space<vmem>>) target_semaphore(%run_scoped3A : memref<!tpu.dma_semaphore, #tpu.memory_space<semaphore_mem>>)
        %dma_wait3A = arith.constant 0 : i32
        %dma_wait3A_26 = arith.constant 0 : i32
        %dma_wait3A_27 = tpu.memref_slice %arg3[%arg0, %arg1, %scan3A_13, %dma_wait3A, %dma_wait3A_26] : memref<2x16x16x36x80xi32, #tpu.memory_space<hbm>> -> memref<1x1x1x36x80xi32, #tpu.memory_space<hbm>>
        %dma_wait3A_28 = tpu.memref_squeeze %dma_wait3A_27 : memref<1x1x1x36x80xi32, #tpu.memory_space<hbm>> -> memref<36x80xi32, #tpu.memory_space<hbm>>
        %dma_wait3A_29 = arith.constant 0 : i32
        %dma_wait3A_30 = arith.constant 0 : i32
        %dma_wait3A_31 = tpu.memref_slice %arg3[%arg0, %arg1, %scan3A_13, %dma_wait3A_29, %dma_wait3A_30] : memref<2x16x16x36x80xi32, #tpu.memory_space<hbm>> -> memref<1x1x1x36x80xi32, #tpu.memory_space<hbm>>
        %dma_wait3A_32 = tpu.memref_squeeze %dma_wait3A_31 : memref<1x1x1x36x80xi32, #tpu.memory_space<hbm>> -> memref<36x80xi32, #tpu.memory_space<hbm>>
        tpu.wait_dma2 semaphore(%run_scoped3A : memref<!tpu.dma_semaphore, #tpu.memory_space<semaphore_mem>>) src(%dma_wait3A_32 : memref<36x80xi32, #tpu.memory_space<hbm>>) dst(%arg7 : memref<36x80xi32, #tpu.memory_space<vmem>>)
        tpu.yield
      }) : () -> ()
      "tpu.region"() ({
        %run_scoped3A = tpu.sem_alloc : memref<!tpu.dma_semaphore, #tpu.memory_space<semaphore_mem>>
        %dma_start3A = arith.constant 0 : i32
        %dma_start3A_19 = arith.constant 0 : i32
        %dma_start3A_20 = tpu.memref_slice %arg4[%arg1, %scan3A_13, %dma_start3A, %dma_start3A_19] : memref<16x16x36x80xi32, #tpu.memory_space<hbm>> -> memref<1x1x36x80xi32, #tpu.memory_space<hbm>>
        %dma_start3A_21 = tpu.memref_squeeze %dma_start3A_20 : memref<1x1x36x80xi32, #tpu.memory_space<hbm>> -> memref<36x80xi32, #tpu.memory_space<hbm>>
        %dma_start3A_22 = arith.constant 0 : i32
        %dma_start3A_23 = arith.constant 0 : i32
        %dma_start3A_24 = tpu.memref_slice %arg4[%arg1, %scan3A_13, %dma_start3A_22, %dma_start3A_23] : memref<16x16x36x80xi32, #tpu.memory_space<hbm>> -> memref<1x1x36x80xi32, #tpu.memory_space<hbm>>
        %dma_start3A_25 = tpu.memref_squeeze %dma_start3A_24 : memref<1x1x36x80xi32, #tpu.memory_space<hbm>> -> memref<36x80xi32, #tpu.memory_space<hbm>>
        tpu.enqueue_dma source(%dma_start3A_25 : memref<36x80xi32, #tpu.memory_space<hbm>>) target(%arg8 : memref<36x80xi32, #tpu.memory_space<vmem>>) target_semaphore(%run_scoped3A : memref<!tpu.dma_semaphore, #tpu.memory_space<semaphore_mem>>)
        %dma_wait3A = arith.constant 0 : i32
        %dma_wait3A_26 = arith.constant 0 : i32
        %dma_wait3A_27 = tpu.memref_slice %arg4[%arg1, %scan3A_13, %dma_wait3A, %dma_wait3A_26] : memref<16x16x36x80xi32, #tpu.memory_space<hbm>> -> memref<1x1x36x80xi32, #tpu.memory_space<hbm>>
        %dma_wait3A_28 = tpu.memref_squeeze %dma_wait3A_27 : memref<1x1x36x80xi32, #tpu.memory_space<hbm>> -> memref<36x80xi32, #tpu.memory_space<hbm>>
        %dma_wait3A_29 = arith.constant 0 : i32
        %dma_wait3A_30 = arith.constant 0 : i32
        %dma_wait3A_31 = tpu.memref_slice %arg4[%arg1, %scan3A_13, %dma_wait3A_29, %dma_wait3A_30] : memref<16x16x36x80xi32, #tpu.memory_space<hbm>> -> memref<1x1x36x80xi32, #tpu.memory_space<hbm>>
        %dma_wait3A_32 = tpu.memref_squeeze %dma_wait3A_31 : memref<1x1x36x80xi32, #tpu.memory_space<hbm>> -> memref<36x80xi32, #tpu.memory_space<hbm>>
        tpu.wait_dma2 semaphore(%run_scoped3A : memref<!tpu.dma_semaphore, #tpu.memory_space<semaphore_mem>>) src(%dma_wait3A_32 : memref<36x80xi32, #tpu.memory_space<hbm>>) dst(%arg8 : memref<36x80xi32, #tpu.memory_space<vmem>>)
        tpu.yield
      }) : () -> ()
      %scan3A_14 = arith.constant 0 : i32
      %scan3A_15 = arith.constant 36 : i32
      %scan3A_16 = arith.addi %scan3A_14, %scan3A_15 : i32
      %scan3A_17 = arith.constant 1 : i32
      scf.for %scan3A_19 = %scan3A_14 to %scan3A_16 step %scan3A_17  : i32 {
        %dma_start3A = arith.constant 0 : i32
        %dma_start3A_20 = tpu.memref_slice %arg7[%scan3A_19, %dma_start3A] : memref<36x80xi32, #tpu.memory_space<vmem>> -> memref<1x80xi32, #tpu.memory_space<vmem>>
        %dma_start3A_21 = tpu.memref_squeeze %dma_start3A_20 : memref<1x80xi32, #tpu.memory_space<vmem>> -> memref<80xi32, #tpu.memory_space<vmem>>
        %dma_start3A_22 = arith.constant 0 : i32
        %dma_start3A_23 = arith.constant 0 : i32
        %dma_start3A_24 = tpu.memref_slice %arg2[%dma_start3A_22, %dma_start3A_23] : memref<20000x128xf32, #tpu.memory_space<hbm>> -> memref<20000x128xf32, #tpu.memory_space<hbm>>
        tpu.enqueue_indirect_dma source(%dma_start3A_24 : memref<20000x128xf32, #tpu.memory_space<hbm>>) target(%arg9 : memref<80x128xf32, #tpu.memory_space<vmem>>) offsets(%dma_start3A_21 : memref<80xi32, #tpu.memory_space<vmem>>) semaphore(%arg11 : memref<!tpu.dma_semaphore, #tpu.memory_space<semaphore_mem>>)
        %dma_wait3A = arith.constant 0 : i32
        %dma_wait3A_25 = tpu.memref_slice %arg7[%scan3A_19, %dma_wait3A] : memref<36x80xi32, #tpu.memory_space<vmem>> -> memref<1x80xi32, #tpu.memory_space<vmem>>
        %dma_wait3A_26 = tpu.memref_squeeze %dma_wait3A_25 : memref<1x80xi32, #tpu.memory_space<vmem>> -> memref<80xi32, #tpu.memory_space<vmem>>
        %dma_wait3A_27 = arith.constant 0 : i32
        %dma_wait3A_28 = arith.constant 0 : i32
        %dma_wait3A_29 = tpu.memref_slice %arg2[%dma_wait3A_27, %dma_wait3A_28] : memref<20000x128xf32, #tpu.memory_space<hbm>> -> memref<20000x128xf32, #tpu.memory_space<hbm>>
        tpu.wait_indirect_dma semaphore(%arg11 : memref<!tpu.dma_semaphore, #tpu.memory_space<semaphore_mem>>) src(%dma_wait3A_29 : memref<20000x128xf32, #tpu.memory_space<hbm>>) dst(%arg9 : memref<80x128xf32, #tpu.memory_space<vmem>>)
        "tpu.region"() ({
          %run_scoped3A = tpu.sem_alloc : memref<!tpu.dma_semaphore, #tpu.memory_space<semaphore_mem>>
          %dma_start3A_30 = arith.constant 0 : i32
          %dma_start3A_31 = tpu.memref_slice %arg8[%scan3A_19, %dma_start3A_30] : memref<36x80xi32, #tpu.memory_space<vmem>> -> memref<1x80xi32, #tpu.memory_space<vmem>>
          %dma_start3A_32 = tpu.memref_squeeze %dma_start3A_31 : memref<1x80xi32, #tpu.memory_space<vmem>> -> memref<80xi32, #tpu.memory_space<vmem>>
          %dma_start3A_33 = arith.constant 0 : i32
          %dma_start3A_34 = arith.constant 0 : i32
          %dma_start3A_35 = tpu.memref_slice %arg10[%dma_start3A_33, %dma_start3A_34] : memref<10240x128xf32, #tpu.memory_space<vmem_shared>> -> memref<10240x128xf32, #tpu.memory_space<vmem_shared>>
          tpu.enqueue_indirect_dma source(%arg9 : memref<80x128xf32, #tpu.memory_space<vmem>>) target(%dma_start3A_35 : memref<10240x128xf32, #tpu.memory_space<vmem_shared>>) offsets(%dma_start3A_32 : memref<80xi32, #tpu.memory_space<vmem>>) semaphore(%run_scoped3A : memref<!tpu.dma_semaphore, #tpu.memory_space<semaphore_mem>>) {add = true}
          %dma_wait3A_36 = arith.constant 0 : i32
          %dma_wait3A_37 = tpu.memref_slice %arg8[%scan3A_19, %dma_wait3A_36] : memref<36x80xi32, #tpu.memory_space<vmem>> -> memref<1x80xi32, #tpu.memory_space<vmem>>
          %dma_wait3A_38 = tpu.memref_squeeze %dma_wait3A_37 : memref<1x80xi32, #tpu.memory_space<vmem>> -> memref<80xi32, #tpu.memory_space<vmem>>
          %dma_wait3A_39 = arith.constant 0 : i32
          %dma_wait3A_40 = arith.constant 0 : i32
          %dma_wait3A_41 = tpu.memref_slice %arg10[%dma_wait3A_39, %dma_wait3A_40] : memref<10240x128xf32, #tpu.memory_space<vmem_shared>> -> memref<10240x128xf32, #tpu.memory_space<vmem_shared>>
          tpu.wait_indirect_dma semaphore(%run_scoped3A : memref<!tpu.dma_semaphore, #tpu.memory_space<semaphore_mem>>) src(%arg9 : memref<80x128xf32, #tpu.memory_space<vmem>>) dst(%dma_wait3A_41 : memref<10240x128xf32, #tpu.memory_space<vmem_shared>>)
          tpu.yield
        }) : () -> ()
      }
      %scan3A_18 = arith.constant 36 : i32
    }
    %scan3A_5 = arith.constant 16 : i32
    %barrier3A_6 = arith.constant 0 : index
    tpu.barrier barrier_id(%barrier3A_6)
    %lt3A = arith.constant 15 : i32
    %lt3A_7 = arith.cmpi slt, %arg1, %lt3A : i32
    %convert_element_type3A = arith.extui %lt3A_7 : i1 to i32
    %cond3A = arith.constant 0 : i32
    %cond3A_8 = arith.cmpi ne, %convert_element_type3A, %cond3A : i32
    scf.if %cond3A_8 {
      "tpu.region"() ({
        %run_scoped3A = tpu.sem_alloc : memref<!tpu.dma_semaphore, #tpu.memory_space<semaphore_mem>>
        %dma_start3A = arith.constant 0 : i32
        %dma_start3A_13 = tpu.memref_slice %arg6[%arg0, %mul3A_0, %dma_start3A] : memref<2x10000x128xf32, #tpu.memory_space<hbm>> -> memref<1x640x128xf32, #tpu.memory_space<hbm>>
        %dma_start3A_14 = tpu.memref_squeeze %dma_start3A_13 : memref<1x640x128xf32, #tpu.memory_space<hbm>> -> memref<640x128xf32, #tpu.memory_space<hbm>>
        %dma_start3A_15 = arith.constant 0 : i32
        %dma_start3A_16 = tpu.memref_slice %arg10[%mul3A_0, %dma_start3A_15] : memref<10240x128xf32, #tpu.memory_space<vmem_shared>> -> memref<640x128xf32, #tpu.memory_space<vmem_shared>>
        tpu.enqueue_dma source(%dma_start3A_16 : memref<640x128xf32, #tpu.memory_space<vmem_shared>>) target(%dma_start3A_14 : memref<640x128xf32, #tpu.memory_space<hbm>>) target_semaphore(%run_scoped3A : memref<!tpu.dma_semaphore, #tpu.memory_space<semaphore_mem>>)
        %dma_wait3A = arith.constant 0 : i32
        %dma_wait3A_17 = tpu.memref_slice %arg6[%arg0, %mul3A_0, %dma_wait3A] : memref<2x10000x128xf32, #tpu.memory_space<hbm>> -> memref<1x640x128xf32, #tpu.memory_space<hbm>>
        %dma_wait3A_18 = tpu.memref_squeeze %dma_wait3A_17 : memref<1x640x128xf32, #tpu.memory_space<hbm>> -> memref<640x128xf32, #tpu.memory_space<hbm>>
        %dma_wait3A_19 = arith.constant 0 : i32
        %dma_wait3A_20 = tpu.memref_slice %arg10[%mul3A_0, %dma_wait3A_19] : memref<10240x128xf32, #tpu.memory_space<vmem_shared>> -> memref<640x128xf32, #tpu.memory_space<vmem_shared>>
        tpu.wait_dma2 semaphore(%run_scoped3A : memref<!tpu.dma_semaphore, #tpu.memory_space<semaphore_mem>>) src(%dma_wait3A_20 : memref<640x128xf32, #tpu.memory_space<vmem_shared>>) dst(%dma_wait3A_18 : memref<640x128xf32, #tpu.memory_space<hbm>>)
        tpu.yield
      }) : () -> ()
    } else {
    }
    %eq3A = arith.constant 15 : i32
    %eq3A_9 = arith.cmpi eq, %arg1, %eq3A : i32
    %convert_element_type3A_10 = arith.extui %eq3A_9 : i1 to i32
    %cond3A_11 = arith.constant 0 : i32
    %cond3A_12 = arith.cmpi ne, %convert_element_type3A_10, %cond3A_11 : i32
    scf.if %cond3A_12 {
      "tpu.region"() ({
        %run_scoped3A = tpu.sem_alloc : memref<!tpu.dma_semaphore, #tpu.memory_space<semaphore_mem>>
        %dma_start3A = arith.constant 0 : i32
        %dma_start3A_13 = tpu.memref_slice %arg6[%arg0, %mul3A_0, %dma_start3A] : memref<2x10000x128xf32, #tpu.memory_space<hbm>> -> memref<1x400x128xf32, #tpu.memory_space<hbm>>
        %dma_start3A_14 = tpu.memref_squeeze %dma_start3A_13 : memref<1x400x128xf32, #tpu.memory_space<hbm>> -> memref<400x128xf32, #tpu.memory_space<hbm>>
        %dma_start3A_15 = arith.constant 0 : i32
        %dma_start3A_16 = tpu.memref_slice %arg10[%mul3A_0, %dma_start3A_15] : memref<10240x128xf32, #tpu.memory_space<vmem_shared>> -> memref<400x128xf32, #tpu.memory_space<vmem_shared>>
        tpu.enqueue_dma source(%dma_start3A_16 : memref<400x128xf32, #tpu.memory_space<vmem_shared>>) target(%dma_start3A_14 : memref<400x128xf32, #tpu.memory_space<hbm>>) target_semaphore(%run_scoped3A : memref<!tpu.dma_semaphore, #tpu.memory_space<semaphore_mem>>)
        %dma_wait3A = arith.constant 0 : i32
        %dma_wait3A_17 = tpu.memref_slice %arg6[%arg0, %mul3A_0, %dma_wait3A] : memref<2x10000x128xf32, #tpu.memory_space<hbm>> -> memref<1x400x128xf32, #tpu.memory_space<hbm>>
        %dma_wait3A_18 = tpu.memref_squeeze %dma_wait3A_17 : memref<1x400x128xf32, #tpu.memory_space<hbm>> -> memref<400x128xf32, #tpu.memory_space<hbm>>
        %dma_wait3A_19 = arith.constant 0 : i32
        %dma_wait3A_20 = tpu.memref_slice %arg10[%mul3A_0, %dma_wait3A_19] : memref<10240x128xf32, #tpu.memory_space<vmem_shared>> -> memref<400x128xf32, #tpu.memory_space<vmem_shared>>
        tpu.wait_dma2 semaphore(%run_scoped3A : memref<!tpu.dma_semaphore, #tpu.memory_space<semaphore_mem>>) src(%dma_wait3A_20 : memref<400x128xf32, #tpu.memory_space<vmem_shared>>) dst(%dma_wait3A_18 : memref<400x128xf32, #tpu.memory_space<hbm>>)
        tpu.yield
      }) : () -> ()
    } else {
    }
    return
  }
}

module attributes {stable_mosaic.version = 14 : i64} {
  func.func @_a_body(%arg0: i32, %arg1: memref<1000x128xf32, #tpu.memory_space<vmem>>, %arg2: memref<2x1000x128xf32, #tpu.memory_space<vmem>>, %arg3: memref<128x256xf32, #tpu.memory_space<vmem>>, %arg4: memref<1x256xf32, #tpu.memory_space<vmem>>, %arg5: memref<256x256xf32, #tpu.memory_space<vmem>>, %arg6: memref<1x256xf32, #tpu.memory_space<vmem>>, %arg7: memref<1000x256xf32, #tpu.memory_space<vmem>>) attributes {dimension_semantics = [#tpu.dimension_semantics<arbitrary>], iteration_bounds = array<i64: 10>, scalar_prefetch = 0 : i64, scratch_operands = 0 : i64, tpu.core_type = #tpu.core_type<tc>, window_params = [{transform_indices = @transform_0, window_bounds = array<i64: 1000, 128>}, {transform_indices = @transform_1, window_bounds = array<i64: 2, 1000, 128>}, {pipeline_mode = #tpu.pipeline_mode<synchronous>, transform_indices = @transform_2, window_bounds = array<i64: 128, 256>}, {pipeline_mode = #tpu.pipeline_mode<synchronous>, transform_indices = @transform_3, window_bounds = array<i64: 1, 256>}, {pipeline_mode = #tpu.pipeline_mode<synchronous>, transform_indices = @transform_4, window_bounds = array<i64: 256, 256>}, {pipeline_mode = #tpu.pipeline_mode<synchronous>, transform_indices = @transform_5, window_bounds = array<i64: 1, 256>}, {transform_indices = @transform_6, window_bounds = array<i64: 1000, 256>}]} {
    %get3A = arith.constant 0 : index
    %get3A_0 = arith.constant 0 : index
    %get3A_1 = vector.load %arg1[%get3A, %get3A_0] : memref<1000x128xf32, #tpu.memory_space<vmem>>, vector<1000x128xf32>
    %get3A_2 = arith.constant 0 : index
    %get3A_3 = arith.constant 0 : index
    %get3A_4 = arith.constant 0 : index
    %get3A_5 = vector.load %arg2[%get3A_2, %get3A_3, %get3A_4] : memref<2x1000x128xf32, #tpu.memory_space<vmem>>, vector<1x1000x128xf32>
    %get3A_6 = vector.shape_cast %get3A_5 : vector<1x1000x128xf32> to vector<1000x128xf32>
    %add3A = arith.addf %get3A_1, %get3A_6 : vector<1000x128xf32>
    %get3A_7 = arith.constant 0 : index
    %get3A_8 = arith.constant 0 : index
    %get3A_9 = vector.load %arg3[%get3A_7, %get3A_8] : memref<128x256xf32, #tpu.memory_space<vmem>>, vector<128x256xf32>
    %dot_general3A = arith.constant dense<0.000000e+00> : vector<1000x256xf32>
    %dot_general3A_10 = tpu.matmul %add3A, %get3A_9, %dot_general3A {dimension_numbers = #tpu.dot_dimension_numbers<[1], [0], [0], [1], [0, 0, 1, 1], [], []>, transpose_lhs_hint = false} : vector<1000x128xf32>, vector<128x256xf32>, vector<1000x256xf32> -> vector<1000x256xf32>
    %get3A_11 = arith.constant 0 : index
    %get3A_12 = arith.constant 0 : index
    %get3A_13 = vector.load %arg4[%get3A_11, %get3A_12] : memref<1x256xf32, #tpu.memory_space<vmem>>, vector<1x256xf32>
    %add3A_14 = vector.broadcast %get3A_13 : vector<1x256xf32> to vector<1000x256xf32>
    %add3A_15 = arith.addf %dot_general3A_10, %add3A_14 : vector<1000x256xf32>
    %max3A = arith.constant 0.000000e+00 : f32
    %max3A_16 = vector.broadcast %max3A : f32 to vector<1000x256xf32>
    %max3A_17 = arith.maximumf %add3A_15, %max3A_16 : vector<1000x256xf32>
    %get3A_18 = arith.constant 0 : index
    %get3A_19 = arith.constant 0 : index
    %get3A_20 = vector.load %arg5[%get3A_18, %get3A_19] : memref<256x256xf32, #tpu.memory_space<vmem>>, vector<256x256xf32>
    %dot_general3A_21 = arith.constant dense<0.000000e+00> : vector<1000x256xf32>
    %dot_general3A_22 = tpu.matmul %max3A_17, %get3A_20, %dot_general3A_21 {dimension_numbers = #tpu.dot_dimension_numbers<[1], [0], [0], [1], [0, 0, 1, 1], [], []>, transpose_lhs_hint = false} : vector<1000x256xf32>, vector<256x256xf32>, vector<1000x256xf32> -> vector<1000x256xf32>
    %get3A_23 = arith.constant 0 : index
    %get3A_24 = arith.constant 0 : index
    %get3A_25 = vector.load %arg6[%get3A_23, %get3A_24] : memref<1x256xf32, #tpu.memory_space<vmem>>, vector<1x256xf32>
    %add3A_26 = vector.broadcast %get3A_25 : vector<1x256xf32> to vector<1000x256xf32>
    %add3A_27 = arith.addf %dot_general3A_22, %add3A_26 : vector<1000x256xf32>
    %max3A_28 = arith.constant 0.000000e+00 : f32
    %max3A_29 = vector.broadcast %max3A_28 : f32 to vector<1000x256xf32>
    %max3A_30 = arith.maximumf %add3A_27, %max3A_29 : vector<1000x256xf32>
    %swap3A = arith.constant 0 : index
    %swap3A_31 = arith.constant 0 : index
    %swap3A_32 = vector.load %arg7[%swap3A, %swap3A_31] : memref<1000x256xf32, #tpu.memory_space<vmem>>, vector<1000x256xf32>
    tpu.vector_store %arg7[%swap3A, %swap3A_31], %max3A_30 {strides = array<i32>} : memref<1000x256xf32, #tpu.memory_space<vmem>>, vector<1000x256xf32>,
    return
  }
  func.func @transform_0(%arg0: i32) -> (i32, i32) {
    %c0_i32 = arith.constant 0 : i32
    %c0_i32_0 = arith.constant 0 : i32
    return %arg0, %c0_i32 : i32, i32
  }
  func.func @transform_1(%arg0: i32) -> (i32, i32, i32) {
    %c0_i32 = arith.constant 0 : i32
    %c0_i32_0 = arith.constant 0 : i32
    %c0_i32_1 = arith.constant 0 : i32
    return %c0_i32, %arg0, %c0_i32_0 : i32, i32, i32
  }
  func.func @transform_2(%arg0: i32) -> (i32, i32) {
    %c0_i32 = arith.constant 0 : i32
    %c0_i32_0 = arith.constant 0 : i32
    %c0_i32_1 = arith.constant 0 : i32
    return %c0_i32, %c0_i32_0 : i32, i32
  }
  func.func @transform_3(%arg0: i32) -> (i32, i32) {
    %c0_i32 = arith.constant 0 : i32
    %c0_i32_0 = arith.constant 0 : i32
    %c0_i32_1 = arith.constant 0 : i32
    return %c0_i32, %c0_i32_0 : i32, i32
  }
  func.func @transform_4(%arg0: i32) -> (i32, i32) {
    %c0_i32 = arith.constant 0 : i32
    %c0_i32_0 = arith.constant 0 : i32
    %c0_i32_1 = arith.constant 0 : i32
    return %c0_i32, %c0_i32_0 : i32, i32
  }
  func.func @transform_5(%arg0: i32) -> (i32, i32) {
    %c0_i32 = arith.constant 0 : i32
    %c0_i32_0 = arith.constant 0 : i32
    %c0_i32_1 = arith.constant 0 : i32
    return %c0_i32, %c0_i32_0 : i32, i32
  }
  func.func @transform_6(%arg0: i32) -> (i32, i32) {
    %c0_i32 = arith.constant 0 : i32
    %c0_i32_0 = arith.constant 0 : i32
    return %arg0, %c0_i32 : i32, i32
  }
}

module attributes {stable_mosaic.version = 14 : i64} {
  func.func @_b_body(%arg0: i32, %arg1: memref<1000x256xf32, #tpu.memory_space<vmem>>, %arg2: memref<2x256xf32, #tpu.memory_space<vmem>>, %arg3: memref<1x256xf32, #tpu.memory_space<vmem>>, %arg4: memref<1x256xf32, #tpu.memory_space<vmem>>, %arg5: memref<3x1024x256xf32, #tpu.memory_space<vmem>>, %arg6: memref<1000x1xi32, #tpu.memory_space<vmem>>, %arg7: memref<1000x256xf32, #tpu.memory_space<vmem>>, %arg8: memref<2x1000x128xf32, #tpu.memory_space<vmem>>, %arg9: memref<1000x3xi32, #tpu.memory_space<vmem>>, %arg10: memref<128x256xf32, #tpu.memory_space<vmem>>, %arg11: memref<8x256xf32, #tpu.memory_space<vmem>>, %arg12: memref<3x1024x256xf32, #tpu.memory_space<vmem>>) attributes {dimension_semantics = [#tpu.dimension_semantics<arbitrary>], iteration_bounds = array<i64: 10>, scalar_prefetch = 0 : i64, scratch_operands = 1 : i64, tpu.core_type = #tpu.core_type<tc>, window_params = [{transform_indices = @transform_0, window_bounds = array<i64: 1000, 256>}, {pipeline_mode = #tpu.pipeline_mode<synchronous>, transform_indices = @transform_1, window_bounds = array<i64: 2, 256>}, {pipeline_mode = #tpu.pipeline_mode<synchronous>, transform_indices = @transform_2, window_bounds = array<i64: 1, 256>}, {pipeline_mode = #tpu.pipeline_mode<synchronous>, transform_indices = @transform_3, window_bounds = array<i64: 1, 256>}, {pipeline_mode = #tpu.pipeline_mode<synchronous>, transform_indices = @transform_4, window_bounds = array<i64: 3, 1024, 256>}, {transform_indices = @transform_5, window_bounds = array<i64: 1000, 1>}, {transform_indices = @transform_6, window_bounds = array<i64: 1000, 256>}, {transform_indices = @transform_7, window_bounds = array<i64: 2, 1000, 128>}, {transform_indices = @transform_8, window_bounds = array<i64: 1000, 3>}, {pipeline_mode = #tpu.pipeline_mode<synchronous>, transform_indices = @transform_9, window_bounds = array<i64: 128, 256>}, {pipeline_mode = #tpu.pipeline_mode<synchronous>, transform_indices = @transform_10, window_bounds = array<i64: 8, 256>}]} {
    %eq3A = arith.constant 0 : i32
    %eq3A_0 = arith.cmpi eq, %arg0, %eq3A : i32
    %convert_element_type3A = arith.extui %eq3A_0 : i1 to i32
    %cond3A = arith.constant 0 : i32
    %cond3A_1 = arith.cmpi ne, %convert_element_type3A, %cond3A : i32
    scf.if %cond3A_1 {
      %broadcast_in_dim3A_210 = arith.constant 0.000000e+00 : f32
      %broadcast_in_dim3A_211 = vector.broadcast %broadcast_in_dim3A_210 : f32 to vector<128x256xf32>
      %swap3A_212 = arith.constant 0 : index
      %swap3A_213 = arith.constant 0 : index
      %swap3A_214 = vector.load %arg10[%swap3A_212, %swap3A_213] : memref<128x256xf32, #tpu.memory_space<vmem>>, vector<128x256xf32>
      tpu.vector_store %arg10[%swap3A_212, %swap3A_213], %broadcast_in_dim3A_211 {strides = array<i32>} : memref<128x256xf32, #tpu.memory_space<vmem>>, vector<128x256xf32>,
      %broadcast_in_dim3A_215 = arith.constant 0.000000e+00 : f32
      %broadcast_in_dim3A_216 = vector.broadcast %broadcast_in_dim3A_215 : f32 to vector<8x256xf32>
      %swap3A_217 = arith.constant 0 : index
      %swap3A_218 = arith.constant 0 : index
      %swap3A_219 = vector.load %arg11[%swap3A_217, %swap3A_218] : memref<8x256xf32, #tpu.memory_space<vmem>>, vector<8x256xf32>
      tpu.vector_store %arg11[%swap3A_217, %swap3A_218], %broadcast_in_dim3A_216 {strides = array<i32>} : memref<8x256xf32, #tpu.memory_space<vmem>>, vector<8x256xf32>,
      %get3A_220 = arith.constant 0 : index
      %get3A_221 = arith.constant 0 : index
      %get3A_222 = arith.constant 0 : index
      %get3A_223 = vector.load %arg5[%get3A_220, %get3A_221, %get3A_222] : memref<3x1024x256xf32, #tpu.memory_space<vmem>>, vector<1x256x256xf32>
      %get3A_224 = vector.shape_cast %get3A_223 : vector<1x256x256xf32> to vector<256x256xf32>
      %mul3A_225 = arith.mulf %get3A_224, %get3A_224 : vector<256x256xf32>
      %reduce_sum3A_226 = arith.constant dense<0.000000e+00> : vector<256xf32>
      %reduce_sum3A_227 = vector.multi_reduction <add>, %mul3A_225, %reduce_sum3A_226 [1] : vector<256x256xf32> to vector<256xf32>
      %broadcast_in_dim3A_228 = vector.shape_cast %reduce_sum3A_227 : vector<256xf32> to vector<256x1xf32>
      %sqrt3A_229 = math.sqrt %broadcast_in_dim3A_228 : vector<256x1xf32>
      %add3A_230 = arith.constant 9.99999993E-9 : f32
      %add3A_231 = vector.broadcast %add3A_230 : f32 to vector<256x1xf32>
      %add3A_232 = arith.addf %sqrt3A_229, %add3A_231 : vector<256x1xf32>
      %div3A_233 = vector.broadcast %add3A_232 : vector<256x1xf32> to vector<256x256xf32>
      %div3A_234 = arith.divf %get3A_224, %div3A_233 : vector<256x256xf32>
      %swap3A_235 = arith.constant 0 : index
      %swap3A_236 = arith.constant 0 : index
      %swap3A_237 = arith.constant 0 : index
      %swap3A_238 = vector.load %arg12[%swap3A_235, %swap3A_236, %swap3A_237] : memref<3x1024x256xf32, #tpu.memory_space<vmem>>, vector<1x256x256xf32>
      %swap3A_239 = vector.shape_cast %swap3A_238 : vector<1x256x256xf32> to vector<256x256xf32>
      %swap3A_240 = vector.shape_cast %div3A_234 : vector<256x256xf32> to vector<1x256x256xf32>
      tpu.vector_store %arg12[%swap3A_235, %swap3A_236, %swap3A_237], %swap3A_240 {strides = array<i32>} : memref<3x1024x256xf32, #tpu.memory_space<vmem>>, vector<1x256x256xf32>,
      %get3A_241 = arith.constant 0 : index
      %get3A_242 = arith.constant 256 : index
      %get3A_243 = arith.constant 0 : index
      %get3A_244 = vector.load %arg5[%get3A_241, %get3A_242, %get3A_243] : memref<3x1024x256xf32, #tpu.memory_space<vmem>>, vector<1x256x256xf32>
      %get3A_245 = vector.shape_cast %get3A_244 : vector<1x256x256xf32> to vector<256x256xf32>
      %mul3A_246 = arith.mulf %get3A_245, %get3A_245 : vector<256x256xf32>
      %reduce_sum3A_247 = arith.constant dense<0.000000e+00> : vector<256xf32>
      %reduce_sum3A_248 = vector.multi_reduction <add>, %mul3A_246, %reduce_sum3A_247 [1] : vector<256x256xf32> to vector<256xf32>
      %broadcast_in_dim3A_249 = vector.shape_cast %reduce_sum3A_248 : vector<256xf32> to vector<256x1xf32>
      %sqrt3A_250 = math.sqrt %broadcast_in_dim3A_249 : vector<256x1xf32>
      %add3A_251 = arith.constant 9.99999993E-9 : f32
      %add3A_252 = vector.broadcast %add3A_251 : f32 to vector<256x1xf32>
      %add3A_253 = arith.addf %sqrt3A_250, %add3A_252 : vector<256x1xf32>
      %div3A_254 = vector.broadcast %add3A_253 : vector<256x1xf32> to vector<256x256xf32>
      %div3A_255 = arith.divf %get3A_245, %div3A_254 : vector<256x256xf32>
      %swap3A_256 = arith.constant 0 : index
      %swap3A_257 = arith.constant 256 : index
      %swap3A_258 = arith.constant 0 : index
      %swap3A_259 = vector.load %arg12[%swap3A_256, %swap3A_257, %swap3A_258] : memref<3x1024x256xf32, #tpu.memory_space<vmem>>, vector<1x256x256xf32>
      %swap3A_260 = vector.shape_cast %swap3A_259 : vector<1x256x256xf32> to vector<256x256xf32>
      %swap3A_261 = vector.shape_cast %div3A_255 : vector<256x256xf32> to vector<1x256x256xf32>
      tpu.vector_store %arg12[%swap3A_256, %swap3A_257, %swap3A_258], %swap3A_261 {strides = array<i32>} : memref<3x1024x256xf32, #tpu.memory_space<vmem>>, vector<1x256x256xf32>,
      %get3A_262 = arith.constant 0 : index
      %get3A_263 = arith.constant 512 : index
      %get3A_264 = arith.constant 0 : index
      %get3A_265 = vector.load %arg5[%get3A_262, %get3A_263, %get3A_264] : memref<3x1024x256xf32, #tpu.memory_space<vmem>>, vector<1x256x256xf32>
      %get3A_266 = vector.shape_cast %get3A_265 : vector<1x256x256xf32> to vector<256x256xf32>
      %mul3A_267 = arith.mulf %get3A_266, %get3A_266 : vector<256x256xf32>
      %reduce_sum3A_268 = arith.constant dense<0.000000e+00> : vector<256xf32>
      %reduce_sum3A_269 = vector.multi_reduction <add>, %mul3A_267, %reduce_sum3A_268 [1] : vector<256x256xf32> to vector<256xf32>
      %broadcast_in_dim3A_270 = vector.shape_cast %reduce_sum3A_269 : vector<256xf32> to vector<256x1xf32>
      %sqrt3A_271 = math.sqrt %broadcast_in_dim3A_270 : vector<256x1xf32>
      %add3A_272 = arith.constant 9.99999993E-9 : f32
      %add3A_273 = vector.broadcast %add3A_272 : f32 to vector<256x1xf32>
      %add3A_274 = arith.addf %sqrt3A_271, %add3A_273 : vector<256x1xf32>
      %div3A_275 = vector.broadcast %add3A_274 : vector<256x1xf32> to vector<256x256xf32>
      %div3A_276 = arith.divf %get3A_266, %div3A_275 : vector<256x256xf32>
      %swap3A_277 = arith.constant 0 : index
      %swap3A_278 = arith.constant 512 : index
      %swap3A_279 = arith.constant 0 : index
      %swap3A_280 = vector.load %arg12[%swap3A_277, %swap3A_278, %swap3A_279] : memref<3x1024x256xf32, #tpu.memory_space<vmem>>, vector<1x256x256xf32>
      %swap3A_281 = vector.shape_cast %swap3A_280 : vector<1x256x256xf32> to vector<256x256xf32>
      %swap3A_282 = vector.shape_cast %div3A_276 : vector<256x256xf32> to vector<1x256x256xf32>
      tpu.vector_store %arg12[%swap3A_277, %swap3A_278, %swap3A_279], %swap3A_282 {strides = array<i32>} : memref<3x1024x256xf32, #tpu.memory_space<vmem>>, vector<1x256x256xf32>,
      %get3A_283 = arith.constant 0 : index
      %get3A_284 = arith.constant 768 : index
      %get3A_285 = arith.constant 0 : index
      %get3A_286 = vector.load %arg5[%get3A_283, %get3A_284, %get3A_285] : memref<3x1024x256xf32, #tpu.memory_space<vmem>>, vector<1x256x256xf32>
      %get3A_287 = vector.shape_cast %get3A_286 : vector<1x256x256xf32> to vector<256x256xf32>
      %mul3A_288 = arith.mulf %get3A_287, %get3A_287 : vector<256x256xf32>
      %reduce_sum3A_289 = arith.constant dense<0.000000e+00> : vector<256xf32>
      %reduce_sum3A_290 = vector.multi_reduction <add>, %mul3A_288, %reduce_sum3A_289 [1] : vector<256x256xf32> to vector<256xf32>
      %broadcast_in_dim3A_291 = vector.shape_cast %reduce_sum3A_290 : vector<256xf32> to vector<256x1xf32>
      %sqrt3A_292 = math.sqrt %broadcast_in_dim3A_291 : vector<256x1xf32>
      %add3A_293 = arith.constant 9.99999993E-9 : f32
      %add3A_294 = vector.broadcast %add3A_293 : f32 to vector<256x1xf32>
      %add3A_295 = arith.addf %sqrt3A_292, %add3A_294 : vector<256x1xf32>
      %div3A_296 = vector.broadcast %add3A_295 : vector<256x1xf32> to vector<256x256xf32>
      %div3A_297 = arith.divf %get3A_287, %div3A_296 : vector<256x256xf32>
      %swap3A_298 = arith.constant 0 : index
      %swap3A_299 = arith.constant 768 : index
      %swap3A_300 = arith.constant 0 : index
      %swap3A_301 = vector.load %arg12[%swap3A_298, %swap3A_299, %swap3A_300] : memref<3x1024x256xf32, #tpu.memory_space<vmem>>, vector<1x256x256xf32>
      %swap3A_302 = vector.shape_cast %swap3A_301 : vector<1x256x256xf32> to vector<256x256xf32>
      %swap3A_303 = vector.shape_cast %div3A_297 : vector<256x256xf32> to vector<1x256x256xf32>
      tpu.vector_store %arg12[%swap3A_298, %swap3A_299, %swap3A_300], %swap3A_303 {strides = array<i32>} : memref<3x1024x256xf32, #tpu.memory_space<vmem>>, vector<1x256x256xf32>,
      %get3A_304 = arith.constant 1 : index
      %get3A_305 = arith.constant 0 : index
      %get3A_306 = arith.constant 0 : index
      %get3A_307 = vector.load %arg5[%get3A_304, %get3A_305, %get3A_306] : memref<3x1024x256xf32, #tpu.memory_space<vmem>>, vector<1x256x256xf32>
      %get3A_308 = vector.shape_cast %get3A_307 : vector<1x256x256xf32> to vector<256x256xf32>
      %mul3A_309 = arith.mulf %get3A_308, %get3A_308 : vector<256x256xf32>
      %reduce_sum3A_310 = arith.constant dense<0.000000e+00> : vector<256xf32>
      %reduce_sum3A_311 = vector.multi_reduction <add>, %mul3A_309, %reduce_sum3A_310 [1] : vector<256x256xf32> to vector<256xf32>
      %broadcast_in_dim3A_312 = vector.shape_cast %reduce_sum3A_311 : vector<256xf32> to vector<256x1xf32>
      %sqrt3A_313 = math.sqrt %broadcast_in_dim3A_312 : vector<256x1xf32>
      %add3A_314 = arith.constant 9.99999993E-9 : f32
      %add3A_315 = vector.broadcast %add3A_314 : f32 to vector<256x1xf32>
      %add3A_316 = arith.addf %sqrt3A_313, %add3A_315 : vector<256x1xf32>
      %div3A_317 = vector.broadcast %add3A_316 : vector<256x1xf32> to vector<256x256xf32>
      %div3A_318 = arith.divf %get3A_308, %div3A_317 : vector<256x256xf32>
      %swap3A_319 = arith.constant 1 : index
      %swap3A_320 = arith.constant 0 : index
      %swap3A_321 = arith.constant 0 : index
      %swap3A_322 = vector.load %arg12[%swap3A_319, %swap3A_320, %swap3A_321] : memref<3x1024x256xf32, #tpu.memory_space<vmem>>, vector<1x256x256xf32>
      %swap3A_323 = vector.shape_cast %swap3A_322 : vector<1x256x256xf32> to vector<256x256xf32>
      %swap3A_324 = vector.shape_cast %div3A_318 : vector<256x256xf32> to vector<1x256x256xf32>
      tpu.vector_store %arg12[%swap3A_319, %swap3A_320, %swap3A_321], %swap3A_324 {strides = array<i32>} : memref<3x1024x256xf32, #tpu.memory_space<vmem>>, vector<1x256x256xf32>,
      %get3A_325 = arith.constant 1 : index
      %get3A_326 = arith.constant 256 : index
      %get3A_327 = arith.constant 0 : index
      %get3A_328 = vector.load %arg5[%get3A_325, %get3A_326, %get3A_327] : memref<3x1024x256xf32, #tpu.memory_space<vmem>>, vector<1x256x256xf32>
      %get3A_329 = vector.shape_cast %get3A_328 : vector<1x256x256xf32> to vector<256x256xf32>
      %mul3A_330 = arith.mulf %get3A_329, %get3A_329 : vector<256x256xf32>
      %reduce_sum3A_331 = arith.constant dense<0.000000e+00> : vector<256xf32>
      %reduce_sum3A_332 = vector.multi_reduction <add>, %mul3A_330, %reduce_sum3A_331 [1] : vector<256x256xf32> to vector<256xf32>
      %broadcast_in_dim3A_333 = vector.shape_cast %reduce_sum3A_332 : vector<256xf32> to vector<256x1xf32>
      %sqrt3A_334 = math.sqrt %broadcast_in_dim3A_333 : vector<256x1xf32>
      %add3A_335 = arith.constant 9.99999993E-9 : f32
      %add3A_336 = vector.broadcast %add3A_335 : f32 to vector<256x1xf32>
      %add3A_337 = arith.addf %sqrt3A_334, %add3A_336 : vector<256x1xf32>
      %div3A_338 = vector.broadcast %add3A_337 : vector<256x1xf32> to vector<256x256xf32>
      %div3A_339 = arith.divf %get3A_329, %div3A_338 : vector<256x256xf32>
      %swap3A_340 = arith.constant 1 : index
      %swap3A_341 = arith.constant 256 : index
      %swap3A_342 = arith.constant 0 : index
      %swap3A_343 = vector.load %arg12[%swap3A_340, %swap3A_341, %swap3A_342] : memref<3x1024x256xf32, #tpu.memory_space<vmem>>, vector<1x256x256xf32>
      %swap3A_344 = vector.shape_cast %swap3A_343 : vector<1x256x256xf32> to vector<256x256xf32>
      %swap3A_345 = vector.shape_cast %div3A_339 : vector<256x256xf32> to vector<1x256x256xf32>
      tpu.vector_store %arg12[%swap3A_340, %swap3A_341, %swap3A_342], %swap3A_345 {strides = array<i32>} : memref<3x1024x256xf32, #tpu.memory_space<vmem>>, vector<1x256x256xf32>,
      %get3A_346 = arith.constant 1 : index
      %get3A_347 = arith.constant 512 : index
      %get3A_348 = arith.constant 0 : index
      %get3A_349 = vector.load %arg5[%get3A_346, %get3A_347, %get3A_348] : memref<3x1024x256xf32, #tpu.memory_space<vmem>>, vector<1x256x256xf32>
      %get3A_350 = vector.shape_cast %get3A_349 : vector<1x256x256xf32> to vector<256x256xf32>
      %mul3A_351 = arith.mulf %get3A_350, %get3A_350 : vector<256x256xf32>
      %reduce_sum3A_352 = arith.constant dense<0.000000e+00> : vector<256xf32>
      %reduce_sum3A_353 = vector.multi_reduction <add>, %mul3A_351, %reduce_sum3A_352 [1] : vector<256x256xf32> to vector<256xf32>
      %broadcast_in_dim3A_354 = vector.shape_cast %reduce_sum3A_353 : vector<256xf32> to vector<256x1xf32>
      %sqrt3A_355 = math.sqrt %broadcast_in_dim3A_354 : vector<256x1xf32>
      %add3A_356 = arith.constant 9.99999993E-9 : f32
      %add3A_357 = vector.broadcast %add3A_356 : f32 to vector<256x1xf32>
      %add3A_358 = arith.addf %sqrt3A_355, %add3A_357 : vector<256x1xf32>
      %div3A_359 = vector.broadcast %add3A_358 : vector<256x1xf32> to vector<256x256xf32>
      %div3A_360 = arith.divf %get3A_350, %div3A_359 : vector<256x256xf32>
      %swap3A_361 = arith.constant 1 : index
      %swap3A_362 = arith.constant 512 : index
      %swap3A_363 = arith.constant 0 : index
      %swap3A_364 = vector.load %arg12[%swap3A_361, %swap3A_362, %swap3A_363] : memref<3x1024x256xf32, #tpu.memory_space<vmem>>, vector<1x256x256xf32>
      %swap3A_365 = vector.shape_cast %swap3A_364 : vector<1x256x256xf32> to vector<256x256xf32>
      %swap3A_366 = vector.shape_cast %div3A_360 : vector<256x256xf32> to vector<1x256x256xf32>
      tpu.vector_store %arg12[%swap3A_361, %swap3A_362, %swap3A_363], %swap3A_366 {strides = array<i32>} : memref<3x1024x256xf32, #tpu.memory_space<vmem>>, vector<1x256x256xf32>,
      %get3A_367 = arith.constant 1 : index
      %get3A_368 = arith.constant 768 : index
      %get3A_369 = arith.constant 0 : index
      %get3A_370 = vector.load %arg5[%get3A_367, %get3A_368, %get3A_369] : memref<3x1024x256xf32, #tpu.memory_space<vmem>>, vector<1x256x256xf32>
      %get3A_371 = vector.shape_cast %get3A_370 : vector<1x256x256xf32> to vector<256x256xf32>
      %mul3A_372 = arith.mulf %get3A_371, %get3A_371 : vector<256x256xf32>
      %reduce_sum3A_373 = arith.constant dense<0.000000e+00> : vector<256xf32>
      %reduce_sum3A_374 = vector.multi_reduction <add>, %mul3A_372, %reduce_sum3A_373 [1] : vector<256x256xf32> to vector<256xf32>
      %broadcast_in_dim3A_375 = vector.shape_cast %reduce_sum3A_374 : vector<256xf32> to vector<256x1xf32>
      %sqrt3A_376 = math.sqrt %broadcast_in_dim3A_375 : vector<256x1xf32>
      %add3A_377 = arith.constant 9.99999993E-9 : f32
      %add3A_378 = vector.broadcast %add3A_377 : f32 to vector<256x1xf32>
      %add3A_379 = arith.addf %sqrt3A_376, %add3A_378 : vector<256x1xf32>
      %div3A_380 = vector.broadcast %add3A_379 : vector<256x1xf32> to vector<256x256xf32>
      %div3A_381 = arith.divf %get3A_371, %div3A_380 : vector<256x256xf32>
      %swap3A_382 = arith.constant 1 : index
      %swap3A_383 = arith.constant 768 : index
      %swap3A_384 = arith.constant 0 : index
      %swap3A_385 = vector.load %arg12[%swap3A_382, %swap3A_383, %swap3A_384] : memref<3x1024x256xf32, #tpu.memory_space<vmem>>, vector<1x256x256xf32>
      %swap3A_386 = vector.shape_cast %swap3A_385 : vector<1x256x256xf32> to vector<256x256xf32>
      %swap3A_387 = vector.shape_cast %div3A_381 : vector<256x256xf32> to vector<1x256x256xf32>
      tpu.vector_store %arg12[%swap3A_382, %swap3A_383, %swap3A_384], %swap3A_387 {strides = array<i32>} : memref<3x1024x256xf32, #tpu.memory_space<vmem>>, vector<1x256x256xf32>,
      %get3A_388 = arith.constant 2 : index
      %get3A_389 = arith.constant 0 : index
      %get3A_390 = arith.constant 0 : index
      %get3A_391 = vector.load %arg5[%get3A_388, %get3A_389, %get3A_390] : memref<3x1024x256xf32, #tpu.memory_space<vmem>>, vector<1x256x256xf32>
      %get3A_392 = vector.shape_cast %get3A_391 : vector<1x256x256xf32> to vector<256x256xf32>
      %mul3A_393 = arith.mulf %get3A_392, %get3A_392 : vector<256x256xf32>
      %reduce_sum3A_394 = arith.constant dense<0.000000e+00> : vector<256xf32>
      %reduce_sum3A_395 = vector.multi_reduction <add>, %mul3A_393, %reduce_sum3A_394 [1] : vector<256x256xf32> to vector<256xf32>
      %broadcast_in_dim3A_396 = vector.shape_cast %reduce_sum3A_395 : vector<256xf32> to vector<256x1xf32>
      %sqrt3A_397 = math.sqrt %broadcast_in_dim3A_396 : vector<256x1xf32>
      %add3A_398 = arith.constant 9.99999993E-9 : f32
      %add3A_399 = vector.broadcast %add3A_398 : f32 to vector<256x1xf32>
      %add3A_400 = arith.addf %sqrt3A_397, %add3A_399 : vector<256x1xf32>
      %div3A_401 = vector.broadcast %add3A_400 : vector<256x1xf32> to vector<256x256xf32>
      %div3A_402 = arith.divf %get3A_392, %div3A_401 : vector<256x256xf32>
      %swap3A_403 = arith.constant 2 : index
      %swap3A_404 = arith.constant 0 : index
      %swap3A_405 = arith.constant 0 : index
      %swap3A_406 = vector.load %arg12[%swap3A_403, %swap3A_404, %swap3A_405] : memref<3x1024x256xf32, #tpu.memory_space<vmem>>, vector<1x256x256xf32>
      %swap3A_407 = vector.shape_cast %swap3A_406 : vector<1x256x256xf32> to vector<256x256xf32>
      %swap3A_408 = vector.shape_cast %div3A_402 : vector<256x256xf32> to vector<1x256x256xf32>
      tpu.vector_store %arg12[%swap3A_403, %swap3A_404, %swap3A_405], %swap3A_408 {strides = array<i32>} : memref<3x1024x256xf32, #tpu.memory_space<vmem>>, vector<1x256x256xf32>,
      %get3A_409 = arith.constant 2 : index
      %get3A_410 = arith.constant 256 : index
      %get3A_411 = arith.constant 0 : index
      %get3A_412 = vector.load %arg5[%get3A_409, %get3A_410, %get3A_411] : memref<3x1024x256xf32, #tpu.memory_space<vmem>>, vector<1x256x256xf32>
      %get3A_413 = vector.shape_cast %get3A_412 : vector<1x256x256xf32> to vector<256x256xf32>
      %mul3A_414 = arith.mulf %get3A_413, %get3A_413 : vector<256x256xf32>
      %reduce_sum3A_415 = arith.constant dense<0.000000e+00> : vector<256xf32>
      %reduce_sum3A_416 = vector.multi_reduction <add>, %mul3A_414, %reduce_sum3A_415 [1] : vector<256x256xf32> to vector<256xf32>
      %broadcast_in_dim3A_417 = vector.shape_cast %reduce_sum3A_416 : vector<256xf32> to vector<256x1xf32>
      %sqrt3A_418 = math.sqrt %broadcast_in_dim3A_417 : vector<256x1xf32>
      %add3A_419 = arith.constant 9.99999993E-9 : f32
      %add3A_420 = vector.broadcast %add3A_419 : f32 to vector<256x1xf32>
      %add3A_421 = arith.addf %sqrt3A_418, %add3A_420 : vector<256x1xf32>
      %div3A_422 = vector.broadcast %add3A_421 : vector<256x1xf32> to vector<256x256xf32>
      %div3A_423 = arith.divf %get3A_413, %div3A_422 : vector<256x256xf32>
      %swap3A_424 = arith.constant 2 : index
      %swap3A_425 = arith.constant 256 : index
      %swap3A_426 = arith.constant 0 : index
      %swap3A_427 = vector.load %arg12[%swap3A_424, %swap3A_425, %swap3A_426] : memref<3x1024x256xf32, #tpu.memory_space<vmem>>, vector<1x256x256xf32>
      %swap3A_428 = vector.shape_cast %swap3A_427 : vector<1x256x256xf32> to vector<256x256xf32>
      %swap3A_429 = vector.shape_cast %div3A_423 : vector<256x256xf32> to vector<1x256x256xf32>
      tpu.vector_store %arg12[%swap3A_424, %swap3A_425, %swap3A_426], %swap3A_429 {strides = array<i32>} : memref<3x1024x256xf32, #tpu.memory_space<vmem>>, vector<1x256x256xf32>,
      %get3A_430 = arith.constant 2 : index
      %get3A_431 = arith.constant 512 : index
      %get3A_432 = arith.constant 0 : index
      %get3A_433 = vector.load %arg5[%get3A_430, %get3A_431, %get3A_432] : memref<3x1024x256xf32, #tpu.memory_space<vmem>>, vector<1x256x256xf32>
      %get3A_434 = vector.shape_cast %get3A_433 : vector<1x256x256xf32> to vector<256x256xf32>
      %mul3A_435 = arith.mulf %get3A_434, %get3A_434 : vector<256x256xf32>
      %reduce_sum3A_436 = arith.constant dense<0.000000e+00> : vector<256xf32>
      %reduce_sum3A_437 = vector.multi_reduction <add>, %mul3A_435, %reduce_sum3A_436 [1] : vector<256x256xf32> to vector<256xf32>
      %broadcast_in_dim3A_438 = vector.shape_cast %reduce_sum3A_437 : vector<256xf32> to vector<256x1xf32>
      %sqrt3A_439 = math.sqrt %broadcast_in_dim3A_438 : vector<256x1xf32>
      %add3A_440 = arith.constant 9.99999993E-9 : f32
      %add3A_441 = vector.broadcast %add3A_440 : f32 to vector<256x1xf32>
      %add3A_442 = arith.addf %sqrt3A_439, %add3A_441 : vector<256x1xf32>
      %div3A_443 = vector.broadcast %add3A_442 : vector<256x1xf32> to vector<256x256xf32>
      %div3A_444 = arith.divf %get3A_434, %div3A_443 : vector<256x256xf32>
      %swap3A_445 = arith.constant 2 : index
      %swap3A_446 = arith.constant 512 : index
      %swap3A_447 = arith.constant 0 : index
      %swap3A_448 = vector.load %arg12[%swap3A_445, %swap3A_446, %swap3A_447] : memref<3x1024x256xf32, #tpu.memory_space<vmem>>, vector<1x256x256xf32>
      %swap3A_449 = vector.shape_cast %swap3A_448 : vector<1x256x256xf32> to vector<256x256xf32>
      %swap3A_450 = vector.shape_cast %div3A_444 : vector<256x256xf32> to vector<1x256x256xf32>
      tpu.vector_store %arg12[%swap3A_445, %swap3A_446, %swap3A_447], %swap3A_450 {strides = array<i32>} : memref<3x1024x256xf32, #tpu.memory_space<vmem>>, vector<1x256x256xf32>,
      %get3A_451 = arith.constant 2 : index
      %get3A_452 = arith.constant 768 : index
      %get3A_453 = arith.constant 0 : index
      %get3A_454 = vector.load %arg5[%get3A_451, %get3A_452, %get3A_453] : memref<3x1024x256xf32, #tpu.memory_space<vmem>>, vector<1x256x256xf32>
      %get3A_455 = vector.shape_cast %get3A_454 : vector<1x256x256xf32> to vector<256x256xf32>
      %mul3A_456 = arith.mulf %get3A_455, %get3A_455 : vector<256x256xf32>
      %reduce_sum3A_457 = arith.constant dense<0.000000e+00> : vector<256xf32>
      %reduce_sum3A_458 = vector.multi_reduction <add>, %mul3A_456, %reduce_sum3A_457 [1] : vector<256x256xf32> to vector<256xf32>
      %broadcast_in_dim3A_459 = vector.shape_cast %reduce_sum3A_458 : vector<256xf32> to vector<256x1xf32>
      %sqrt3A_460 = math.sqrt %broadcast_in_dim3A_459 : vector<256x1xf32>
      %add3A_461 = arith.constant 9.99999993E-9 : f32
      %add3A_462 = vector.broadcast %add3A_461 : f32 to vector<256x1xf32>
      %add3A_463 = arith.addf %sqrt3A_460, %add3A_462 : vector<256x1xf32>
      %div3A_464 = vector.broadcast %add3A_463 : vector<256x1xf32> to vector<256x256xf32>
      %div3A_465 = arith.divf %get3A_455, %div3A_464 : vector<256x256xf32>
      %swap3A_466 = arith.constant 2 : index
      %swap3A_467 = arith.constant 768 : index
      %swap3A_468 = arith.constant 0 : index
      %swap3A_469 = vector.load %arg12[%swap3A_466, %swap3A_467, %swap3A_468] : memref<3x1024x256xf32, #tpu.memory_space<vmem>>, vector<1x256x256xf32>
      %swap3A_470 = vector.shape_cast %swap3A_469 : vector<1x256x256xf32> to vector<256x256xf32>
      %swap3A_471 = vector.shape_cast %div3A_465 : vector<256x256xf32> to vector<1x256x256xf32>
      tpu.vector_store %arg12[%swap3A_466, %swap3A_467, %swap3A_468], %swap3A_471 {strides = array<i32>} : memref<3x1024x256xf32, #tpu.memory_space<vmem>>, vector<1x256x256xf32>,
    } else {
    }
    %get3A = arith.constant 0 : index
    %get3A_2 = arith.constant 0 : index
    %get3A_3 = vector.load %arg2[%get3A, %get3A_2] : memref<2x256xf32, #tpu.memory_space<vmem>>, vector<1x256xf32>
    %get3A_4 = arith.constant 1 : index
    %get3A_5 = arith.constant 0 : index
    %get3A_6 = vector.load %arg2[%get3A_4, %get3A_5] : memref<2x256xf32, #tpu.memory_space<vmem>>, vector<1x256xf32>
    %get3A_7 = arith.constant 0 : index
    %get3A_8 = arith.constant 0 : index
    %get3A_9 = vector.load %arg1[%get3A_7, %get3A_8] : memref<1000x256xf32, #tpu.memory_space<vmem>>, vector<1000x256xf32>
    %sub3A = vector.broadcast %get3A_3 : vector<1x256xf32> to vector<1000x256xf32>
    %sub3A_10 = arith.subf %get3A_9, %sub3A : vector<1000x256xf32>
    %add3A = arith.constant 9.99999974E-6 : f32
    %add3A_11 = vector.broadcast %add3A : f32 to vector<1x256xf32>
    %add3A_12 = arith.addf %get3A_6, %add3A_11 : vector<1x256xf32>
    %sqrt3A = math.sqrt %add3A_12 : vector<1x256xf32>
    %div3A = vector.broadcast %sqrt3A : vector<1x256xf32> to vector<1000x256xf32>
    %div3A_13 = arith.divf %sub3A_10, %div3A : vector<1000x256xf32>
    %get3A_14 = arith.constant 0 : index
    %get3A_15 = arith.constant 0 : index
    %get3A_16 = vector.load %arg3[%get3A_14, %get3A_15] : memref<1x256xf32, #tpu.memory_space<vmem>>, vector<1x256xf32>
    %mul3A = vector.broadcast %get3A_16 : vector<1x256xf32> to vector<1000x256xf32>
    %mul3A_17 = arith.mulf %div3A_13, %mul3A : vector<1000x256xf32>
    %get3A_18 = arith.constant 0 : index
    %get3A_19 = arith.constant 0 : index
    %get3A_20 = vector.load %arg4[%get3A_18, %get3A_19] : memref<1x256xf32, #tpu.memory_space<vmem>>, vector<1x256xf32>
    %add3A_21 = vector.broadcast %get3A_20 : vector<1x256xf32> to vector<1000x256xf32>
    %add3A_22 = arith.addf %mul3A_17, %add3A_21 : vector<1000x256xf32>
    %swap3A = arith.constant 0 : index
    %swap3A_23 = arith.constant 0 : index
    %swap3A_24 = vector.load %arg7[%swap3A, %swap3A_23] : memref<1000x256xf32, #tpu.memory_space<vmem>>, vector<1000x256xf32>
    tpu.vector_store %arg7[%swap3A, %swap3A_23], %add3A_22 {strides = array<i32>} : memref<1000x256xf32, #tpu.memory_space<vmem>>, vector<1000x256xf32>,
    %slice3A = vector.extract_strided_slice %add3A_22 {offsets = [0, 0], sizes = [1000, 128], strides = [1, 1]} : vector<1000x256xf32> to vector<1000x128xf32>
    %swap3A_25 = arith.constant 0 : index
    %swap3A_26 = arith.constant 0 : index
    %swap3A_27 = arith.constant 0 : index
    %swap3A_28 = vector.load %arg8[%swap3A_25, %swap3A_26, %swap3A_27] : memref<2x1000x128xf32, #tpu.memory_space<vmem>>, vector<1x1000x128xf32>
    %swap3A_29 = vector.shape_cast %swap3A_28 : vector<1x1000x128xf32> to vector<1000x128xf32>
    %swap3A_30 = vector.shape_cast %slice3A : vector<1000x128xf32> to vector<1x1000x128xf32>
    tpu.vector_store %arg8[%swap3A_25, %swap3A_26, %swap3A_27], %swap3A_30 {strides = array<i32>} : memref<2x1000x128xf32, #tpu.memory_space<vmem>>, vector<1x1000x128xf32>,
    %slice3A_31 = vector.extract_strided_slice %add3A_22 {offsets = [0, 128], sizes = [1000, 128], strides = [1, 1]} : vector<1000x256xf32> to vector<1000x128xf32>
    %swap3A_32 = arith.constant 1 : index
    %swap3A_33 = arith.constant 0 : index
    %swap3A_34 = arith.constant 0 : index
    %swap3A_35 = vector.load %arg8[%swap3A_32, %swap3A_33, %swap3A_34] : memref<2x1000x128xf32, #tpu.memory_space<vmem>>, vector<1x1000x128xf32>
    %swap3A_36 = vector.shape_cast %swap3A_35 : vector<1x1000x128xf32> to vector<1000x128xf32>
    %swap3A_37 = vector.shape_cast %slice3A_31 : vector<1000x128xf32> to vector<1x1000x128xf32>
    tpu.vector_store %arg8[%swap3A_32, %swap3A_33, %swap3A_34], %swap3A_37 {strides = array<i32>} : memref<2x1000x128xf32, #tpu.memory_space<vmem>>, vector<1x1000x128xf32>,
    %mul3A_38 = arith.mulf %add3A_22, %add3A_22 : vector<1000x256xf32>
    %reduce_sum3A = arith.constant dense<0.000000e+00> : vector<1000xf32>
    %reduce_sum3A_39 = vector.multi_reduction <add>, %mul3A_38, %reduce_sum3A [1] : vector<1000x256xf32> to vector<1000xf32>
    %broadcast_in_dim3A = vector.shape_cast %reduce_sum3A_39 : vector<1000xf32> to vector<1000x1xf32>
    %sqrt3A_40 = math.sqrt %broadcast_in_dim3A : vector<1000x1xf32>
    %add3A_41 = arith.constant 9.99999993E-9 : f32
    %add3A_42 = vector.broadcast %add3A_41 : f32 to vector<1000x1xf32>
    %add3A_43 = arith.addf %sqrt3A_40, %add3A_42 : vector<1000x1xf32>
    %div3A_44 = vector.broadcast %add3A_43 : vector<1000x1xf32> to vector<1000x256xf32>
    %div3A_45 = arith.divf %add3A_22, %div3A_44 : vector<1000x256xf32>
    %get3A_46 = arith.constant 0 : index
    %get3A_47 = arith.constant 0 : index
    %get3A_48 = arith.constant 0 : index
    %get3A_49 = vector.load %arg12[%get3A_46, %get3A_47, %get3A_48] : memref<3x1024x256xf32, #tpu.memory_space<vmem>>, vector<1x1024x256xf32>
    %get3A_50 = vector.shape_cast %get3A_49 : vector<1x1024x256xf32> to vector<1024x256xf32>
    %dot_general3A = arith.constant dense<0.000000e+00> : vector<1000x1024xf32>
    %dot_general3A_51 = tpu.matmul %div3A_45, %get3A_50, %dot_general3A {dimension_numbers = #tpu.dot_dimension_numbers<[1], [1], [0], [0], [0, 0, 1, 0], [], []>, transpose_lhs_hint = false} : vector<1000x256xf32>, vector<1024x256xf32>, vector<1000x1024xf32> -> vector<1000x1024xf32>
    %reduce_max3A = arith.constant dense<0xFF800000> : vector<1000xf32>
    %reduce_max3A_52 = vector.multi_reduction <maximumf>, %dot_general3A_51, %reduce_max3A [1] : vector<1000x1024xf32> to vector<1000xf32>
    %broadcast_in_dim3A_53 = vector.shape_cast %reduce_max3A_52 : vector<1000xf32> to vector<1000x1xf32>
    %iota3A = tpu.iota {dimensions = array<i32: 1>} : vector<1000x1024xi32>
    %ge3A = vector.broadcast %broadcast_in_dim3A_53 : vector<1000x1xf32> to vector<1000x1024xf32>
    %ge3A_54 = arith.cmpf oge, %dot_general3A_51, %ge3A : vector<1000x1024xf32>
    %jit3A = arith.constant 1073741824 : i32
    %broadcast_in_dim3A_55 = vector.broadcast %jit3A : i32 to vector<1000x1024xi32>
    %select_n3A = arith.select %ge3A_54, %iota3A, %broadcast_in_dim3A_55 : vector<1000x1024xi1>, vector<1000x1024xi32>
    %reduce_min3A = arith.constant dense<2147483647> : vector<1000xi32>
    %reduce_min3A_56 = vector.multi_reduction <minsi>, %select_n3A, %reduce_min3A [1] : vector<1000x1024xi32> to vector<1000xi32>
    %broadcast_in_dim3A_57 = vector.shape_cast %reduce_min3A_56 : vector<1000xi32> to vector<1000x1xi32>
    %eq3A_58 = vector.broadcast %broadcast_in_dim3A_57 : vector<1000x1xi32> to vector<1000x1024xi32>
    %eq3A_59 = arith.cmpi eq, %iota3A, %eq3A_58 : vector<1000x1024xi32>
    %convert_element_type3A_60 = arith.extui %eq3A_59 : vector<1000x1024xi1> to vector<1000x1024xi32>
    %convert_element_type3A_61 = arith.sitofp %convert_element_type3A_60 : vector<1000x1024xi32> to vector<1000x1024xf32>
    %get3A_62 = arith.constant 0 : index
    %get3A_63 = arith.constant 0 : index
    %get3A_64 = arith.constant 0 : index
    %get3A_65 = vector.load %arg5[%get3A_62, %get3A_63, %get3A_64] : memref<3x1024x256xf32, #tpu.memory_space<vmem>>, vector<1x1024x256xf32>
    %get3A_66 = vector.shape_cast %get3A_65 : vector<1x1024x256xf32> to vector<1024x256xf32>
    %dot_general3A_67 = arith.constant dense<0.000000e+00> : vector<1000x256xf32>
    %dot_general3A_68 = tpu.matmul %convert_element_type3A_61, %get3A_66, %dot_general3A_67 {dimension_numbers = #tpu.dot_dimension_numbers<[1], [0], [0], [1], [0, 0, 1, 1], [], []>, precision = #tpu.contract_precision<fp32>, transpose_lhs_hint = false} : vector<1000x1024xf32>, vector<1024x256xf32>, vector<1000x256xf32> -> vector<1000x256xf32>
    %sub3A_69 = arith.subf %dot_general3A_68, %add3A_22 : vector<1000x256xf32>
    %get3A_70 = arith.constant 0 : index
    %get3A_71 = arith.constant 0 : index
    %get3A_72 = vector.load %arg11[%get3A_70, %get3A_71] : memref<8x256xf32, #tpu.memory_space<vmem>>, vector<1x256xf32>
    %mul3A_73 = arith.mulf %sub3A_69, %sub3A_69 : vector<1000x256xf32>
    %reduce_sum3A_74 = arith.constant dense<0.000000e+00> : vector<256xf32>
    %reduce_sum3A_75 = vector.multi_reduction <add>, %mul3A_73, %reduce_sum3A_74 [0] : vector<1000x256xf32> to vector<256xf32>
    %broadcast_in_dim3A_76 = vector.shape_cast %reduce_sum3A_75 : vector<256xf32> to vector<1x256xf32>
    %add3A_77 = arith.addf %get3A_72, %broadcast_in_dim3A_76 : vector<1x256xf32>
    %swap3A_78 = arith.constant 0 : index
    %swap3A_79 = arith.constant 0 : index
    %swap3A_80 = vector.load %arg11[%swap3A_78, %swap3A_79] : memref<8x256xf32, #tpu.memory_space<vmem>>, vector<1x256xf32>
    tpu.vector_store %arg11[%swap3A_78, %swap3A_79], %add3A_77 {strides = array<i32>} : memref<8x256xf32, #tpu.memory_space<vmem>>, vector<1x256xf32>,
    %broadcast_in_dim3A_81 = vector.shape_cast %reduce_min3A_56 : vector<1000xi32> to vector<1000x1xi32>
    %sub3A_82 = arith.subf %add3A_22, %dot_general3A_68 : vector<1000x256xf32>
    %mul3A_83 = arith.mulf %sub3A_82, %sub3A_82 : vector<1000x256xf32>
    %reduce_sum3A_84 = arith.constant dense<0.000000e+00> : vector<1000xf32>
    %reduce_sum3A_85 = vector.multi_reduction <add>, %mul3A_83, %reduce_sum3A_84 [1] : vector<1000x256xf32> to vector<1000xf32>
    %broadcast_in_dim3A_86 = vector.shape_cast %reduce_sum3A_85 : vector<1000xf32> to vector<1000x1xf32>
    %sqrt3A_87 = math.sqrt %broadcast_in_dim3A_86 : vector<1000x1xf32>
    %add3A_88 = arith.constant 9.99999993E-9 : f32
    %add3A_89 = vector.broadcast %add3A_88 : f32 to vector<1000x1xf32>
    %add3A_90 = arith.addf %sqrt3A_87, %add3A_89 : vector<1000x1xf32>
    %div3A_91 = vector.broadcast %add3A_90 : vector<1000x1xf32> to vector<1000x256xf32>
    %div3A_92 = arith.divf %sub3A_82, %div3A_91 : vector<1000x256xf32>
    %get3A_93 = arith.constant 1 : index
    %get3A_94 = arith.constant 0 : index
    %get3A_95 = arith.constant 0 : index
    %get3A_96 = vector.load %arg12[%get3A_93, %get3A_94, %get3A_95] : memref<3x1024x256xf32, #tpu.memory_space<vmem>>, vector<1x1024x256xf32>
    %get3A_97 = vector.shape_cast %get3A_96 : vector<1x1024x256xf32> to vector<1024x256xf32>
    %dot_general3A_98 = arith.constant dense<0.000000e+00> : vector<1000x1024xf32>
    %dot_general3A_99 = tpu.matmul %div3A_92, %get3A_97, %dot_general3A_98 {dimension_numbers = #tpu.dot_dimension_numbers<[1], [1], [0], [0], [0, 0, 1, 0], [], []>, transpose_lhs_hint = false} : vector<1000x256xf32>, vector<1024x256xf32>, vector<1000x1024xf32> -> vector<1000x1024xf32>
    %reduce_max3A_100 = arith.constant dense<0xFF800000> : vector<1000xf32>
    %reduce_max3A_101 = vector.multi_reduction <maximumf>, %dot_general3A_99, %reduce_max3A_100 [1] : vector<1000x1024xf32> to vector<1000xf32>
    %broadcast_in_dim3A_102 = vector.shape_cast %reduce_max3A_101 : vector<1000xf32> to vector<1000x1xf32>
    %iota3A_103 = tpu.iota {dimensions = array<i32: 1>} : vector<1000x1024xi32>
    %ge3A_104 = vector.broadcast %broadcast_in_dim3A_102 : vector<1000x1xf32> to vector<1000x1024xf32>
    %ge3A_105 = arith.cmpf oge, %dot_general3A_99, %ge3A_104 : vector<1000x1024xf32>
    %jit3A_106 = arith.constant 1073741824 : i32
    %broadcast_in_dim3A_107 = vector.broadcast %jit3A_106 : i32 to vector<1000x1024xi32>
    %select_n3A_108 = arith.select %ge3A_105, %iota3A_103, %broadcast_in_dim3A_107 : vector<1000x1024xi1>, vector<1000x1024xi32>
    %reduce_min3A_109 = arith.constant dense<2147483647> : vector<1000xi32>
    %reduce_min3A_110 = vector.multi_reduction <minsi>, %select_n3A_108, %reduce_min3A_109 [1] : vector<1000x1024xi32> to vector<1000xi32>
    %broadcast_in_dim3A_111 = vector.shape_cast %reduce_min3A_110 : vector<1000xi32> to vector<1000x1xi32>
    %eq3A_112 = vector.broadcast %broadcast_in_dim3A_111 : vector<1000x1xi32> to vector<1000x1024xi32>
    %eq3A_113 = arith.cmpi eq, %iota3A_103, %eq3A_112 : vector<1000x1024xi32>
    %convert_element_type3A_114 = arith.extui %eq3A_113 : vector<1000x1024xi1> to vector<1000x1024xi32>
    %convert_element_type3A_115 = arith.sitofp %convert_element_type3A_114 : vector<1000x1024xi32> to vector<1000x1024xf32>
    %get3A_116 = arith.constant 1 : index
    %get3A_117 = arith.constant 0 : index
    %get3A_118 = arith.constant 0 : index
    %get3A_119 = vector.load %arg5[%get3A_116, %get3A_117, %get3A_118] : memref<3x1024x256xf32, #tpu.memory_space<vmem>>, vector<1x1024x256xf32>
    %get3A_120 = vector.shape_cast %get3A_119 : vector<1x1024x256xf32> to vector<1024x256xf32>
    %dot_general3A_121 = arith.constant dense<0.000000e+00> : vector<1000x256xf32>
    %dot_general3A_122 = tpu.matmul %convert_element_type3A_115, %get3A_120, %dot_general3A_121 {dimension_numbers = #tpu.dot_dimension_numbers<[1], [0], [0], [1], [0, 0, 1, 1], [], []>, precision = #tpu.contract_precision<fp32>, transpose_lhs_hint = false} : vector<1000x1024xf32>, vector<1024x256xf32>, vector<1000x256xf32> -> vector<1000x256xf32>
    %sub3A_123 = arith.subf %dot_general3A_122, %sub3A_82 : vector<1000x256xf32>
    %get3A_124 = arith.constant 1 : index
    %get3A_125 = arith.constant 0 : index
    %get3A_126 = vector.load %arg11[%get3A_124, %get3A_125] : memref<8x256xf32, #tpu.memory_space<vmem>>, vector<1x256xf32>
    %mul3A_127 = arith.mulf %sub3A_123, %sub3A_123 : vector<1000x256xf32>
    %reduce_sum3A_128 = arith.constant dense<0.000000e+00> : vector<256xf32>
    %reduce_sum3A_129 = vector.multi_reduction <add>, %mul3A_127, %reduce_sum3A_128 [0] : vector<1000x256xf32> to vector<256xf32>
    %broadcast_in_dim3A_130 = vector.shape_cast %reduce_sum3A_129 : vector<256xf32> to vector<1x256xf32>
    %add3A_131 = arith.addf %get3A_126, %broadcast_in_dim3A_130 : vector<1x256xf32>
    %swap3A_132 = arith.constant 1 : index
    %swap3A_133 = arith.constant 0 : index
    %swap3A_134 = vector.load %arg11[%swap3A_132, %swap3A_133] : memref<8x256xf32, #tpu.memory_space<vmem>>, vector<1x256xf32>
    tpu.vector_store %arg11[%swap3A_132, %swap3A_133], %add3A_131 {strides = array<i32>} : memref<8x256xf32, #tpu.memory_space<vmem>>, vector<1x256xf32>,
    %broadcast_in_dim3A_135 = vector.shape_cast %reduce_min3A_110 : vector<1000xi32> to vector<1000x1xi32>
    %sub3A_136 = arith.subf %sub3A_82, %dot_general3A_122 : vector<1000x256xf32>
    %mul3A_137 = arith.mulf %sub3A_136, %sub3A_136 : vector<1000x256xf32>
    %reduce_sum3A_138 = arith.constant dense<0.000000e+00> : vector<1000xf32>
    %reduce_sum3A_139 = vector.multi_reduction <add>, %mul3A_137, %reduce_sum3A_138 [1] : vector<1000x256xf32> to vector<1000xf32>
    %broadcast_in_dim3A_140 = vector.shape_cast %reduce_sum3A_139 : vector<1000xf32> to vector<1000x1xf32>
    %sqrt3A_141 = math.sqrt %broadcast_in_dim3A_140 : vector<1000x1xf32>
    %add3A_142 = arith.constant 9.99999993E-9 : f32
    %add3A_143 = vector.broadcast %add3A_142 : f32 to vector<1000x1xf32>
    %add3A_144 = arith.addf %sqrt3A_141, %add3A_143 : vector<1000x1xf32>
    %div3A_145 = vector.broadcast %add3A_144 : vector<1000x1xf32> to vector<1000x256xf32>
    %div3A_146 = arith.divf %sub3A_136, %div3A_145 : vector<1000x256xf32>
    %get3A_147 = arith.constant 2 : index
    %get3A_148 = arith.constant 0 : index
    %get3A_149 = arith.constant 0 : index
    %get3A_150 = vector.load %arg12[%get3A_147, %get3A_148, %get3A_149] : memref<3x1024x256xf32, #tpu.memory_space<vmem>>, vector<1x1024x256xf32>
    %get3A_151 = vector.shape_cast %get3A_150 : vector<1x1024x256xf32> to vector<1024x256xf32>
    %dot_general3A_152 = arith.constant dense<0.000000e+00> : vector<1000x1024xf32>
    %dot_general3A_153 = tpu.matmul %div3A_146, %get3A_151, %dot_general3A_152 {dimension_numbers = #tpu.dot_dimension_numbers<[1], [1], [0], [0], [0, 0, 1, 0], [], []>, transpose_lhs_hint = false} : vector<1000x256xf32>, vector<1024x256xf32>, vector<1000x1024xf32> -> vector<1000x1024xf32>
    %reduce_max3A_154 = arith.constant dense<0xFF800000> : vector<1000xf32>
    %reduce_max3A_155 = vector.multi_reduction <maximumf>, %dot_general3A_153, %reduce_max3A_154 [1] : vector<1000x1024xf32> to vector<1000xf32>
    %broadcast_in_dim3A_156 = vector.shape_cast %reduce_max3A_155 : vector<1000xf32> to vector<1000x1xf32>
    %iota3A_157 = tpu.iota {dimensions = array<i32: 1>} : vector<1000x1024xi32>
    %ge3A_158 = vector.broadcast %broadcast_in_dim3A_156 : vector<1000x1xf32> to vector<1000x1024xf32>
    %ge3A_159 = arith.cmpf oge, %dot_general3A_153, %ge3A_158 : vector<1000x1024xf32>
    %jit3A_160 = arith.constant 1073741824 : i32
    %broadcast_in_dim3A_161 = vector.broadcast %jit3A_160 : i32 to vector<1000x1024xi32>
    %select_n3A_162 = arith.select %ge3A_159, %iota3A_157, %broadcast_in_dim3A_161 : vector<1000x1024xi1>, vector<1000x1024xi32>
    %reduce_min3A_163 = arith.constant dense<2147483647> : vector<1000xi32>
    %reduce_min3A_164 = vector.multi_reduction <minsi>, %select_n3A_162, %reduce_min3A_163 [1] : vector<1000x1024xi32> to vector<1000xi32>
    %broadcast_in_dim3A_165 = vector.shape_cast %reduce_min3A_164 : vector<1000xi32> to vector<1000x1xi32>
    %eq3A_166 = vector.broadcast %broadcast_in_dim3A_165 : vector<1000x1xi32> to vector<1000x1024xi32>
    %eq3A_167 = arith.cmpi eq, %iota3A_157, %eq3A_166 : vector<1000x1024xi32>
    %convert_element_type3A_168 = arith.extui %eq3A_167 : vector<1000x1024xi1> to vector<1000x1024xi32>
    %convert_element_type3A_169 = arith.sitofp %convert_element_type3A_168 : vector<1000x1024xi32> to vector<1000x1024xf32>
    %get3A_170 = arith.constant 2 : index
    %get3A_171 = arith.constant 0 : index
    %get3A_172 = arith.constant 0 : index
    %get3A_173 = vector.load %arg5[%get3A_170, %get3A_171, %get3A_172] : memref<3x1024x256xf32, #tpu.memory_space<vmem>>, vector<1x1024x256xf32>
    %get3A_174 = vector.shape_cast %get3A_173 : vector<1x1024x256xf32> to vector<1024x256xf32>
    %dot_general3A_175 = arith.constant dense<0.000000e+00> : vector<1000x256xf32>
    %dot_general3A_176 = tpu.matmul %convert_element_type3A_169, %get3A_174, %dot_general3A_175 {dimension_numbers = #tpu.dot_dimension_numbers<[1], [0], [0], [1], [0, 0, 1, 1], [], []>, precision = #tpu.contract_precision<fp32>, transpose_lhs_hint = false} : vector<1000x1024xf32>, vector<1024x256xf32>, vector<1000x256xf32> -> vector<1000x256xf32>
    %sub3A_177 = arith.subf %dot_general3A_176, %sub3A_136 : vector<1000x256xf32>
    %get3A_178 = arith.constant 2 : index
    %get3A_179 = arith.constant 0 : index
    %get3A_180 = vector.load %arg11[%get3A_178, %get3A_179] : memref<8x256xf32, #tpu.memory_space<vmem>>, vector<1x256xf32>
    %mul3A_181 = arith.mulf %sub3A_177, %sub3A_177 : vector<1000x256xf32>
    %reduce_sum3A_182 = arith.constant dense<0.000000e+00> : vector<256xf32>
    %reduce_sum3A_183 = vector.multi_reduction <add>, %mul3A_181, %reduce_sum3A_182 [0] : vector<1000x256xf32> to vector<256xf32>
    %broadcast_in_dim3A_184 = vector.shape_cast %reduce_sum3A_183 : vector<256xf32> to vector<1x256xf32>
    %add3A_185 = arith.addf %get3A_180, %broadcast_in_dim3A_184 : vector<1x256xf32>
    %swap3A_186 = arith.constant 2 : index
    %swap3A_187 = arith.constant 0 : index
    %swap3A_188 = vector.load %arg11[%swap3A_186, %swap3A_187] : memref<8x256xf32, #tpu.memory_space<vmem>>, vector<1x256xf32>
    tpu.vector_store %arg11[%swap3A_186, %swap3A_187], %add3A_185 {strides = array<i32>} : memref<8x256xf32, #tpu.memory_space<vmem>>, vector<1x256xf32>,
    %broadcast_in_dim3A_189 = vector.shape_cast %reduce_min3A_164 : vector<1000xi32> to vector<1000x1xi32>
    %concatenate3A = tpu.concatenate %broadcast_in_dim3A_81, %broadcast_in_dim3A_135, %broadcast_in_dim3A_189 in 1 : vector<1000x1xi32>, vector<1000x1xi32>, vector<1000x1xi32> -> vector<1000x3xi32>
    %swap3A_190 = arith.constant 0 : index
    %swap3A_191 = arith.constant 0 : index
    %swap3A_192 = vector.load %arg9[%swap3A_190, %swap3A_191] : memref<1000x3xi32, #tpu.memory_space<vmem>>, vector<1000x3xi32>
    tpu.vector_store %arg9[%swap3A_190, %swap3A_191], %concatenate3A {strides = array<i32>} : memref<1000x3xi32, #tpu.memory_space<vmem>>, vector<1000x3xi32>,
    %get3A_193 = arith.constant 0 : index
    %get3A_194 = arith.constant 0 : index
    %get3A_195 = vector.load %arg6[%get3A_193, %get3A_194] : memref<1000x1xi32, #tpu.memory_space<vmem>>, vector<1000x1xi32>
    %iota3A_196 = tpu.iota {dimensions = array<i32: 1>} : vector<1000x128xi32>
    %eq3A_197 = vector.broadcast %get3A_195 : vector<1000x1xi32> to vector<1000x128xi32>
    %eq3A_198 = arith.cmpi eq, %eq3A_197, %iota3A_196 : vector<1000x128xi32>
    %convert_element_type3A_199 = arith.extui %eq3A_198 : vector<1000x128xi1> to vector<1000x128xi32>
    %convert_element_type3A_200 = arith.sitofp %convert_element_type3A_199 : vector<1000x128xi32> to vector<1000x128xf32>
    %get3A_201 = arith.constant 0 : index
    %get3A_202 = arith.constant 0 : index
    %get3A_203 = vector.load %arg10[%get3A_201, %get3A_202] : memref<128x256xf32, #tpu.memory_space<vmem>>, vector<128x256xf32>
    %dot_general3A_204 = arith.constant dense<0.000000e+00> : vector<128x256xf32>
    %dot_general3A_205 = tpu.matmul %convert_element_type3A_200, %add3A_22, %dot_general3A_204 {dimension_numbers = #tpu.dot_dimension_numbers<[0], [0], [1], [1], [0, 1, 1, 1], [], []>, precision = #tpu.contract_precision<fp32>, transpose_lhs_hint = false} : vector<1000x128xf32>, vector<1000x256xf32>, vector<128x256xf32> -> vector<128x256xf32>
    %add3A_206 = arith.addf %get3A_203, %dot_general3A_205 : vector<128x256xf32>
    %swap3A_207 = arith.constant 0 : index
    %swap3A_208 = arith.constant 0 : index
    %swap3A_209 = vector.load %arg10[%swap3A_207, %swap3A_208] : memref<128x256xf32, #tpu.memory_space<vmem>>, vector<128x256xf32>
    tpu.vector_store %arg10[%swap3A_207, %swap3A_208], %add3A_206 {strides = array<i32>} : memref<128x256xf32, #tpu.memory_space<vmem>>, vector<128x256xf32>,
    return
  }
  func.func @transform_0(%arg0: i32) -> (i32, i32) {
    %c0_i32 = arith.constant 0 : i32
    %c0_i32_0 = arith.constant 0 : i32
    return %arg0, %c0_i32 : i32, i32
  }
  func.func @transform_1(%arg0: i32) -> (i32, i32) {
    %c0_i32 = arith.constant 0 : i32
    %c0_i32_0 = arith.constant 0 : i32
    %c0_i32_1 = arith.constant 0 : i32
    return %c0_i32, %c0_i32_0 : i32, i32
  }
  func.func @transform_2(%arg0: i32) -> (i32, i32) {
    %c0_i32 = arith.constant 0 : i32
    %c0_i32_0 = arith.constant 0 : i32
    %c0_i32_1 = arith.constant 0 : i32
    return %c0_i32, %c0_i32_0 : i32, i32
  }
  func.func @transform_3(%arg0: i32) -> (i32, i32) {
    %c0_i32 = arith.constant 0 : i32
    %c0_i32_0 = arith.constant 0 : i32
    %c0_i32_1 = arith.constant 0 : i32
    return %c0_i32, %c0_i32_0 : i32, i32
  }
  func.func @transform_4(%arg0: i32) -> (i32, i32, i32) {
    %c0_i32 = arith.constant 0 : i32
    %c0_i32_0 = arith.constant 0 : i32
    %c0_i32_1 = arith.constant 0 : i32
    %c0_i32_2 = arith.constant 0 : i32
    return %c0_i32, %c0_i32_0, %c0_i32_1 : i32, i32, i32
  }
  func.func @transform_5(%arg0: i32) -> (i32, i32) {
    %c0_i32 = arith.constant 0 : i32
    %c0_i32_0 = arith.constant 0 : i32
    return %arg0, %c0_i32 : i32, i32
  }
  func.func @transform_6(%arg0: i32) -> (i32, i32) {
    %c0_i32 = arith.constant 0 : i32
    %c0_i32_0 = arith.constant 0 : i32
    return %arg0, %c0_i32 : i32, i32
  }
  func.func @transform_7(%arg0: i32) -> (i32, i32, i32) {
    %c0_i32 = arith.constant 0 : i32
    %c0_i32_0 = arith.constant 0 : i32
    %c0_i32_1 = arith.constant 0 : i32
    return %c0_i32, %arg0, %c0_i32_0 : i32, i32, i32
  }
  func.func @transform_8(%arg0: i32) -> (i32, i32) {
    %c0_i32 = arith.constant 0 : i32
    %c0_i32_0 = arith.constant 0 : i32
    return %arg0, %c0_i32 : i32, i32
  }
  func.func @transform_9(%arg0: i32) -> (i32, i32) {
    %c0_i32 = arith.constant 0 : i32
    %c0_i32_0 = arith.constant 0 : i32
    %c0_i32_1 = arith.constant 0 : i32
    return %c0_i32, %c0_i32_0 : i32, i32
  }
  func.func @transform_10(%arg0: i32) -> (i32, i32) {
    %c0_i32 = arith.constant 0 : i32
    %c0_i32_0 = arith.constant 0 : i32
    %c0_i32_1 = arith.constant 0 : i32
    return %c0_i32, %c0_i32_0 : i32, i32
  }
}

module attributes {stable_mosaic.version = 14 : i64} {
  func.func @_a_body(%arg0: i32, %arg1: memref<1000x256xf32, #tpu.memory_space<vmem>>, %arg2: memref<2x1000x128xf32, #tpu.memory_space<vmem>>, %arg3: memref<256x256xf32, #tpu.memory_space<vmem>>, %arg4: memref<1x256xf32, #tpu.memory_space<vmem>>, %arg5: memref<256x256xf32, #tpu.memory_space<vmem>>, %arg6: memref<1x256xf32, #tpu.memory_space<vmem>>, %arg7: memref<1000x256xf32, #tpu.memory_space<vmem>>) attributes {dimension_semantics = [#tpu.dimension_semantics<arbitrary>], iteration_bounds = array<i64: 10>, scalar_prefetch = 0 : i64, scratch_operands = 0 : i64, tpu.core_type = #tpu.core_type<tc>, window_params = [{transform_indices = @transform_0, window_bounds = array<i64: 1000, 256>}, {transform_indices = @transform_1, window_bounds = array<i64: 2, 1000, 128>}, {pipeline_mode = #tpu.pipeline_mode<synchronous>, transform_indices = @transform_2, window_bounds = array<i64: 256, 256>}, {pipeline_mode = #tpu.pipeline_mode<synchronous>, transform_indices = @transform_3, window_bounds = array<i64: 1, 256>}, {pipeline_mode = #tpu.pipeline_mode<synchronous>, transform_indices = @transform_4, window_bounds = array<i64: 256, 256>}, {pipeline_mode = #tpu.pipeline_mode<synchronous>, transform_indices = @transform_5, window_bounds = array<i64: 1, 256>}, {transform_indices = @transform_6, window_bounds = array<i64: 1000, 256>}]} {
    %get3A = arith.constant 0 : index
    %get3A_0 = arith.constant 0 : index
    %get3A_1 = vector.load %arg1[%get3A, %get3A_0] : memref<1000x256xf32, #tpu.memory_space<vmem>>, vector<1000x256xf32>
    %get3A_2 = arith.constant 0 : index
    %get3A_3 = arith.constant 0 : index
    %get3A_4 = arith.constant 0 : index
    %get3A_5 = vector.load %arg2[%get3A_2, %get3A_3, %get3A_4] : memref<2x1000x128xf32, #tpu.memory_space<vmem>>, vector<1x1000x128xf32>
    %get3A_6 = vector.shape_cast %get3A_5 : vector<1x1000x128xf32> to vector<1000x128xf32>
    %get3A_7 = arith.constant 1 : index
    %get3A_8 = arith.constant 0 : index
    %get3A_9 = arith.constant 0 : index
    %get3A_10 = vector.load %arg2[%get3A_7, %get3A_8, %get3A_9] : memref<2x1000x128xf32, #tpu.memory_space<vmem>>, vector<1x1000x128xf32>
    %get3A_11 = vector.shape_cast %get3A_10 : vector<1x1000x128xf32> to vector<1000x128xf32>
    %concatenate3A = tpu.concatenate %get3A_6, %get3A_11 in 1 : vector<1000x128xf32>, vector<1000x128xf32> -> vector<1000x256xf32>
    %add3A = arith.addf %get3A_1, %concatenate3A : vector<1000x256xf32>
    %get3A_12 = arith.constant 0 : index
    %get3A_13 = arith.constant 0 : index
    %get3A_14 = vector.load %arg3[%get3A_12, %get3A_13] : memref<256x256xf32, #tpu.memory_space<vmem>>, vector<256x256xf32>
    %dot_general3A = arith.constant dense<0.000000e+00> : vector<1000x256xf32>
    %dot_general3A_15 = tpu.matmul %add3A, %get3A_14, %dot_general3A {dimension_numbers = #tpu.dot_dimension_numbers<[1], [0], [0], [1], [0, 0, 1, 1], [], []>, transpose_lhs_hint = false} : vector<1000x256xf32>, vector<256x256xf32>, vector<1000x256xf32> -> vector<1000x256xf32>
    %get3A_16 = arith.constant 0 : index
    %get3A_17 = arith.constant 0 : index
    %get3A_18 = vector.load %arg4[%get3A_16, %get3A_17] : memref<1x256xf32, #tpu.memory_space<vmem>>, vector<1x256xf32>
    %add3A_19 = vector.broadcast %get3A_18 : vector<1x256xf32> to vector<1000x256xf32>
    %add3A_20 = arith.addf %dot_general3A_15, %add3A_19 : vector<1000x256xf32>
    %max3A = arith.constant 0.000000e+00 : f32
    %max3A_21 = vector.broadcast %max3A : f32 to vector<1000x256xf32>
    %max3A_22 = arith.maximumf %add3A_20, %max3A_21 : vector<1000x256xf32>
    %get3A_23 = arith.constant 0 : index
    %get3A_24 = arith.constant 0 : index
    %get3A_25 = vector.load %arg5[%get3A_23, %get3A_24] : memref<256x256xf32, #tpu.memory_space<vmem>>, vector<256x256xf32>
    %dot_general3A_26 = arith.constant dense<0.000000e+00> : vector<1000x256xf32>
    %dot_general3A_27 = tpu.matmul %max3A_22, %get3A_25, %dot_general3A_26 {dimension_numbers = #tpu.dot_dimension_numbers<[1], [0], [0], [1], [0, 0, 1, 1], [], []>, transpose_lhs_hint = false} : vector<1000x256xf32>, vector<256x256xf32>, vector<1000x256xf32> -> vector<1000x256xf32>
    %get3A_28 = arith.constant 0 : index
    %get3A_29 = arith.constant 0 : index
    %get3A_30 = vector.load %arg6[%get3A_28, %get3A_29] : memref<1x256xf32, #tpu.memory_space<vmem>>, vector<1x256xf32>
    %add3A_31 = vector.broadcast %get3A_30 : vector<1x256xf32> to vector<1000x256xf32>
    %add3A_32 = arith.addf %dot_general3A_27, %add3A_31 : vector<1000x256xf32>
    %max3A_33 = arith.constant 0.000000e+00 : f32
    %max3A_34 = vector.broadcast %max3A_33 : f32 to vector<1000x256xf32>
    %max3A_35 = arith.maximumf %add3A_32, %max3A_34 : vector<1000x256xf32>
    %swap3A = arith.constant 0 : index
    %swap3A_36 = arith.constant 0 : index
    %swap3A_37 = vector.load %arg7[%swap3A, %swap3A_36] : memref<1000x256xf32, #tpu.memory_space<vmem>>, vector<1000x256xf32>
    tpu.vector_store %arg7[%swap3A, %swap3A_36], %max3A_35 {strides = array<i32>} : memref<1000x256xf32, #tpu.memory_space<vmem>>, vector<1000x256xf32>,
    return
  }
  func.func @transform_0(%arg0: i32) -> (i32, i32) {
    %c0_i32 = arith.constant 0 : i32
    %c0_i32_0 = arith.constant 0 : i32
    return %arg0, %c0_i32 : i32, i32
  }
  func.func @transform_1(%arg0: i32) -> (i32, i32, i32) {
    %c0_i32 = arith.constant 0 : i32
    %c0_i32_0 = arith.constant 0 : i32
    %c0_i32_1 = arith.constant 0 : i32
    return %c0_i32, %arg0, %c0_i32_0 : i32, i32, i32
  }
  func.func @transform_2(%arg0: i32) -> (i32, i32) {
    %c0_i32 = arith.constant 0 : i32
    %c0_i32_0 = arith.constant 0 : i32
    %c0_i32_1 = arith.constant 0 : i32
    return %c0_i32, %c0_i32_0 : i32, i32
  }
  func.func @transform_3(%arg0: i32) -> (i32, i32) {
    %c0_i32 = arith.constant 0 : i32
    %c0_i32_0 = arith.constant 0 : i32
    %c0_i32_1 = arith.constant 0 : i32
    return %c0_i32, %c0_i32_0 : i32, i32
  }
  func.func @transform_4(%arg0: i32) -> (i32, i32) {
    %c0_i32 = arith.constant 0 : i32
    %c0_i32_0 = arith.constant 0 : i32
    %c0_i32_1 = arith.constant 0 : i32
    return %c0_i32, %c0_i32_0 : i32, i32
  }
  func.func @transform_5(%arg0: i32) -> (i32, i32) {
    %c0_i32 = arith.constant 0 : i32
    %c0_i32_0 = arith.constant 0 : i32
    %c0_i32_1 = arith.constant 0 : i32
    return %c0_i32, %c0_i32_0 : i32, i32
  }
  func.func @transform_6(%arg0: i32) -> (i32, i32) {
    %c0_i32 = arith.constant 0 : i32
    %c0_i32_0 = arith.constant 0 : i32
    return %arg0, %c0_i32 : i32, i32
  }
}

</mosaic_0001>

<sc_bundles>
// kernel: gather_offload_async_start.1
scs
__scs_entry_jumppad:
0x0: {  	(pc) =	sbr.rel $0x88, $3  }
0x1: {  	(tag) =	ssettag $0x0;
	lr =	simm.s32 $0x1  }
0x2: {  	[smem:$0x3F89] =	sst lr;
	_ =	strace $0xD0000000  }
0x3: {  	_ = 	snop  }
0x4: {  	_ = 	snop  }
0x5: {  	_ = 	snop  }
0x6: {  	_ = 	snop  }
0x7: {  	_ = 	snop  }
__scs_overlays_trampoline_lowered:
0x8: {  	[smem:$0x3F98] =	sst s0  }
0x9: {  	[smem:$0x3F99] =	sst s1  }
0xa: {  	[smem:$0x3F9A] =	sst s2  }
0xb: {  	[smem:$0x3F9B] =	sst s3  }
0xc: {  	[smem:$0x3F9C] =	sst s4  }
0xd: {  	[smem:$0x3F9D] =	sst s5  }
0xe: {  	[smem:$0x3F9E] =	sst s6  }
0xf: {  	[smem:$0x3F9F] =	sst s7  }
0x10: {  	[smem:$0x3FA0] =	sst s8  }
0x11: {  	[smem:$0x3FA1] =	sst s9;
	s0 =	simm.s32 @!p0 $0x0  }
0x12: {  	s1 =	sld [smem:$0x3F87];
	s0 =	simm.s32 @p0 $0x1  }
0x13: {  	[smem:$0x3FA2] =	sst s0;
	s0 =	simm.s32 @!p1 $0x0  }
0x14: {  	s2 =	sld [smem:$0x3F86];
	s0 =	simm.s32 @p1 $0x1  }
0x15: {  	[smem:$0x3FA3] =	sst s0;
	s0 =	simm.s32 @!p2 $0x0  }
0x16: {  	s3 =	sld [smem:$0x3FDB];
	s0 =	simm.s32 @p2 $0x1  }
0x17: {  	s4 =	simm.s32 $0x1BF5;
	[smem:$0x3FA5] =	sst s0  }
0x18: {  	s0 =	sld [smem:$0x3F88];
	_ =	swait.ge [sflag:s4], $0x0  }
0x19: {  	s7 =	sld [smem:$0x3F89]  }
0x1a: {  	s8 =	sadd.s32 $0xFFFFE003, lr  }
0x1b: {  	s9 =	sadd.s32 $0xFFFFFEF7, lr;
	s5 =	simm.s32 $0xFFFFFFFF;
	p2 =	slt.u32 s8, $0xFFFFF086  }
0x1c: {  	p1 =	slt.u32 s9, $0xF7A;
	s5 =	simm.s32 @!p2 $0x0  }
0x1d: {  	s5 =	simm.s32 @p1 $0x1;
	p0 =	seq.s32 s7, s2  }
0x1e: {  	s7 =	smul.u32 @!p0 $0xF7A, s2;
	p2 =	seq.s32 @!p0 s5, $0x0  }
0x1f: {  	s9 =	smul.u32 $0xF7A, s1;
	s8 =	simm.s32 @!p0 $0x1BF5;
	p2 =	por !p2, p0  }
0x20: {  	[sflag:s8] =	ssyncset.s32 @!p0 $0xFFFFF086;
	s6 =	sadd.s32 @!p0 s3, s7;
	s7 =	simm.s32 @!p0 $0x108  }
0x21: {  	s3 =	sadd.s32 s3, s9;
	s6 =	sadd.s32 @!p0 $0x88, s6;
	s7 =	simm.s32 @p2 $0x1082  }
0x22: {  	[simem:s7], [sflag:s8] =	dma.local @!p0 [hbm:s6], $0xF7A  }
0x23: {  	s9 =	sor.u32 $0xD0000000, s2;
	s6 =	simm.s32 $0x108;
	_ =	swait.ge @!p0 [sflag:s8], $0x0  }
0x24: {  	s3 =	sadd.s32 $0x88, s3;
	s6 =	simm.s32 @!p1 $0x1082;
	[sflag:s4] =	ssyncset.s32 $0xFFFFF086  }
0x25: {  	[simem:s6], [sflag:s4] =	dma.local [hbm:s3], $0xF7A  }
0x26: {  	[smem:$0x3F89] =	sst s1;
	(tag) =	ssettag s2;
	_ =	strace s9  }
0x27: {  	s1 =	sld [smem:$0x3F99]  }
0x28: {  	s2 =	sld [smem:$0x3F9A]  }
0x29: {  	s4 =	sld [smem:$0x3F9C]  }
0x2a: {  	p0 =	seq.s32 s5, $0x0;
	s5 =	sld [smem:$0x3F9D]  }
0x2b: {  	s6 =	sld [smem:$0x3F9E]  }
0x2c: {  	s7 =	sld [smem:$0x3F9F]  }
0x2d: {  	s3 =	simm.s32 $0x108;
	s8 =	sld [smem:$0x3FA0]  }
0x2e: {  	s3 =	simm.s32 @!p0 $0x1082;
	s9 =	sld [smem:$0x3FA1]  }
0x2f: {  	lr =	sadd.s32 s0, s3;
	s0 =	sld [smem:$0x3F98]  }
0x30: {  	s3 =	sld [smem:$0x3F9B]  }
0x31: {  	[smem:$0x3FA4] =	sst s10  }
0x32: {  	s10 =	sld [smem:$0x3FA2];
	_ =	sdelay $0x3  }
0x33: {  	p0 =	seq.s32 s10, $0x1;
	s10 =	sld [smem:$0x3FA4];
	_ =	sdelay $0x3  }
0x34: {  	[smem:$0x3FA4] =	sst s10  }
0x35: {  	s10 =	sld [smem:$0x3FA3];
	_ =	sdelay $0x3  }
0x36: {  	p1 =	seq.s32 s10, $0x1;
	s10 =	sld [smem:$0x3FA4];
	_ =	sdelay $0x3  }
0x37: {  	[smem:$0x3FA4] =	sst s10  }
0x38: {  	s10 =	sld [smem:$0x3FA5]  }
0x39: {  	_ = 	snop;
	(pc) =	sbr.ind lr, $3  }
0x3a: {  	_ = 	snop  }
0x3b: {  	_ = 	snop  }
0x3c: {  	p2 =	seq.s32 s10, $0x1;
	s10 =	sld [smem:$0x3FA4]  }
0x3d: {  	_ =	shalt  }
0x3e: {  	_ =	shalt  }
0x3f: {  	_ =	shalt  }
0x40: {  	_ =	shalt  }
0x41: {  	_ =	shalt  }
0x42: {  	_ =	shalt  }
0x43: {  	_ =	shalt  }
0x44: {  	_ =	shalt  }
0x45: {  	_ =	shalt  }
0x46: {  	_ =	shalt  }
0x47: {  	_ =	shalt  }
0x48: {  	_ =	shalt  }
0x49: {  	_ =	shalt  }
0x4a: {  	_ =	shalt  }
0x4b: {  	_ =	shalt  }
0x4c: {  	_ =	shalt  }
0x4d: {  	_ =	shalt  }
0x4e: {  	_ =	shalt  }
0x4f: {  	_ =	shalt  }
0x50: {  	_ =	shalt  }
0x51: {  	_ =	shalt  }
0x52: {  	_ =	shalt  }
0x53: {  	_ =	shalt  }
0x54: {  	_ =	shalt  }
0x55: {  	_ =	shalt  }
0x56: {  	_ =	shalt  }
0x57: {  	_ =	shalt  }
0x58: {  	_ =	shalt  }
0x59: {  	_ =	shalt  }
0x5a: {  	_ =	shalt  }
0x5b: {  	_ =	shalt  }
0x5c: {  	_ =	shalt  }
0x5d: {  	_ =	shalt  }
0x5e: {  	_ =	shalt  }
0x5f: {  	_ =	shalt  }
0x60: {  	_ =	shalt  }
0x61: {  	_ =	shalt  }
0x62: {  	_ =	shalt  }
0x63: {  	_ =	shalt  }
0x64: {  	_ =	shalt  }
0x65: {  	_ =	shalt  }
0x66: {  	_ =	shalt  }
0x67: {  	_ =	shalt  }
0x68: {  	_ =	shalt  }
0x69: {  	_ =	shalt  }
0x6a: {  	_ =	shalt  }
0x6b: {  	_ =	shalt  }
0x6c: {  	_ =	shalt  }
0x6d: {  	_ =	shalt  }
0x6e: {  	_ =	shalt  }
0x6f: {  	_ =	shalt  }
0x70: {  	_ =	shalt  }
0x71: {  	_ =	shalt  }
0x72: {  	_ =	shalt  }
0x73: {  	_ =	shalt  }
0x74: {  	_ =	shalt  }
0x75: {  	_ =	shalt  }
0x76: {  	_ =	shalt  }
0x77: {  	_ =	shalt  }
0x78: {  	_ =	shalt  }
0x79: {  	_ =	shalt  }
0x7a: {  	_ =	shalt  }
0x7b: {  	_ =	shalt  }
0x7c: {  	_ =	shalt  }
0x7d: {  	_ =	shalt  }
0x7e: {  	_ =	shalt  }
0x7f: {  	_ =	shalt  }
0x80: {  	_ =	shalt  }
0x81: {  	_ =	shalt  }
0x82: {  	_ =	shalt  }
0x83: {  	_ =	shalt  }
0x84: {  	_ =	shalt  }
0x85: {  	_ =	shalt  }
0x86: {  	_ =	shalt  }
0x87: {  	_ =	shalt  }
.Lfunc_end0:
.L_simem_size_0:
called_computation.1_lowered:
.L_overlay_start_0:
0x88: {  	s2 =	sld [smem:$0x3FD9]  }
0x89: {  	s3 =	sld [smem:$0x3FFE];
	_ =	sdelay $0x1  }
0x8a: {  	s1 =	srdreg.scid  }
0x8b: {  	s0 =	sand.u32 $0x1, s1  }
0x8c: {  	s16 =	sshll.u32 s0, $0xA;
	s2 =	sadd.s32 s3, s2  }
0x8d: {  	s2 =	sadd.s32 s2, s16  }
0x8e: {  	[smem:$0x3FB0] =	sst s2  }
0x8f: {  	_ = 	snop  }
0x90: {  	(tm) =	ssettm $0x1  }
0x91: {  	s17 =	sld [smem:$0x3FFB];
	_ =	sdelay $0x3  }
0x92: {  	_ =	strace s17  }
0x93: {  	s2 =	sld [smem:$0x3FFC];
	_ =	sdelay $0x3  }
0x94: {  	_ =	strace s2  }
0x95: {  	s2 =	sld [smem:$0x3FFD];
	_ =	sdelay $0x3  }
0x96: {  	_ =	strace s2  }
0x97: {  	_ =	strace $0x8FFFFFFF  }
0x98: {  	s18 =	sld [smem:$0x3FDB];
	_ =	sdelay $0x1  }
0x99: {  	s19 =	simm.s32 $_scs_section_size  }
0x9a: {  	s4 =	simm.s32 $_size__tile_overlayer_lowered;
	s5 =	simm.s32 $_tile_overlayer_lowered  }
0x9b: {  	s22 =	simm.s32 $0x1BFF;
	s21 =	sshll.u32 s5, $0x1;
	s2 =	sadd.s32 s19, s18  }
0x9c: {  	s6 =	simm.s32 $0x0;
	s20 =	sshll.u32 s4, $0x1;
	s4 =	sadd.s32 s21, s2  }
0x9d: {  	[timem:s6], [sflag:s22] =	dma.local [hbm:s4], s20  }
0x9e: {  	_ =	swait.ge [sflag:s22], s20  }
0x9f: {  	s3 =	ssub.s32 $0x0, s20;
	[sflag:s22] =	ssyncset.done $0x0  }
0xa0: {  	[sflag:s22] =	ssyncadd.s32 s3;
	_ =	sdelay $0x1  }
0xa1: {  	s23 =	simm.s32 $0x1B8B  }
0xa2: {  	_ =	swait.ge [sflag:s23], $0x1  }
0xa3: {  	[sflag:s23] =	ssyncset.done $0x0  }
0xa4: {  	s25 =	simm.s32 $0x1B8E;
	s24 =	sld [smem:$0x3FFE];
	[sflag:s23] =	ssyncadd.s32 $0xFFFFFFFF  }
0xa5: {  	s26 =	simm.s32 $execute0_lowered;
	[smem:$0x3FD2] =	sst s25  }
0xa6: {  	s4 =	sshll.u32 s26, $0x1;
	_ =	strace $0x80000049;
	[dreg:$0x1] =	wrdreg $0xFFFFFFFF  }
0xa7: {  	s28 =	simm.s32 $_size_execute0_lowered;
	s2 =	sadd.s32 s2, s4;
	[dreg:$0x0] =	wrdreg $0x0  }
0xa8: {  	s4 =	sshll.u32 s28, $0x1;
	[dreg:$0x2] =	wrdreg s2  }
0xa9: {  	[dreg:$0x3] =	wrdreg s4  }
0xaa: {  	[dreg:$0x4] =	wrdreg $0xC0  }
0xab: {  	_ =	task [dreg:s6], $0x5FFFF  }
0xac: {  	[dreg:$0x1] =	wrdreg $0xFFFFFFFF  }
0xad: {  	[dreg:$0x0] =	wrdreg $0x60  }
0xae: {  	[dreg:$0x2] =	wrdreg s24  }
0xaf: {  	[dreg:$0x3] =	wrdreg $0x9  }
0xb0: {  	_ =	task.clear_ibuf [dreg:s6], $0x4FFFF;
	_ =	strace $0x90000049  }
0xb1: {  	s29 =	simm.s32 $0x9;
	_ =	strace $0x8000004B  }
0xb2: {  	_ =	swait.ge [sflag:s29], $0x1  }
0xb3: {  	[sflag:s29] =	ssyncadd.s32 $0xFFFFFFFF  }
0xb4: {  	_ =	strace $0x9000004B  }
0xb5: {  	_ =	sfence  }
0xb6: {  	s30 =	sld [smem:$0x0];
	_ =	sdelay $0x2  }
0xb7: {  	s31 =	sshll.u32 s1, $0xD;
	s1 =	sshrl.u32 s1, $0x2  }
0xb8: {  	s3 =	sand.u32 $0x4000, s31;
	s1 =	sadd.s32 s1, s30  }
0xb9: {  	s0 =	sor.u32 s3, s0;
	s1 =	sshll.u32 s1, $0x11  }
0xba: {  	s0 =	sor.u32 s1, s0  }
0xbb: {  	s0 =	sadd.s32 $0x8F2B, s0  }
0xbc: {  	[sflag:s0] =	ssyncadd.remote.s32 $0x1  }
0xbd: {  	_ =	sfence.sel $0xFFFF  }
0xbe: {  	[dreg:$0x0] =	wrdreg $0xFFFFFFFF;
	(pc) =	sbr.abs _section_cstart, $3  }
0xbf: {  	[dreg:$0x1] =	wrdreg $0xFFFFFFFF  }
0xc0: {  	_ =	task.clear_ibuf [dreg:s6], $0x2FFFF;
	_ =	strace $0x9FFFFFFF  }
0xc1: {  	(tm) =	ssettm $0x7FFFFFFF  }
tec
execute0_lowered:
.L_overlay_start_1:
0x0: {  	(tag) =	ssettag $0x1  }
0x1: {  	s8 =	rddreg [dreg:$0x0]  }
0x2: {  	s0 =	rddreg [dreg:$0x1];
	_ =	strace $0x8000004A;
	s1 =	stileid.u32  }
0x3: {  	s3 =	srdreg.scid;
	s4 =	simm.s32 $0x1;
	s7 =	simm.s32 $0x1  }
0x4: {  	s9 =	simm.s32 $0x1;
	s10 =	simm.s32 $0x3;
	s13 =	simm.s32 $0x0  }
0x5: {  	s12 =	simm.s32 $0x0;
	s5 =	sand.u32 $0x1, s3;
	s6 =	sshll.u32 s1, $0x1  }
0x6: {  	s2 =	sadd.s32 $0x2E00, s8;
	s3 =	sadd.s32 $0xCC00, s8;
	s5 =	sor.u32 s6, s5  }
.Ltmp0:
0x7: {  	[sflag:s4] =	ssyncpa.u1 $0x0;
	p0 =	slt.u32 s5, $0x9;
	(pc) =	sbr.rel .LBB2_1-.Ltmp0, $4  }
0x8: {  	s6 =	simm.s32 $0x2;
	s7 =	simm.s32 @!p0 $0x0;
	p0 =	sne.s32 s5, $0x8  }
0x9: {  	[sflag:s6] =	ssyncpa.u1 $0x0;
	s5 =	smul.u32 $0x1F40, s5;
	s9 =	simm.s32 @!p0 $0x0  }
0xa: {  	s8 =	sadd.s32 $0x6EA00, s8;
	[sflag:s10] =	ssyncpa.u1 $0x0;
	s7 =	sadd.s32 s9, s7  }
0xb: {  	vm0 =	vmmov $0xffff;
	s10 =	simm.s32 $0x0;
	s11 =	smov.u32 s5;
	s9 =	sadd.s32 $0x1, s7  }
.LBB2_4:
0xc: {  	v2 =	vnsel vm1, $0x0, v2  }
0xd: {  	vm1 =	vgt.s32 v0, $0x0;
	v2 =	vmin.u32 v2, $0x4E1FF  }
0xe: {  	v0 =	vnsel vm1, $0x0, v0  }
0xf: {  	v0 =	vmin.u32 v0, $0x4E1FF  }
0x10: {  	[tilespmem:s18], [sflag:$0x1] =	stream.indirect_vreg.gather [hbm4b:s2+s10], $0x1, v1, vm0, $0x4038;
	[tilespmem:$0x7D00] =	vst v63  }
0x11: {  	(ifvalue) =	ssetifvalue $0x7FFFFFFF  }
0x12: {  	[tilespmem:s15], [sflag:$0x1] =	stream.indirect_vreg.gather [hbm4b:s2+s10], $0x1, v2, vm0, $0x4038;
	[tilespmem:$0x7D00] =	vst v63  }
0x13: {  	s29 =	sadd.s32 $0x10, s15;
	(ifvalue) =	ssetifvalue $0x7FFFFFFF  }
0x14: {  	[tilespmem:s29], [sflag:$0x1] =	stream.indirect_vreg.gather [hbm4b:s2+s10], $0x1, v0, vm0, $0x4038;
	[tilespmem:$0x7D00] =	vst v63  }
0x15: {  	_ =	swait.ge [sflag:s4], $0x1F40  }
0x16: {  	s30 =	sshrl.u32 s13, $0x3;
	[sflag:s4] =	ssyncset.done $0x0  }
0x17: {  	s31 =	sand.u32 $0x7, s13;
	s15 =	sadd.s32 s8, s30;
	[sflag:s4] =	ssyncadd.s32 $0xFFFFE0C0  }
0x18: {  	[hbm4b:s15+s31] =	stream.linear.scatter [tilespmem:s14], [sflag:$0x3], $0x1F40, $0x38;
	[tilespmem:$0x7D00] =	vst v63  }
.LBB2_5:
0x19: {  	s15 =	sadd.s32 $0x3E800, s11  }
0x1a: {  	p1 =	sgt.s32 s15, $0x4E1FF  }
0x1b: {  	s15 =	smov.u32 @p1 s5;
	p1 =	sne.s32 s12, s9  }
.Ltmp1:
0x1c: {  	p0 =	slt.u32 s12, $0x2;
	(pc) =	sbr.rel @!p1 .LBB2_6-.Ltmp1, $4  }
0x1d: {  	s14 =	simm.s32 @!p0 $0x3  }
0x1e: {  	_ =	swait.ge @!p0 [sflag:s14], $0x1F40  }
0x1f: {  	s16 =	sadd.s32 $0x1, s12;
	s13 =	smov.u32 s11;
	[sflag:s14] =	ssyncset.done @!p0 $0x0  }
0x20: {  	s12 =	smov.u32 s16;
	s11 =	smov.u32 s15;
	[sflag:s14] =	ssyncadd.s32 @!p0 $0xFFFFE0C0  }
.LBB2_1:
0x21: {  	p0 =	sge.u32 s12, s7  }
0x22: {  	s14 =	sxor.u32 @!p0 $0x1, s12  }
0x23: {  	s14 =	smul.u32 @!p0 $0x7D00, s14  }
0x24: {  	s31 =	sadd.s32 $0xFFFFFFFF, s12;
	s15 =	sshrl.u32 @!p0 s11, $0x3  }
0x25: {  	s16 =	sand.u32 @!p0 $0x7, s11;
	s15 =	sadd.s32 @!p0 s3, s15;
	s14 =	sshra.s32 @!p0 s14, $0x2  }
0x26: {  	[tilespmem:s14], [sflag:$0x2] =	stream.linear.gather @!p0 [hbm4b:s15+s16], $0x1F40, $0x38;
	[tilespmem:$0x7D00] =	vst v63  }
0x27: {  	p0 =	sge.u32 s31, s7  }
.Ltmp2:
0x28: {  	_ = 	snop;
	(pc) =	sbr.rel @p0 .LBB2_5-.Ltmp2, $1  }
0x29: {  	_ =	sdelay $0x3  }
0x2a: {  	s14 =	sand.u32 $0x1, s12  }
0x2b: {  	_ =	swait.ge [sflag:s6], $0x1F40;
	p0 =	seq.s32 s14, $0x1;
	s14 =	simm.s32 $0x1F40  }
0x2c: {  	[sflag:s6] =	ssyncset.done $0x0;
	s14 =	simm.s32 @!p0 $0x0  }
0x2d: {  	[sflag:s6] =	ssyncadd.s32 $0xFFFFE0C0;
	(ifvalue) =	ssetifvalue $0x7FFFFFFF;
	v0 =	vld.msk [tilespmem:s14+$0x0 ss:$0x1], $0xffff;
	_ =	sdelay $0x4  }
0x2e: {  	s15 =	sadd.s32 $0x10, s14;
	vm1 =	vgt.s32 v0, $0x0  }
0x2f: {  	v2 =	vld.msk [tilespmem:s15+$0x0 ss:$0x1], $0xffff;
	v1 =	vnsel vm1, $0x0, v0  }
0x30: {  	v1 =	vmin.u32 v1, $0x4E1FF;
	_ =	sdelay $0x2  }
0x31: {  	s17 =	simm.s32 $0x20;
	s14 =	sadd.s32 $0x3E80, s14;
	s16 =	sadd.s32 $0x10, s15  }
0x32: {  	s15 =	sadd.s32 $0x10, s14;
	s18 =	smov.u32 s14;
	v0 =	vld.msk [tilespmem:s16+$0x0 ss:$0x1], $0xffff;
	vm1 =	vgt.s32 v2, $0x0;
	(ifvalue) =	ssetifvalue $0x7FFFFFFF  }
.LBB2_3:
0x33: {  	[tilespmem:s18], [sflag:$0x1] =	stream.indirect_vreg.gather [hbm4b:s2+s10], $0x1, v1, vm0, $0x4038;
	[tilespmem:$0x7D00] =	vst v63  }
0x34: {  	s17 =	sadd.s32 $0x10, s17  }
0x35: {  	v2 =	vnsel vm1, $0x0, v2;
	p0 =	slt.u32 s17, $0x1F30  }
.Ltmp3:
0x36: {  	s18 =	smov.u32 s15;
	v1 =	vmin.u32 v2, $0x4E1FF;
	(pc) =	sbr.rel @p0 .LBB2_3-.Ltmp3, $3  }
0x37: {  	_ =	sdelay $0x1  }
0x38: {  	s16 =	sadd.s32 $0x10, s16  }
0x39: {  	vm1 =	vgt.s32 v0, $0x0;
	s15 =	sadd.s32 $0x10, s15;
	v2 =	vmov v0;
	(ifvalue) =	ssetifvalue $0x7FFFFFFF;
	v0 =	vld.msk [tilespmem:s16+$0x0 ss:$0x1], $0xffff  }
.Ltmp4:
0x3a: {  	_ = 	snop;
	(pc) =	sbr.rel .LBB2_4-.Ltmp4, $1  }
0x3b: {  	_ =	sdelay $0x3  }
.LBB2_6:
0x3c: {  	_ =	sfence.sel $0x180000  }
0x3d: {  	s2 =	simm.s32 $0x2;
	[bflag:$0x0] =	sbarrier.arrive $0xFFFF  }
0x3e: {  	s30 =	simm.s32 $0x3;
	[sflag:s2] =	ssyncpa.u1 $0x1  }
0x3f: {  	s31 =	simm.s32 $0x1;
	[sflag:s30] =	ssyncpa.u1 $0x1  }
0x40: {  	[sflag:s31] =	ssyncpa.u1 $0x1  }
0x41: {  	p0 =	sne.s32 s1, $0x0;
	_ =	strace $0x9000004A  }
0x42: {  	s0 =	sadd.s32 @!p0 $0x100000, s0;
	[bflag:$0x2] =	sbarrier.arrive $0xFFFF  }
0x43: {  	[sflag:s0] =	ssyncadd.tile.s32 @!p0 $0x1;
	_ =	shalt  }
.Lfunc_end2:
_tile_overlayer_lowered:
.L_overlay_start_2:
0x44: {  	(tag) =	ssettag $0x2  }
0x45: {  	s0 =	rddreg [dreg:$0x0];
	s2 =	stileid.u32  }
0x46: {  	s1 =	rddreg [dreg:$0x1];
	p0 =	sne.s32 s2, $0x0  }
0x47: {  	s3 =	rddreg [dreg:$0x2];
	[bflag:$0x3] =	sbarrier.arrive $0xFFFF;
	s2 =	simm.s32 @!p0 $0x1C01  }
0x48: {  	[timem:s3], [sflag:s2] =	dma.local @!p0 [hbm:s0], s1  }
0x49: {  	s0 =	simm.s32 @!p0 $0x1  }
0x4a: {  	_ =	swait.ge @!p0 [sflag:s0], s1  }
0x4b: {  	s1 =	ssub.s32 @!p0 $0x0, s1;
	[sflag:s0] =	ssyncset.done @!p0 $0x0  }
0x4c: {  	[sflag:s0] =	ssyncadd.s32 @!p0 s1  }
0x4d: {  	[bflag:$0x3] =	sbarrier.arrive $0xFFFF  }
0x4e: {  	_ =	shalt  }

// kernel: gather_offload_async_start.2
scs
__scs_entry_jumppad:
0x0: {  	(pc) =	sbr.rel $0x88, $3  }
0x1: {  	(tag) =	ssettag $0x0;
	lr =	simm.s32 $0x1  }
0x2: {  	[smem:$0x3F89] =	sst lr;
	_ =	strace $0xD0000000  }
0x3: {  	_ = 	snop  }
0x4: {  	_ = 	snop  }
0x5: {  	_ = 	snop  }
0x6: {  	_ = 	snop  }
0x7: {  	_ = 	snop  }
__scs_overlays_trampoline_lowered:
0x8: {  	[smem:$0x3F98] =	sst s0  }
0x9: {  	[smem:$0x3F99] =	sst s1  }
0xa: {  	[smem:$0x3F9A] =	sst s2  }
0xb: {  	[smem:$0x3F9B] =	sst s3  }
0xc: {  	[smem:$0x3F9C] =	sst s4  }
0xd: {  	[smem:$0x3F9D] =	sst s5  }
0xe: {  	[smem:$0x3F9E] =	sst s6  }
0xf: {  	[smem:$0x3F9F] =	sst s7  }
0x10: {  	[smem:$0x3FA0] =	sst s8  }
0x11: {  	[smem:$0x3FA1] =	sst s9;
	s0 =	simm.s32 @!p0 $0x0  }
0x12: {  	s1 =	sld [smem:$0x3F87];
	s0 =	simm.s32 @p0 $0x1  }
0x13: {  	[smem:$0x3FA2] =	sst s0;
	s0 =	simm.s32 @!p1 $0x0  }
0x14: {  	s2 =	sld [smem:$0x3F86];
	s0 =	simm.s32 @p1 $0x1  }
0x15: {  	[smem:$0x3FA3] =	sst s0;
	s0 =	simm.s32 @!p2 $0x0  }
0x16: {  	s3 =	sld [smem:$0x3FDB];
	s0 =	simm.s32 @p2 $0x1  }
0x17: {  	s4 =	simm.s32 $0x1BF5;
	[smem:$0x3FA5] =	sst s0  }
0x18: {  	s0 =	sld [smem:$0x3F88];
	_ =	swait.ge [sflag:s4], $0x0  }
0x19: {  	s7 =	sld [smem:$0x3F89]  }
0x1a: {  	s8 =	sadd.s32 $0xFFFFE003, lr  }
0x1b: {  	s9 =	sadd.s32 $0xFFFFFEF7, lr;
	s5 =	simm.s32 $0xFFFFFFFF;
	p2 =	slt.u32 s8, $0xFFFFF086  }
0x1c: {  	p1 =	slt.u32 s9, $0xF7A;
	s5 =	simm.s32 @!p2 $0x0  }
0x1d: {  	s5 =	simm.s32 @p1 $0x1;
	p0 =	seq.s32 s7, s2  }
0x1e: {  	s7 =	smul.u32 @!p0 $0xF7A, s2;
	p2 =	seq.s32 @!p0 s5, $0x0  }
0x1f: {  	s9 =	smul.u32 $0xF7A, s1;
	s8 =	simm.s32 @!p0 $0x1BF5;
	p2 =	por !p2, p0  }
0x20: {  	[sflag:s8] =	ssyncset.s32 @!p0 $0xFFFFF086;
	s6 =	sadd.s32 @!p0 s3, s7;
	s7 =	simm.s32 @!p0 $0x108  }
0x21: {  	s3 =	sadd.s32 s3, s9;
	s6 =	sadd.s32 @!p0 $0x88, s6;
	s7 =	simm.s32 @p2 $0x1082  }
0x22: {  	[simem:s7], [sflag:s8] =	dma.local @!p0 [hbm:s6], $0xF7A  }
0x23: {  	s9 =	sor.u32 $0xD0000000, s2;
	s6 =	simm.s32 $0x108;
	_ =	swait.ge @!p0 [sflag:s8], $0x0  }
0x24: {  	s3 =	sadd.s32 $0x88, s3;
	s6 =	simm.s32 @!p1 $0x1082;
	[sflag:s4] =	ssyncset.s32 $0xFFFFF086  }
0x25: {  	[simem:s6], [sflag:s4] =	dma.local [hbm:s3], $0xF7A  }
0x26: {  	[smem:$0x3F89] =	sst s1;
	(tag) =	ssettag s2;
	_ =	strace s9  }
0x27: {  	s1 =	sld [smem:$0x3F99]  }
0x28: {  	s2 =	sld [smem:$0x3F9A]  }
0x29: {  	s4 =	sld [smem:$0x3F9C]  }
0x2a: {  	p0 =	seq.s32 s5, $0x0;
	s5 =	sld [smem:$0x3F9D]  }
0x2b: {  	s6 =	sld [smem:$0x3F9E]  }
0x2c: {  	s7 =	sld [smem:$0x3F9F]  }
0x2d: {  	s3 =	simm.s32 $0x108;
	s8 =	sld [smem:$0x3FA0]  }
0x2e: {  	s3 =	simm.s32 @!p0 $0x1082;
	s9 =	sld [smem:$0x3FA1]  }
0x2f: {  	lr =	sadd.s32 s0, s3;
	s0 =	sld [smem:$0x3F98]  }
0x30: {  	s3 =	sld [smem:$0x3F9B]  }
0x31: {  	[smem:$0x3FA4] =	sst s10  }
0x32: {  	s10 =	sld [smem:$0x3FA2];
	_ =	sdelay $0x3  }
0x33: {  	p0 =	seq.s32 s10, $0x1;
	s10 =	sld [smem:$0x3FA4];
	_ =	sdelay $0x3  }
0x34: {  	[smem:$0x3FA4] =	sst s10  }
0x35: {  	s10 =	sld [smem:$0x3FA3];
	_ =	sdelay $0x3  }
0x36: {  	p1 =	seq.s32 s10, $0x1;
	s10 =	sld [smem:$0x3FA4];
	_ =	sdelay $0x3  }
0x37: {  	[smem:$0x3FA4] =	sst s10  }
0x38: {  	s10 =	sld [smem:$0x3FA5]  }
0x39: {  	_ = 	snop;
	(pc) =	sbr.ind lr, $3  }
0x3a: {  	_ = 	snop  }
0x3b: {  	_ = 	snop  }
0x3c: {  	p2 =	seq.s32 s10, $0x1;
	s10 =	sld [smem:$0x3FA4]  }
0x3d: {  	_ =	shalt  }
0x3e: {  	_ =	shalt  }
0x3f: {  	_ =	shalt  }
0x40: {  	_ =	shalt  }
0x41: {  	_ =	shalt  }
0x42: {  	_ =	shalt  }
0x43: {  	_ =	shalt  }
0x44: {  	_ =	shalt  }
0x45: {  	_ =	shalt  }
0x46: {  	_ =	shalt  }
0x47: {  	_ =	shalt  }
0x48: {  	_ =	shalt  }
0x49: {  	_ =	shalt  }
0x4a: {  	_ =	shalt  }
0x4b: {  	_ =	shalt  }
0x4c: {  	_ =	shalt  }
0x4d: {  	_ =	shalt  }
0x4e: {  	_ =	shalt  }
0x4f: {  	_ =	shalt  }
0x50: {  	_ =	shalt  }
0x51: {  	_ =	shalt  }
0x52: {  	_ =	shalt  }
0x53: {  	_ =	shalt  }
0x54: {  	_ =	shalt  }
0x55: {  	_ =	shalt  }
0x56: {  	_ =	shalt  }
0x57: {  	_ =	shalt  }
0x58: {  	_ =	shalt  }
0x59: {  	_ =	shalt  }
0x5a: {  	_ =	shalt  }
0x5b: {  	_ =	shalt  }
0x5c: {  	_ =	shalt  }
0x5d: {  	_ =	shalt  }
0x5e: {  	_ =	shalt  }
0x5f: {  	_ =	shalt  }
0x60: {  	_ =	shalt  }
0x61: {  	_ =	shalt  }
0x62: {  	_ =	shalt  }
0x63: {  	_ =	shalt  }
0x64: {  	_ =	shalt  }
0x65: {  	_ =	shalt  }
0x66: {  	_ =	shalt  }
0x67: {  	_ =	shalt  }
0x68: {  	_ =	shalt  }
0x69: {  	_ =	shalt  }
0x6a: {  	_ =	shalt  }
0x6b: {  	_ =	shalt  }
0x6c: {  	_ =	shalt  }
0x6d: {  	_ =	shalt  }
0x6e: {  	_ =	shalt  }
0x6f: {  	_ =	shalt  }
0x70: {  	_ =	shalt  }
0x71: {  	_ =	shalt  }
0x72: {  	_ =	shalt  }
0x73: {  	_ =	shalt  }
0x74: {  	_ =	shalt  }
0x75: {  	_ =	shalt  }
0x76: {  	_ =	shalt  }
0x77: {  	_ =	shalt  }
0x78: {  	_ =	shalt  }
0x79: {  	_ =	shalt  }
0x7a: {  	_ =	shalt  }
0x7b: {  	_ =	shalt  }
0x7c: {  	_ =	shalt  }
0x7d: {  	_ =	shalt  }
0x7e: {  	_ =	shalt  }
0x7f: {  	_ =	shalt  }
0x80: {  	_ =	shalt  }
0x81: {  	_ =	shalt  }
0x82: {  	_ =	shalt  }
0x83: {  	_ =	shalt  }
0x84: {  	_ =	shalt  }
0x85: {  	_ =	shalt  }
0x86: {  	_ =	shalt  }
0x87: {  	_ =	shalt  }
.Lfunc_end0:
.L_simem_size_0:
called_computation.2_lowered:
.L_overlay_start_0:
0x88: {  	s2 =	sld [smem:$0x3FD9]  }
0x89: {  	s3 =	sld [smem:$0x3FFE];
	_ =	sdelay $0x1  }
0x8a: {  	s1 =	srdreg.scid  }
0x8b: {  	s0 =	sand.u32 $0x1, s1  }
0x8c: {  	s14 =	sshll.u32 s0, $0xA;
	s2 =	sadd.s32 s3, s2  }
0x8d: {  	s2 =	sadd.s32 s2, s14  }
0x8e: {  	[smem:$0x3FB0] =	sst s2  }
0x8f: {  	_ = 	snop  }
0x90: {  	s2 =	sld [smem:$0x3FD0];
	_ =	sdelay $0x2  }
0x91: {  	s15 =	simm.s32 $0xA;
	s4 =	simm.s32 $0x10  }
0x92: {  	[smem:s4], [sflag:s15] =	dma.local [hbm:s2], $0x1  }
0x93: {  	_ =	swait.eq [sflag:s15], $0x1  }
0x94: {  	[sflag:s15] =	ssyncset.done $0x0  }
0x95: {  	[sflag:s15] =	ssyncadd.s32 $0xFFFFFFFF  }
0x96: {  	s16 =	sld [smem:$0x11];
	(tm) =	ssettm $0x1  }
0x97: {  	s17 =	sld [smem:$0x3FFB];
	_ =	sdelay $0x3  }
0x98: {  	_ =	strace s17  }
0x99: {  	s3 =	sld [smem:$0x3FFC];
	_ =	sdelay $0x3  }
0x9a: {  	_ =	strace s3  }
0x9b: {  	s3 =	sld [smem:$0x3FFD];
	_ =	sdelay $0x3  }
0x9c: {  	_ =	strace s3  }
0x9d: {  	_ =	strace $0x8FFFFFFF  }
0x9e: {  	s18 =	sld [smem:$0x3FDB];
	_ =	sdelay $0x1  }
0x9f: {  	s19 =	simm.s32 $_scs_section_size  }
0xa0: {  	s5 =	simm.s32 $_size__tile_overlayer_lowered;
	s6 =	simm.s32 $_tile_overlayer_lowered  }
0xa1: {  	s22 =	simm.s32 $0x1BFF;
	s21 =	sshll.u32 s6, $0x1;
	s3 =	sadd.s32 s19, s18  }
0xa2: {  	s7 =	simm.s32 $0x0;
	s20 =	sshll.u32 s5, $0x1;
	s5 =	sadd.s32 s21, s3  }
0xa3: {  	[timem:s7], [sflag:s22] =	dma.local [hbm:s5], s20  }
0xa4: {  	_ =	swait.ge [sflag:s22], s20  }
0xa5: {  	s4 =	ssub.s32 $0x0, s20;
	[sflag:s22] =	ssyncset.done $0x0  }
0xa6: {  	[sflag:s22] =	ssyncadd.s32 s4;
	_ =	sdelay $0x1  }
0xa7: {  	s23 =	simm.s32 $0x1B8B  }
0xa8: {  	_ =	swait.ge [sflag:s23], $0x1  }
0xa9: {  	[sflag:s23] =	ssyncset.done $0x0  }
0xaa: {  	s25 =	simm.s32 $0x1B8E;
	s24 =	sld [smem:$0x3FFE];
	[sflag:s23] =	ssyncadd.s32 $0xFFFFFFFF  }
0xab: {  	s26 =	simm.s32 $execute0_lowered;
	[smem:$0x3FD2] =	sst s25  }
0xac: {  	s5 =	sshll.u32 s26, $0x1;
	_ =	strace $0x80000046;
	[dreg:$0x1] =	wrdreg $0xFFFFFFFF  }
0xad: {  	s28 =	simm.s32 $_size_execute0_lowered;
	s3 =	sadd.s32 s3, s5;
	[dreg:$0x0] =	wrdreg $0x0  }
0xae: {  	s5 =	sshll.u32 s28, $0x1;
	[dreg:$0x2] =	wrdreg s3  }
0xaf: {  	[dreg:$0x3] =	wrdreg s5  }
0xb0: {  	[dreg:$0x4] =	wrdreg $0xC0  }
0xb1: {  	_ =	task [dreg:s7], $0x5FFFF  }
0xb2: {  	[dreg:$0x1] =	wrdreg $0xFFFFFFFF  }
0xb3: {  	[dreg:$0x0] =	wrdreg $0x60  }
0xb4: {  	[dreg:$0x2] =	wrdreg s16  }
0xb5: {  	[dreg:$0x3] =	wrdreg s24  }
0xb6: {  	[dreg:$0x4] =	wrdreg $0x9  }
0xb7: {  	_ =	task.clear_ibuf [dreg:s7], $0x5FFFF;
	_ =	strace $0x90000046  }
0xb8: {  	s29 =	simm.s32 $0x9;
	_ =	strace $0x80000048  }
0xb9: {  	_ =	swait.ge [sflag:s29], $0x1  }
0xba: {  	[sflag:s29] =	ssyncadd.s32 $0xFFFFFFFF  }
0xbb: {  	_ =	strace $0x90000048  }
0xbc: {  	_ =	sfence  }
0xbd: {  	s30 =	sld [smem:$0x0];
	_ =	sdelay $0x2  }
0xbe: {  	s31 =	sshll.u32 s1, $0xD;
	s1 =	sshrl.u32 s1, $0x2  }
0xbf: {  	s3 =	sand.u32 $0x4000, s31;
	s1 =	sadd.s32 s1, s30  }
0xc0: {  	s0 =	sor.u32 s3, s0;
	s1 =	sshll.u32 s1, $0x11  }
0xc1: {  	s0 =	sor.u32 s1, s0  }
0xc2: {  	s0 =	sadd.s32 $0x8F2B, s0  }
0xc3: {  	[sflag:s0] =	ssyncadd.remote.s32 $0x1  }
0xc4: {  	_ =	sfence.sel $0xFFFF  }
0xc5: {  	[dreg:$0x0] =	wrdreg $0xFFFFFFFF;
	(pc) =	sbr.abs _section_cstart, $3  }
0xc6: {  	[dreg:$0x1] =	wrdreg $0xFFFFFFFF  }
0xc7: {  	_ =	task.clear_ibuf [dreg:s7], $0x2FFFF;
	_ =	strace $0x9FFFFFFF  }
0xc8: {  	(tm) =	ssettm $0x7FFFFFFF  }
0xc9: {  	_ =	shalt  }
tec
execute0_lowered:
.L_overlay_start_1:
0x0: {  	(tag) =	ssettag $0x1  }
0x1: {  	s2 =	rddreg [dreg:$0x0]  }
0x2: {  	s8 =	rddreg [dreg:$0x1]  }
0x3: {  	s0 =	rddreg [dreg:$0x2];
	s1 =	stileid.u32  }
0x4: {  	s3 =	srdreg.scid;
	_ =	strace $0x80000047;
	s4 =	simm.s32 $0x1  }
0x5: {  	s7 =	simm.s32 $0x1;
	s9 =	simm.s32 $0x1;
	s10 =	simm.s32 $0x3  }
0x6: {  	s13 =	simm.s32 $0x0;
	s5 =	sand.u32 $0x1, s3;
	s6 =	sshll.u32 s1, $0x1  }
0x7: {  	s12 =	simm.s32 $0x0;
	s3 =	sadd.s32 $0xCC00, s8;
	s5 =	sor.u32 s6, s5  }
.Ltmp0:
0x8: {  	[sflag:s4] =	ssyncpa.u1 $0x0;
	p0 =	slt.u32 s5, $0x9;
	(pc) =	sbr.rel .LBB2_1-.Ltmp0, $4  }
0x9: {  	s6 =	simm.s32 $0x2;
	s7 =	simm.s32 @!p0 $0x0;
	p0 =	sne.s32 s5, $0x8  }
0xa: {  	[sflag:s6] =	ssyncpa.u1 $0x0;
	s5 =	smul.u32 $0x1F40, s5;
	s9 =	simm.s32 @!p0 $0x0  }
0xb: {  	s8 =	sadd.s32 $0x16A00, s8;
	[sflag:s10] =	ssyncpa.u1 $0x0;
	s7 =	sadd.s32 s9, s7  }
0xc: {  	vm0 =	vmmov $0xffff;
	s10 =	simm.s32 $0x0;
	s11 =	smov.u32 s5;
	s9 =	sadd.s32 $0x1, s7  }
.LBB2_4:
0xd: {  	v2 =	vnsel vm1, $0x0, v2  }
0xe: {  	vm1 =	vgt.s32 v0, $0x0;
	v2 =	vmin.u32 v2, $0x4E1FF  }
0xf: {  	v0 =	vnsel vm1, $0x0, v0  }
0x10: {  	v0 =	vmin.u32 v0, $0x4E1FF  }
0x11: {  	[tilespmem:s18], [sflag:$0x1] =	stream.indirect_vreg.gather [hbm4b:s2+s10], $0x1, v1, vm0, $0x4038;
	[tilespmem:$0x7D00] =	vst v63  }
0x12: {  	(ifvalue) =	ssetifvalue $0x7FFFFFFF  }
0x13: {  	[tilespmem:s15], [sflag:$0x1] =	stream.indirect_vreg.gather [hbm4b:s2+s10], $0x1, v2, vm0, $0x4038;
	[tilespmem:$0x7D00] =	vst v63  }
0x14: {  	s29 =	sadd.s32 $0x10, s15;
	(ifvalue) =	ssetifvalue $0x7FFFFFFF  }
0x15: {  	[tilespmem:s29], [sflag:$0x1] =	stream.indirect_vreg.gather [hbm4b:s2+s10], $0x1, v0, vm0, $0x4038;
	[tilespmem:$0x7D00] =	vst v63  }
0x16: {  	_ =	swait.ge [sflag:s4], $0x1F40  }
0x17: {  	s30 =	sshrl.u32 s13, $0x3;
	[sflag:s4] =	ssyncset.done $0x0  }
0x18: {  	s31 =	sand.u32 $0x7, s13;
	s15 =	sadd.s32 s8, s30;
	[sflag:s4] =	ssyncadd.s32 $0xFFFFE0C0  }
0x19: {  	[hbm4b:s15+s31] =	stream.linear.scatter [tilespmem:s14], [sflag:$0x3], $0x1F40, $0x38;
	[tilespmem:$0x7D00] =	vst v63  }
.LBB2_5:
0x1a: {  	s15 =	sadd.s32 $0x3E800, s11  }
0x1b: {  	p1 =	sgt.s32 s15, $0x4E1FF  }
0x1c: {  	s15 =	smov.u32 @p1 s5;
	p1 =	sne.s32 s12, s9  }
.Ltmp1:
0x1d: {  	p0 =	slt.u32 s12, $0x2;
	(pc) =	sbr.rel @!p1 .LBB2_6-.Ltmp1, $4  }
0x1e: {  	s14 =	simm.s32 @!p0 $0x3  }
0x1f: {  	_ =	swait.ge @!p0 [sflag:s14], $0x1F40  }
0x20: {  	s16 =	sadd.s32 $0x1, s12;
	s13 =	smov.u32 s11;
	[sflag:s14] =	ssyncset.done @!p0 $0x0  }
0x21: {  	s12 =	smov.u32 s16;
	s11 =	smov.u32 s15;
	[sflag:s14] =	ssyncadd.s32 @!p0 $0xFFFFE0C0  }
.LBB2_1:
0x22: {  	p0 =	sge.u32 s12, s7  }
0x23: {  	s14 =	sxor.u32 @!p0 $0x1, s12  }
0x24: {  	s14 =	smul.u32 @!p0 $0x7D00, s14  }
0x25: {  	s31 =	sadd.s32 $0xFFFFFFFF, s12;
	s15 =	sshrl.u32 @!p0 s11, $0x3  }
0x26: {  	s16 =	sand.u32 @!p0 $0x7, s11;
	s15 =	sadd.s32 @!p0 s3, s15;
	s14 =	sshra.s32 @!p0 s14, $0x2  }
0x27: {  	[tilespmem:s14], [sflag:$0x2] =	stream.linear.gather @!p0 [hbm4b:s15+s16], $0x1F40, $0x38;
	[tilespmem:$0x7D00] =	vst v63  }
0x28: {  	p0 =	sge.u32 s31, s7  }
.Ltmp2:
0x29: {  	_ = 	snop;
	(pc) =	sbr.rel @p0 .LBB2_5-.Ltmp2, $1  }
0x2a: {  	_ =	sdelay $0x3  }
0x2b: {  	s14 =	sand.u32 $0x1, s12  }
0x2c: {  	_ =	swait.ge [sflag:s6], $0x1F40;
	p0 =	seq.s32 s14, $0x1;
	s14 =	simm.s32 $0x1F40  }
0x2d: {  	[sflag:s6] =	ssyncset.done $0x0;
	s14 =	simm.s32 @!p0 $0x0  }
0x2e: {  	[sflag:s6] =	ssyncadd.s32 $0xFFFFE0C0;
	(ifvalue) =	ssetifvalue $0x7FFFFFFF;
	v0 =	vld.msk [tilespmem:s14+$0x0 ss:$0x1], $0xffff;
	_ =	sdelay $0x4  }
0x2f: {  	s15 =	sadd.s32 $0x10, s14;
	vm1 =	vgt.s32 v0, $0x0  }
0x30: {  	v2 =	vld.msk [tilespmem:s15+$0x0 ss:$0x1], $0xffff;
	v1 =	vnsel vm1, $0x0, v0  }
0x31: {  	v1 =	vmin.u32 v1, $0x4E1FF;
	_ =	sdelay $0x2  }
0x32: {  	s17 =	simm.s32 $0x20;
	s14 =	sadd.s32 $0x3E80, s14;
	s16 =	sadd.s32 $0x10, s15  }
0x33: {  	s15 =	sadd.s32 $0x10, s14;
	s18 =	smov.u32 s14;
	v0 =	vld.msk [tilespmem:s16+$0x0 ss:$0x1], $0xffff;
	vm1 =	vgt.s32 v2, $0x0;
	(ifvalue) =	ssetifvalue $0x7FFFFFFF  }
.LBB2_3:
0x34: {  	[tilespmem:s18], [sflag:$0x1] =	stream.indirect_vreg.gather [hbm4b:s2+s10], $0x1, v1, vm0, $0x4038;
	[tilespmem:$0x7D00] =	vst v63  }
0x35: {  	s17 =	sadd.s32 $0x10, s17  }
0x36: {  	v2 =	vnsel vm1, $0x0, v2;
	p0 =	slt.u32 s17, $0x1F30  }
.Ltmp3:
0x37: {  	s18 =	smov.u32 s15;
	v1 =	vmin.u32 v2, $0x4E1FF;
	(pc) =	sbr.rel @p0 .LBB2_3-.Ltmp3, $3  }
0x38: {  	_ =	sdelay $0x1  }
0x39: {  	s16 =	sadd.s32 $0x10, s16  }
0x3a: {  	vm1 =	vgt.s32 v0, $0x0;
	s15 =	sadd.s32 $0x10, s15;
	v2 =	vmov v0;
	(ifvalue) =	ssetifvalue $0x7FFFFFFF;
	v0 =	vld.msk [tilespmem:s16+$0x0 ss:$0x1], $0xffff  }
.Ltmp4:
0x3b: {  	_ = 	snop;
	(pc) =	sbr.rel .LBB2_4-.Ltmp4, $1  }
0x3c: {  	_ =	sdelay $0x3  }
.LBB2_6:
0x3d: {  	_ =	sfence.sel $0x180000  }
0x3e: {  	s2 =	simm.s32 $0x2;
	[bflag:$0x0] =	sbarrier.arrive $0xFFFF  }
0x3f: {  	s30 =	simm.s32 $0x3;
	[sflag:s2] =	ssyncpa.u1 $0x1  }
0x40: {  	s31 =	simm.s32 $0x1;
	[sflag:s30] =	ssyncpa.u1 $0x1  }
0x41: {  	[sflag:s31] =	ssyncpa.u1 $0x1  }
0x42: {  	p0 =	sne.s32 s1, $0x0;
	_ =	strace $0x90000047  }
0x43: {  	s0 =	sadd.s32 @!p0 $0x100000, s0;
	[bflag:$0x2] =	sbarrier.arrive $0xFFFF  }
0x44: {  	[sflag:s0] =	ssyncadd.tile.s32 @!p0 $0x1;
	_ =	shalt  }
.Lfunc_end2:
_tile_overlayer_lowered:
.L_overlay_start_2:
0x45: {  	(tag) =	ssettag $0x2  }
0x46: {  	s0 =	rddreg [dreg:$0x0];
	s2 =	stileid.u32  }
0x47: {  	s1 =	rddreg [dreg:$0x1];
	p0 =	sne.s32 s2, $0x0  }
0x48: {  	s3 =	rddreg [dreg:$0x2];
	[bflag:$0x3] =	sbarrier.arrive $0xFFFF;
	s2 =	simm.s32 @!p0 $0x1C01  }
0x49: {  	[timem:s3], [sflag:s2] =	dma.local @!p0 [hbm:s0], s1  }
0x4a: {  	s0 =	simm.s32 @!p0 $0x1  }
0x4b: {  	_ =	swait.ge @!p0 [sflag:s0], s1  }
0x4c: {  	s1 =	ssub.s32 @!p0 $0x0, s1;
	[sflag:s0] =	ssyncset.done @!p0 $0x0  }
0x4d: {  	[sflag:s0] =	ssyncadd.s32 @!p0 s1  }
0x4e: {  	[bflag:$0x3] =	sbarrier.arrive $0xFFFF  }
0x4f: {  	_ =	shalt  }

// kernel: gather_offload_async_start
scs
__scs_entry_jumppad:
0x0: {  	(pc) =	sbr.rel $0x88, $3  }
0x1: {  	(tag) =	ssettag $0x0;
	lr =	simm.s32 $0x1  }
0x2: {  	[smem:$0x3F89] =	sst lr;
	_ =	strace $0xD0000000  }
0x3: {  	_ = 	snop  }
0x4: {  	_ = 	snop  }
0x5: {  	_ = 	snop  }
0x6: {  	_ = 	snop  }
0x7: {  	_ = 	snop  }
__scs_overlays_trampoline_lowered:
0x8: {  	[smem:$0x3F98] =	sst s0  }
0x9: {  	[smem:$0x3F99] =	sst s1  }
0xa: {  	[smem:$0x3F9A] =	sst s2  }
0xb: {  	[smem:$0x3F9B] =	sst s3  }
0xc: {  	[smem:$0x3F9C] =	sst s4  }
0xd: {  	[smem:$0x3F9D] =	sst s5  }
0xe: {  	[smem:$0x3F9E] =	sst s6  }
0xf: {  	[smem:$0x3F9F] =	sst s7  }
0x10: {  	[smem:$0x3FA0] =	sst s8  }
0x11: {  	[smem:$0x3FA1] =	sst s9;
	s0 =	simm.s32 @!p0 $0x0  }
0x12: {  	s1 =	sld [smem:$0x3F87];
	s0 =	simm.s32 @p0 $0x1  }
0x13: {  	[smem:$0x3FA2] =	sst s0;
	s0 =	simm.s32 @!p1 $0x0  }
0x14: {  	s2 =	sld [smem:$0x3F86];
	s0 =	simm.s32 @p1 $0x1  }
0x15: {  	[smem:$0x3FA3] =	sst s0;
	s0 =	simm.s32 @!p2 $0x0  }
0x16: {  	s3 =	sld [smem:$0x3FDB];
	s0 =	simm.s32 @p2 $0x1  }
0x17: {  	s4 =	simm.s32 $0x1BF5;
	[smem:$0x3FA5] =	sst s0  }
0x18: {  	s0 =	sld [smem:$0x3F88];
	_ =	swait.ge [sflag:s4], $0x0  }
0x19: {  	s7 =	sld [smem:$0x3F89]  }
0x1a: {  	s8 =	sadd.s32 $0xFFFFE003, lr  }
0x1b: {  	s9 =	sadd.s32 $0xFFFFFEF7, lr;
	s5 =	simm.s32 $0xFFFFFFFF;
	p2 =	slt.u32 s8, $0xFFFFF086  }
0x1c: {  	p1 =	slt.u32 s9, $0xF7A;
	s5 =	simm.s32 @!p2 $0x0  }
0x1d: {  	s5 =	simm.s32 @p1 $0x1;
	p0 =	seq.s32 s7, s2  }
0x1e: {  	s7 =	smul.u32 @!p0 $0xF7A, s2;
	p2 =	seq.s32 @!p0 s5, $0x0  }
0x1f: {  	s9 =	smul.u32 $0xF7A, s1;
	s8 =	simm.s32 @!p0 $0x1BF5;
	p2 =	por !p2, p0  }
0x20: {  	[sflag:s8] =	ssyncset.s32 @!p0 $0xFFFFF086;
	s6 =	sadd.s32 @!p0 s3, s7;
	s7 =	simm.s32 @!p0 $0x108  }
0x21: {  	s3 =	sadd.s32 s3, s9;
	s6 =	sadd.s32 @!p0 $0x88, s6;
	s7 =	simm.s32 @p2 $0x1082  }
0x22: {  	[simem:s7], [sflag:s8] =	dma.local @!p0 [hbm:s6], $0xF7A  }
0x23: {  	s9 =	sor.u32 $0xD0000000, s2;
	s6 =	simm.s32 $0x108;
	_ =	swait.ge @!p0 [sflag:s8], $0x0  }
0x24: {  	s3 =	sadd.s32 $0x88, s3;
	s6 =	simm.s32 @!p1 $0x1082;
	[sflag:s4] =	ssyncset.s32 $0xFFFFF086  }
0x25: {  	[simem:s6], [sflag:s4] =	dma.local [hbm:s3], $0xF7A  }
0x26: {  	[smem:$0x3F89] =	sst s1;
	(tag) =	ssettag s2;
	_ =	strace s9  }
0x27: {  	s1 =	sld [smem:$0x3F99]  }
0x28: {  	s2 =	sld [smem:$0x3F9A]  }
0x29: {  	s4 =	sld [smem:$0x3F9C]  }
0x2a: {  	p0 =	seq.s32 s5, $0x0;
	s5 =	sld [smem:$0x3F9D]  }
0x2b: {  	s6 =	sld [smem:$0x3F9E]  }
0x2c: {  	s7 =	sld [smem:$0x3F9F]  }
0x2d: {  	s3 =	simm.s32 $0x108;
	s8 =	sld [smem:$0x3FA0]  }
0x2e: {  	s3 =	simm.s32 @!p0 $0x1082;
	s9 =	sld [smem:$0x3FA1]  }
0x2f: {  	lr =	sadd.s32 s0, s3;
	s0 =	sld [smem:$0x3F98]  }
0x30: {  	s3 =	sld [smem:$0x3F9B]  }
0x31: {  	[smem:$0x3FA4] =	sst s10  }
0x32: {  	s10 =	sld [smem:$0x3FA2];
	_ =	sdelay $0x3  }
0x33: {  	p0 =	seq.s32 s10, $0x1;
	s10 =	sld [smem:$0x3FA4];
	_ =	sdelay $0x3  }
0x34: {  	[smem:$0x3FA4] =	sst s10  }
0x35: {  	s10 =	sld [smem:$0x3FA3];
	_ =	sdelay $0x3  }
0x36: {  	p1 =	seq.s32 s10, $0x1;
	s10 =	sld [smem:$0x3FA4];
	_ =	sdelay $0x3  }
0x37: {  	[smem:$0x3FA4] =	sst s10  }
0x38: {  	s10 =	sld [smem:$0x3FA5]  }
0x39: {  	_ = 	snop;
	(pc) =	sbr.ind lr, $3  }
0x3a: {  	_ = 	snop  }
0x3b: {  	_ = 	snop  }
0x3c: {  	p2 =	seq.s32 s10, $0x1;
	s10 =	sld [smem:$0x3FA4]  }
0x3d: {  	_ =	shalt  }
0x3e: {  	_ =	shalt  }
0x3f: {  	_ =	shalt  }
0x40: {  	_ =	shalt  }
0x41: {  	_ =	shalt  }
0x42: {  	_ =	shalt  }
0x43: {  	_ =	shalt  }
0x44: {  	_ =	shalt  }
0x45: {  	_ =	shalt  }
0x46: {  	_ =	shalt  }
0x47: {  	_ =	shalt  }
0x48: {  	_ =	shalt  }
0x49: {  	_ =	shalt  }
0x4a: {  	_ =	shalt  }
0x4b: {  	_ =	shalt  }
0x4c: {  	_ =	shalt  }
0x4d: {  	_ =	shalt  }
0x4e: {  	_ =	shalt  }
0x4f: {  	_ =	shalt  }
0x50: {  	_ =	shalt  }
0x51: {  	_ =	shalt  }
0x52: {  	_ =	shalt  }
0x53: {  	_ =	shalt  }
0x54: {  	_ =	shalt  }
0x55: {  	_ =	shalt  }
0x56: {  	_ =	shalt  }
0x57: {  	_ =	shalt  }
0x58: {  	_ =	shalt  }
0x59: {  	_ =	shalt  }
0x5a: {  	_ =	shalt  }
0x5b: {  	_ =	shalt  }
0x5c: {  	_ =	shalt  }
0x5d: {  	_ =	shalt  }
0x5e: {  	_ =	shalt  }
0x5f: {  	_ =	shalt  }
0x60: {  	_ =	shalt  }
0x61: {  	_ =	shalt  }
0x62: {  	_ =	shalt  }
0x63: {  	_ =	shalt  }
0x64: {  	_ =	shalt  }
0x65: {  	_ =	shalt  }
0x66: {  	_ =	shalt  }
0x67: {  	_ =	shalt  }
0x68: {  	_ =	shalt  }
0x69: {  	_ =	shalt  }
0x6a: {  	_ =	shalt  }
0x6b: {  	_ =	shalt  }
0x6c: {  	_ =	shalt  }
0x6d: {  	_ =	shalt  }
0x6e: {  	_ =	shalt  }
0x6f: {  	_ =	shalt  }
0x70: {  	_ =	shalt  }
0x71: {  	_ =	shalt  }
0x72: {  	_ =	shalt  }
0x73: {  	_ =	shalt  }
0x74: {  	_ =	shalt  }
0x75: {  	_ =	shalt  }
0x76: {  	_ =	shalt  }
0x77: {  	_ =	shalt  }
0x78: {  	_ =	shalt  }
0x79: {  	_ =	shalt  }
0x7a: {  	_ =	shalt  }
0x7b: {  	_ =	shalt  }
0x7c: {  	_ =	shalt  }
0x7d: {  	_ =	shalt  }
0x7e: {  	_ =	shalt  }
0x7f: {  	_ =	shalt  }
0x80: {  	_ =	shalt  }
0x81: {  	_ =	shalt  }
0x82: {  	_ =	shalt  }
0x83: {  	_ =	shalt  }
0x84: {  	_ =	shalt  }
0x85: {  	_ =	shalt  }
0x86: {  	_ =	shalt  }
0x87: {  	_ =	shalt  }
.Lfunc_end0:
.L_simem_size_0:
called_computation_lowered:
.L_overlay_start_0:
0x88: {  	s0 =	sld [smem:$0x3FD9]  }
0x89: {  	s1 =	sld [smem:$0x3FFE];
	_ =	sdelay $0x3  }
0x8a: {  	s0 =	sadd.s32 s1, s0  }
0x8b: {  	[smem:$0x3FB0] =	sst s0  }
0x8c: {  	_ = 	snop  }
0x8d: {  	s0 =	sld [smem:$0x3FD0];
	_ =	sdelay $0x2  }
0x8e: {  	s13 =	simm.s32 $0xA;
	s2 =	simm.s32 $0x10  }
0x8f: {  	[smem:s2], [sflag:s13] =	dma.local [hbm:s0], $0x1  }
0x90: {  	_ =	swait.eq [sflag:s13], $0x1  }
0x91: {  	[sflag:s13] =	ssyncset.done $0x0  }
0x92: {  	s14 =	sld [smem:$0x10];
	[sflag:s13] =	ssyncadd.s32 $0xFFFFFFFF  }
0x93: {  	s15 =	sld [smem:$0x13];
	(tm) =	ssettm $0x1  }
0x94: {  	s16 =	sld [smem:$0x3FFB];
	_ =	sdelay $0x3  }
0x95: {  	_ =	strace s16  }
0x96: {  	s2 =	sld [smem:$0x3FFC];
	_ =	sdelay $0x3  }
0x97: {  	_ =	strace s2  }
0x98: {  	s2 =	sld [smem:$0x3FFD];
	_ =	sdelay $0x3  }
0x99: {  	_ =	strace s2  }
0x9a: {  	_ =	strace $0x8FFFFFFF  }
0x9b: {  	s17 =	sld [smem:$0x3FDB];
	_ =	sdelay $0x1  }
0x9c: {  	s3 =	simm.s32 $_scs_section_size  }
0x9d: {  	s4 =	simm.s32 $_size__tile_overlayer_lowered;
	s5 =	simm.s32 $_tile_overlayer_lowered  }
0x9e: {  	s20 =	simm.s32 $0x1BFF;
	s19 =	sshll.u32 s5, $0x1;
	s2 =	sadd.s32 s3, s17  }
0x9f: {  	s6 =	simm.s32 $0x0;
	s18 =	sshll.u32 s4, $0x1;
	s4 =	sadd.s32 s19, s2  }
0xa0: {  	[timem:s6], [sflag:s20] =	dma.local [hbm:s4], s18  }
0xa1: {  	_ =	swait.ge [sflag:s20], s18  }
0xa2: {  	s3 =	ssub.s32 $0x0, s18;
	[sflag:s20] =	ssyncset.done $0x0  }
0xa3: {  	[sflag:s20] =	ssyncadd.s32 s3;
	_ =	sdelay $0x1  }
0xa4: {  	s21 =	simm.s32 $0x1B8B  }
0xa5: {  	_ =	swait.ge [sflag:s21], $0x1  }
0xa6: {  	[sflag:s21] =	ssyncset.done $0x0  }
0xa7: {  	s23 =	simm.s32 $0x1B8E;
	s22 =	sld [smem:$0x3FFE];
	[sflag:s21] =	ssyncadd.s32 $0xFFFFFFFF  }
0xa8: {  	s24 =	simm.s32 $execute0_lowered;
	[smem:$0x3FD2] =	sst s23  }
0xa9: {  	s4 =	sshll.u32 s24, $0x1;
	_ =	strace $0x80000055;
	[dreg:$0x1] =	wrdreg $0xFFFFFFFF  }
0xaa: {  	s25 =	simm.s32 $_size_execute0_lowered;
	s2 =	sadd.s32 s2, s4;
	[dreg:$0x0] =	wrdreg $0x0  }
0xab: {  	s4 =	sshll.u32 s25, $0x1;
	[dreg:$0x2] =	wrdreg s2  }
0xac: {  	[dreg:$0x3] =	wrdreg s4  }
0xad: {  	[dreg:$0x4] =	wrdreg $0xC0  }
0xae: {  	_ =	task [dreg:s6], $0x5FFFF  }
0xaf: {  	[dreg:$0x1] =	wrdreg $0xFFFFFFFF  }
0xb0: {  	[dreg:$0x0] =	wrdreg $0x60  }
0xb1: {  	[dreg:$0x2] =	wrdreg s22  }
0xb2: {  	[dreg:$0x3] =	wrdreg s14  }
0xb3: {  	[dreg:$0x4] =	wrdreg s15  }
0xb4: {  	[dreg:$0x5] =	wrdreg $0x9  }
0xb5: {  	_ =	task.clear_ibuf [dreg:s6], $0x6FFFF;
	_ =	strace $0x90000055  }
0xb6: {  	s26 =	simm.s32 $0x9;
	_ =	strace $0x80000057  }
0xb7: {  	_ =	swait.ge [sflag:s26], $0x1  }
0xb8: {  	[sflag:s26] =	ssyncadd.s32 $0xFFFFFFFF  }
0xb9: {  	_ =	strace $0x90000057  }
0xba: {  	_ =	sfence  }
0xbb: {  	s28 =	sld [smem:$0x0];
	_ =	sdelay $0x1  }
0xbc: {  	s29 =	srdreg.scid  }
0xbd: {  	s30 =	sshll.u32 s29, $0xD;
	s31 =	sshrl.u32 s29, $0x2  }
0xbe: {  	s1 =	sand.u32 $0x1, s29;
	s2 =	sand.u32 $0x4000, s30;
	s0 =	sadd.s32 s31, s28  }
0xbf: {  	s1 =	sor.u32 s2, s1;
	s0 =	sshll.u32 s0, $0x11  }
0xc0: {  	s0 =	sor.u32 s0, s1  }
0xc1: {  	s0 =	sadd.s32 $0x8F2B, s0  }
0xc2: {  	[sflag:s0] =	ssyncadd.remote.s32 $0x1  }
0xc3: {  	_ =	sfence.sel $0xFFFF  }
0xc4: {  	[dreg:$0x0] =	wrdreg $0xFFFFFFFF;
	(pc) =	sbr.abs _section_cstart, $3  }
0xc5: {  	[dreg:$0x1] =	wrdreg $0xFFFFFFFF  }
0xc6: {  	_ =	task.clear_ibuf [dreg:s6], $0x2FFFF;
	_ =	strace $0x9FFFFFFF  }
0xc7: {  	(tm) =	ssettm $0x7FFFFFFF  }
tec
execute0_lowered:
.L_overlay_start_1:
0x0: {  	(tag) =	ssettag $0x1  }
0x1: {  	s8 =	rddreg [dreg:$0x0]  }
0x2: {  	s2 =	rddreg [dreg:$0x1]  }
0x3: {  	s3 =	rddreg [dreg:$0x2]  }
0x4: {  	s0 =	rddreg [dreg:$0x3];
	_ =	strace $0x80000056;
	s4 =	simm.s32 $0x1  }
0x5: {  	s1 =	stileid.u32;
	s7 =	simm.s32 $0x1;
	s9 =	simm.s32 $0x1  }
0x6: {  	s6 =	simm.s32 $0x2;
	s10 =	simm.s32 $0x3;
	s13 =	simm.s32 $0x0  }
.Ltmp0:
0x7: {  	s12 =	simm.s32 $0x0;
	p0 =	slt.u32 s1, $0xA;
	(pc) =	sbr.rel .LBB2_1-.Ltmp0, $4  }
0x8: {  	[sflag:s4] =	ssyncpa.u1 $0x0;
	s7 =	simm.s32 @!p0 $0x0;
	p0 =	sne.s32 s1, $0x9  }
0x9: {  	s5 =	smul.u32 $0x190, s1;
	[sflag:s6] =	ssyncpa.u1 $0x0;
	s9 =	simm.s32 @!p0 $0x0  }
0xa: {  	s8 =	sadd.s32 $0x16A00, s8;
	[sflag:s10] =	ssyncpa.u1 $0x0;
	s7 =	sadd.s32 s9, s7  }
0xb: {  	vm0 =	vmmov $0xffff;
	s10 =	simm.s32 $0x0;
	s11 =	smov.u32 s5;
	s9 =	sadd.s32 $0x1, s7  }
.LBB2_4:
0xc: {  	v2 =	vnsel vm1, $0x0, v2  }
0xd: {  	vm1 =	vgt.s32 v0, $0x0;
	v2 =	vmin.u32 v2, $0x4E1FF  }
0xe: {  	v0 =	vnsel vm1, $0x0, v0  }
0xf: {  	v0 =	vmin.u32 v0, $0x4E1FF  }
0x10: {  	[tilespmem:s18], [sflag:$0x1] =	stream.indirect_vreg.gather [hbm4b:s8+s10], $0x1, v1, vm0, $0x4038;
	[tilespmem:$0x640] =	vst v63  }
0x11: {  	(ifvalue) =	ssetifvalue $0x7FFFFFFF  }
0x12: {  	[tilespmem:s15], [sflag:$0x1] =	stream.indirect_vreg.gather [hbm4b:s8+s10], $0x1, v2, vm0, $0x4038;
	[tilespmem:$0x640] =	vst v63  }
0x13: {  	s29 =	sadd.s32 $0x10, s15;
	(ifvalue) =	ssetifvalue $0x7FFFFFFF  }
0x14: {  	[tilespmem:s29], [sflag:$0x1] =	stream.indirect_vreg.gather [hbm4b:s8+s10], $0x1, v0, vm0, $0x4038;
	[tilespmem:$0x640] =	vst v63  }
0x15: {  	_ =	swait.ge [sflag:s4], $0x190  }
0x16: {  	s30 =	sshrl.u32 s13, $0x3;
	[sflag:s4] =	ssyncset.done $0x0  }
0x17: {  	s31 =	sand.u32 $0x7, s13;
	s15 =	sadd.s32 s3, s30;
	[sflag:s4] =	ssyncadd.s32 $0xFFFFFE70  }
0x18: {  	[hbm4b:s15+s31] =	stream.linear.scatter [tilespmem:s14], [sflag:$0x3], $0x190, $0x38;
	[tilespmem:$0x640] =	vst v63  }
.LBB2_5:
0x19: {  	s15 =	sadd.s32 $0x1900, s11  }
0x1a: {  	p1 =	sgt.s32 s15, $0x270F  }
0x1b: {  	s15 =	smov.u32 @p1 s5;
	p1 =	sne.s32 s12, s9  }
.Ltmp1:
0x1c: {  	p0 =	slt.u32 s12, $0x2;
	(pc) =	sbr.rel @!p1 .LBB2_6-.Ltmp1, $4  }
0x1d: {  	s14 =	simm.s32 @!p0 $0x3  }
0x1e: {  	_ =	swait.ge @!p0 [sflag:s14], $0x190  }
0x1f: {  	s16 =	sadd.s32 $0x1, s12;
	s13 =	smov.u32 s11;
	[sflag:s14] =	ssyncset.done @!p0 $0x0  }
0x20: {  	s12 =	smov.u32 s16;
	s11 =	smov.u32 s15;
	[sflag:s14] =	ssyncadd.s32 @!p0 $0xFFFFFE70  }
.LBB2_1:
0x21: {  	p0 =	sge.u32 s12, s7  }
0x22: {  	s14 =	sxor.u32 @!p0 $0x1, s12  }
0x23: {  	s14 =	smul.u32 @!p0 $0x640, s14  }
0x24: {  	s31 =	sadd.s32 $0xFFFFFFFF, s12;
	s15 =	sshrl.u32 @!p0 s11, $0x3  }
0x25: {  	s16 =	sand.u32 @!p0 $0x7, s11;
	s15 =	sadd.s32 @!p0 s2, s15;
	s14 =	sshra.s32 @!p0 s14, $0x2  }
0x26: {  	[tilespmem:s14], [sflag:$0x2] =	stream.linear.gather @!p0 [hbm4b:s15+s16], $0x190, $0x38;
	[tilespmem:$0x640] =	vst v63  }
0x27: {  	p0 =	sge.u32 s31, s7  }
.Ltmp2:
0x28: {  	_ = 	snop;
	(pc) =	sbr.rel @p0 .LBB2_5-.Ltmp2, $1  }
0x29: {  	_ =	sdelay $0x3  }
0x2a: {  	s14 =	sand.u32 $0x1, s12  }
0x2b: {  	_ =	swait.ge [sflag:s6], $0x190;
	p0 =	seq.s32 s14, $0x1;
	s14 =	simm.s32 $0x190  }
0x2c: {  	[sflag:s6] =	ssyncset.done $0x0;
	s14 =	simm.s32 @!p0 $0x0  }
0x2d: {  	[sflag:s6] =	ssyncadd.s32 $0xFFFFFE70;
	(ifvalue) =	ssetifvalue $0x7FFFFFFF;
	v0 =	vld.msk [tilespmem:s14+$0x0 ss:$0x1], $0xffff;
	_ =	sdelay $0x4  }
0x2e: {  	s15 =	sadd.s32 $0x10, s14;
	vm1 =	vgt.s32 v0, $0x0  }
0x2f: {  	v2 =	vld.msk [tilespmem:s15+$0x0 ss:$0x1], $0xffff;
	v1 =	vnsel vm1, $0x0, v0  }
0x30: {  	v1 =	vmin.u32 v1, $0x4E1FF;
	_ =	sdelay $0x2  }
0x31: {  	s17 =	simm.s32 $0x20;
	s14 =	sadd.s32 $0x320, s14;
	s16 =	sadd.s32 $0x10, s15  }
0x32: {  	s15 =	sadd.s32 $0x10, s14;
	s18 =	smov.u32 s14;
	v0 =	vld.msk [tilespmem:s16+$0x0 ss:$0x1], $0xffff;
	vm1 =	vgt.s32 v2, $0x0;
	(ifvalue) =	ssetifvalue $0x7FFFFFFF  }
.LBB2_3:
0x33: {  	[tilespmem:s18], [sflag:$0x1] =	stream.indirect_vreg.gather [hbm4b:s8+s10], $0x1, v1, vm0, $0x4038;
	[tilespmem:$0x640] =	vst v63  }
0x34: {  	s17 =	sadd.s32 $0x10, s17  }
0x35: {  	v2 =	vnsel vm1, $0x0, v2;
	p0 =	slt.u32 s17, $0x180  }
.Ltmp3:
0x36: {  	s18 =	smov.u32 s15;
	v1 =	vmin.u32 v2, $0x4E1FF;
	(pc) =	sbr.rel @p0 .LBB2_3-.Ltmp3, $3  }
0x37: {  	_ =	sdelay $0x1  }
0x38: {  	s16 =	sadd.s32 $0x10, s16  }
0x39: {  	vm1 =	vgt.s32 v0, $0x0;
	s15 =	sadd.s32 $0x10, s15;
	v2 =	vmov v0;
	(ifvalue) =	ssetifvalue $0x7FFFFFFF;
	v0 =	vld.msk [tilespmem:s16+$0x0 ss:$0x1], $0xffff  }
.Ltmp4:
0x3a: {  	_ = 	snop;
	(pc) =	sbr.rel .LBB2_4-.Ltmp4, $1  }
0x3b: {  	_ =	sdelay $0x3  }
.LBB2_6:
0x3c: {  	_ =	sfence.sel $0x180000  }
0x3d: {  	s2 =	simm.s32 $0x2;
	[bflag:$0x0] =	sbarrier.arrive $0xFFFF  }
0x3e: {  	s30 =	simm.s32 $0x3;
	[sflag:s2] =	ssyncpa.u1 $0x1  }
0x3f: {  	s31 =	simm.s32 $0x1;
	[sflag:s30] =	ssyncpa.u1 $0x1  }
0x40: {  	[sflag:s31] =	ssyncpa.u1 $0x1  }
0x41: {  	p0 =	sne.s32 s1, $0x0;
	_ =	strace $0x90000056  }
0x42: {  	s0 =	sadd.s32 @!p0 $0x100000, s0;
	[bflag:$0x2] =	sbarrier.arrive $0xFFFF  }
0x43: {  	[sflag:s0] =	ssyncadd.tile.s32 @!p0 $0x1;
	_ =	shalt  }
.Lfunc_end2:
_tile_overlayer_lowered:
.L_overlay_start_2:
0x44: {  	(tag) =	ssettag $0x2  }
0x45: {  	s0 =	rddreg [dreg:$0x0];
	s2 =	stileid.u32  }
0x46: {  	s1 =	rddreg [dreg:$0x1];
	p0 =	sne.s32 s2, $0x0  }
0x47: {  	s3 =	rddreg [dreg:$0x2];
	[bflag:$0x3] =	sbarrier.arrive $0xFFFF;
	s2 =	simm.s32 @!p0 $0x1C01  }
0x48: {  	[timem:s3], [sflag:s2] =	dma.local @!p0 [hbm:s0], s1  }
0x49: {  	s0 =	simm.s32 @!p0 $0x1  }
0x4a: {  	_ =	swait.ge @!p0 [sflag:s0], s1  }
0x4b: {  	s1 =	ssub.s32 @!p0 $0x0, s1;
	[sflag:s0] =	ssyncset.done @!p0 $0x0  }
0x4c: {  	[sflag:s0] =	ssyncadd.s32 @!p0 s1  }
0x4d: {  	[bflag:$0x3] =	sbarrier.arrive $0xFFFF  }
0x4e: {  	_ =	shalt  }

// kernel: kernel.11.cloned.1.call-start
scs
__scs_entry_jumppad:
0x0: {  	(pc) =	sbr.rel $0x88, $3  }
0x1: {  	(tag) =	ssettag $0x0;
	lr =	simm.s32 $0x1  }
0x2: {  	[smem:$0x3F89] =	sst lr;
	_ =	strace $0xD0000000  }
0x3: {  	_ = 	snop  }
0x4: {  	_ = 	snop  }
0x5: {  	_ = 	snop  }
0x6: {  	_ = 	snop  }
0x7: {  	_ = 	snop  }
__scs_overlays_trampoline_lowered:
0x8: {  	[smem:$0x3F98] =	sst s0  }
0x9: {  	[smem:$0x3F99] =	sst s1  }
0xa: {  	[smem:$0x3F9A] =	sst s2  }
0xb: {  	[smem:$0x3F9B] =	sst s3  }
0xc: {  	[smem:$0x3F9C] =	sst s4  }
0xd: {  	[smem:$0x3F9D] =	sst s5  }
0xe: {  	[smem:$0x3F9E] =	sst s6  }
0xf: {  	[smem:$0x3F9F] =	sst s7  }
0x10: {  	[smem:$0x3FA0] =	sst s8  }
0x11: {  	[smem:$0x3FA1] =	sst s9;
	s0 =	simm.s32 @!p0 $0x0  }
0x12: {  	s1 =	sld [smem:$0x3F87];
	s0 =	simm.s32 @p0 $0x1  }
0x13: {  	[smem:$0x3FA2] =	sst s0;
	s0 =	simm.s32 @!p1 $0x0  }
0x14: {  	s2 =	sld [smem:$0x3F86];
	s0 =	simm.s32 @p1 $0x1  }
0x15: {  	[smem:$0x3FA3] =	sst s0;
	s0 =	simm.s32 @!p2 $0x0  }
0x16: {  	s3 =	sld [smem:$0x3FDB];
	s0 =	simm.s32 @p2 $0x1  }
0x17: {  	s4 =	simm.s32 $0x1BF5;
	[smem:$0x3FA5] =	sst s0  }
0x18: {  	s0 =	sld [smem:$0x3F88];
	_ =	swait.ge [sflag:s4], $0x0  }
0x19: {  	s7 =	sld [smem:$0x3F89]  }
0x1a: {  	s8 =	sadd.s32 $0xFFFFE003, lr  }
0x1b: {  	s9 =	sadd.s32 $0xFFFFFEF7, lr;
	s5 =	simm.s32 $0xFFFFFFFF;
	p2 =	slt.u32 s8, $0xFFFFF086  }
0x1c: {  	p1 =	slt.u32 s9, $0xF7A;
	s5 =	simm.s32 @!p2 $0x0  }
0x1d: {  	s5 =	simm.s32 @p1 $0x1;
	p0 =	seq.s32 s7, s2  }
0x1e: {  	s7 =	smul.u32 @!p0 $0xF7A, s2;
	p2 =	seq.s32 @!p0 s5, $0x0  }
0x1f: {  	s9 =	smul.u32 $0xF7A, s1;
	s8 =	simm.s32 @!p0 $0x1BF5;
	p2 =	por !p2, p0  }
0x20: {  	[sflag:s8] =	ssyncset.s32 @!p0 $0xFFFFF086;
	s6 =	sadd.s32 @!p0 s3, s7;
	s7 =	simm.s32 @!p0 $0x108  }
0x21: {  	s3 =	sadd.s32 s3, s9;
	s6 =	sadd.s32 @!p0 $0x88, s6;
	s7 =	simm.s32 @p2 $0x1082  }
0x22: {  	[simem:s7], [sflag:s8] =	dma.local @!p0 [hbm:s6], $0xF7A  }
0x23: {  	s9 =	sor.u32 $0xD0000000, s2;
	s6 =	simm.s32 $0x108;
	_ =	swait.ge @!p0 [sflag:s8], $0x0  }
0x24: {  	s3 =	sadd.s32 $0x88, s3;
	s6 =	simm.s32 @!p1 $0x1082;
	[sflag:s4] =	ssyncset.s32 $0xFFFFF086  }
0x25: {  	[simem:s6], [sflag:s4] =	dma.local [hbm:s3], $0xF7A  }
0x26: {  	[smem:$0x3F89] =	sst s1;
	(tag) =	ssettag s2;
	_ =	strace s9  }
0x27: {  	s1 =	sld [smem:$0x3F99]  }
0x28: {  	s2 =	sld [smem:$0x3F9A]  }
0x29: {  	s4 =	sld [smem:$0x3F9C]  }
0x2a: {  	p0 =	seq.s32 s5, $0x0;
	s5 =	sld [smem:$0x3F9D]  }
0x2b: {  	s6 =	sld [smem:$0x3F9E]  }
0x2c: {  	s7 =	sld [smem:$0x3F9F]  }
0x2d: {  	s3 =	simm.s32 $0x108;
	s8 =	sld [smem:$0x3FA0]  }
0x2e: {  	s3 =	simm.s32 @!p0 $0x1082;
	s9 =	sld [smem:$0x3FA1]  }
0x2f: {  	lr =	sadd.s32 s0, s3;
	s0 =	sld [smem:$0x3F98]  }
0x30: {  	s3 =	sld [smem:$0x3F9B]  }
0x31: {  	[smem:$0x3FA4] =	sst s10  }
0x32: {  	s10 =	sld [smem:$0x3FA2];
	_ =	sdelay $0x3  }
0x33: {  	p0 =	seq.s32 s10, $0x1;
	s10 =	sld [smem:$0x3FA4];
	_ =	sdelay $0x3  }
0x34: {  	[smem:$0x3FA4] =	sst s10  }
0x35: {  	s10 =	sld [smem:$0x3FA3];
	_ =	sdelay $0x3  }
0x36: {  	p1 =	seq.s32 s10, $0x1;
	s10 =	sld [smem:$0x3FA4];
	_ =	sdelay $0x3  }
0x37: {  	[smem:$0x3FA4] =	sst s10  }
0x38: {  	s10 =	sld [smem:$0x3FA5]  }
0x39: {  	_ = 	snop;
	(pc) =	sbr.ind lr, $3  }
0x3a: {  	_ = 	snop  }
0x3b: {  	_ = 	snop  }
0x3c: {  	p2 =	seq.s32 s10, $0x1;
	s10 =	sld [smem:$0x3FA4]  }
0x3d: {  	_ =	shalt  }
0x3e: {  	_ =	shalt  }
0x3f: {  	_ =	shalt  }
0x40: {  	_ =	shalt  }
0x41: {  	_ =	shalt  }
0x42: {  	_ =	shalt  }
0x43: {  	_ =	shalt  }
0x44: {  	_ =	shalt  }
0x45: {  	_ =	shalt  }
0x46: {  	_ =	shalt  }
0x47: {  	_ =	shalt  }
0x48: {  	_ =	shalt  }
0x49: {  	_ =	shalt  }
0x4a: {  	_ =	shalt  }
0x4b: {  	_ =	shalt  }
0x4c: {  	_ =	shalt  }
0x4d: {  	_ =	shalt  }
0x4e: {  	_ =	shalt  }
0x4f: {  	_ =	shalt  }
0x50: {  	_ =	shalt  }
0x51: {  	_ =	shalt  }
0x52: {  	_ =	shalt  }
0x53: {  	_ =	shalt  }
0x54: {  	_ =	shalt  }
0x55: {  	_ =	shalt  }
0x56: {  	_ =	shalt  }
0x57: {  	_ =	shalt  }
0x58: {  	_ =	shalt  }
0x59: {  	_ =	shalt  }
0x5a: {  	_ =	shalt  }
0x5b: {  	_ =	shalt  }
0x5c: {  	_ =	shalt  }
0x5d: {  	_ =	shalt  }
0x5e: {  	_ =	shalt  }
0x5f: {  	_ =	shalt  }
0x60: {  	_ =	shalt  }
0x61: {  	_ =	shalt  }
0x62: {  	_ =	shalt  }
0x63: {  	_ =	shalt  }
0x64: {  	_ =	shalt  }
0x65: {  	_ =	shalt  }
0x66: {  	_ =	shalt  }
0x67: {  	_ =	shalt  }
0x68: {  	_ =	shalt  }
0x69: {  	_ =	shalt  }
0x6a: {  	_ =	shalt  }
0x6b: {  	_ =	shalt  }
0x6c: {  	_ =	shalt  }
0x6d: {  	_ =	shalt  }
0x6e: {  	_ =	shalt  }
0x6f: {  	_ =	shalt  }
0x70: {  	_ =	shalt  }
0x71: {  	_ =	shalt  }
0x72: {  	_ =	shalt  }
0x73: {  	_ =	shalt  }
0x74: {  	_ =	shalt  }
0x75: {  	_ =	shalt  }
0x76: {  	_ =	shalt  }
0x77: {  	_ =	shalt  }
0x78: {  	_ =	shalt  }
0x79: {  	_ =	shalt  }
0x7a: {  	_ =	shalt  }
0x7b: {  	_ =	shalt  }
0x7c: {  	_ =	shalt  }
0x7d: {  	_ =	shalt  }
0x7e: {  	_ =	shalt  }
0x7f: {  	_ =	shalt  }
0x80: {  	_ =	shalt  }
0x81: {  	_ =	shalt  }
0x82: {  	_ =	shalt  }
0x83: {  	_ =	shalt  }
0x84: {  	_ =	shalt  }
0x85: {  	_ =	shalt  }
0x86: {  	_ =	shalt  }
0x87: {  	_ =	shalt  }
.Lfunc_end0:
.L_simem_size_0:
called_computation.3_lowered:
.L_overlay_start_0:
0x88: {  	s2 =	sld [smem:$0x3FD9]  }
0x89: {  	s3 =	sld [smem:$0x3FFE];
	_ =	sdelay $0x1  }
0x8a: {  	s1 =	srdreg.scid  }
0x8b: {  	s0 =	sand.u32 $0x1, s1  }
0x8c: {  	s14 =	sshll.u32 s0, $0xA;
	s2 =	sadd.s32 s3, s2  }
0x8d: {  	s2 =	sadd.s32 s2, s14  }
0x8e: {  	[smem:$0x3FB0] =	sst s2  }
0x8f: {  	_ = 	snop  }
0x90: {  	s2 =	sld [smem:$0x3FD0];
	_ =	sdelay $0x2  }
0x91: {  	s15 =	simm.s32 $0xA;
	s4 =	simm.s32 $0x10  }
0x92: {  	[smem:s4], [sflag:s15] =	dma.local [hbm:s2], $0x1  }
0x93: {  	_ =	swait.eq [sflag:s15], $0x1  }
0x94: {  	[sflag:s15] =	ssyncset.done $0x0  }
0x95: {  	s16 =	sld [smem:$0x10];
	[sflag:s15] =	ssyncadd.s32 $0xFFFFFFFF  }
0x96: {  	s17 =	sld [smem:$0x11];
	(tm) =	ssettm $0x1  }
0x97: {  	s18 =	sld [smem:$0x3FFB];
	_ =	sdelay $0x3  }
0x98: {  	_ =	strace s18  }
0x99: {  	s4 =	sld [smem:$0x3FFC];
	_ =	sdelay $0x3  }
0x9a: {  	_ =	strace s4  }
0x9b: {  	s4 =	sld [smem:$0x3FFD];
	_ =	sdelay $0x3  }
0x9c: {  	_ =	strace s4  }
0x9d: {  	_ =	strace $0x8FFFFFFF  }
0x9e: {  	s19 =	sld [smem:$0x3FDB];
	_ =	sdelay $0x1  }
0x9f: {  	s5 =	simm.s32 $_scs_section_size  }
0xa0: {  	s6 =	simm.s32 $_size__tile_overlayer_lowered;
	s7 =	simm.s32 $_tile_overlayer_lowered  }
0xa1: {  	s22 =	simm.s32 $0x1BFF;
	s21 =	sshll.u32 s7, $0x1;
	s4 =	sadd.s32 s5, s19  }
0xa2: {  	s8 =	simm.s32 $0x0;
	s20 =	sshll.u32 s6, $0x1;
	s6 =	sadd.s32 s21, s4  }
0xa3: {  	[timem:s8], [sflag:s22] =	dma.local [hbm:s6], s20  }
0xa4: {  	_ =	swait.ge [sflag:s22], s20  }
0xa5: {  	s5 =	ssub.s32 $0x0, s20;
	[sflag:s22] =	ssyncset.done $0x0  }
0xa6: {  	[sflag:s22] =	ssyncadd.s32 s5;
	_ =	sdelay $0x1  }
0xa7: {  	s23 =	simm.s32 $0x1B8B  }
0xa8: {  	_ =	swait.ge [sflag:s23], $0x1  }
0xa9: {  	[sflag:s23] =	ssyncset.done $0x0  }
0xaa: {  	s25 =	simm.s32 $0x1B8E;
	s24 =	sld [smem:$0x3FFE];
	[sflag:s23] =	ssyncadd.s32 $0xFFFFFFFF  }
0xab: {  	s26 =	simm.s32 $execute0_lowered;
	[smem:$0x3FD2] =	sst s25  }
0xac: {  	s6 =	sshll.u32 s26, $0x1;
	_ =	strace $0x8000004C;
	[dreg:$0x1] =	wrdreg $0xFFFFFFFF  }
0xad: {  	s28 =	simm.s32 $_size_execute0_lowered;
	s4 =	sadd.s32 s4, s6;
	[dreg:$0x0] =	wrdreg $0x0  }
0xae: {  	s6 =	sshll.u32 s28, $0x1;
	[dreg:$0x2] =	wrdreg s4  }
0xaf: {  	[dreg:$0x3] =	wrdreg s6  }
0xb0: {  	[dreg:$0x4] =	wrdreg $0xC0  }
0xb1: {  	_ =	task [dreg:s8], $0x5FFFF  }
0xb2: {  	[dreg:$0x1] =	wrdreg $0xFFFFFFFF  }
0xb3: {  	[dreg:$0x0] =	wrdreg $0x60  }
0xb4: {  	[dreg:$0x2] =	wrdreg s24  }
0xb5: {  	[dreg:$0x3] =	wrdreg s17  }
0xb6: {  	[dreg:$0x4] =	wrdreg s16  }
0xb7: {  	[dreg:$0x5] =	wrdreg $0x50000  }
0xb8: {  	[dreg:$0x6] =	wrdreg $0x9  }
0xb9: {  	_ =	task.clear_ibuf [dreg:s8], $0x7FFFF;
	_ =	strace $0x9000004C  }
0xba: {  	s29 =	simm.s32 $0x9;
	_ =	strace $0x8000004E  }
0xbb: {  	_ =	swait.ge [sflag:s29], $0x1  }
0xbc: {  	[sflag:s29] =	ssyncadd.s32 $0xFFFFFFFF  }
0xbd: {  	_ =	strace $0x9000004E  }
0xbe: {  	_ =	sfence  }
0xbf: {  	s30 =	sld [smem:$0x0];
	_ =	sdelay $0x2  }
0xc0: {  	s31 =	sshll.u32 s1, $0xD;
	s1 =	sshrl.u32 s1, $0x2  }
0xc1: {  	s3 =	sand.u32 $0x4000, s31;
	s1 =	sadd.s32 s1, s30  }
0xc2: {  	s0 =	sor.u32 s3, s0;
	s1 =	sshll.u32 s1, $0x11  }
0xc3: {  	s0 =	sor.u32 s1, s0  }
0xc4: {  	s0 =	sadd.s32 $0x8F2B, s0  }
0xc5: {  	[sflag:s0] =	ssyncadd.remote.s32 $0x1  }
0xc6: {  	_ =	sfence.sel $0xFFFF  }
0xc7: {  	[dreg:$0x0] =	wrdreg $0xFFFFFFFF;
	(pc) =	sbr.abs _section_cstart, $3  }
0xc8: {  	[dreg:$0x1] =	wrdreg $0xFFFFFFFF  }
0xc9: {  	_ =	task.clear_ibuf [dreg:s8], $0x2FFFF;
	_ =	strace $0x9FFFFFFF  }
0xca: {  	(tm) =	ssettm $0x7FFFFFFF  }
0xcb: {  	_ =	shalt  }
tec
execute0_lowered:
.L_overlay_start_1:
0x0: {  	(tag) =	ssettag $0x1  }
0x1: {  	s8 =	rddreg [dreg:$0x0]  }
0x2: {  	s1 =	rddreg [dreg:$0x1]  }
0x3: {  	s2 =	rddreg [dreg:$0x2]  }
0x4: {  	s3 =	rddreg [dreg:$0x3]  }
0x5: {  	s0 =	rddreg [dreg:$0x4];
	s4 =	simm.s32 $0x0  }
0x6: {  	s7 =	srdreg.scid;
	s5 =	stileid.u32;
	s16 =	simm.s32 $0x1400  }
0x7: {  	s17 =	simm.s32 $0x50;
	s18 =	simm.s32 $0x2800;
	s19 =	simm.s32 $0x1  }
0x8: {  	[smem:$0x7FF] =	sst s4;
	s6 =	sadd.s32 $0x20800, s8;
	s9 =	sand.u32 $0x1, s7  }
0x9: {  	s7 =	sadd.s32 $0x6EA00, s8;
	s11 =	smul.u32 $0x50000, s5;
	s12 =	sadd.s32 $0x96A00, s8  }
0xa: {  	s8 =	smul.u32 $0x14000, s5;
	s29 =	sshll.u32 s5, $0x6;
	p0 =	seq.s32 s5, $0xF  }
0xb: {  	_ =	strace $0x8000004D;
	s10 =	ssub.s32 $0x2, s9;
	s28 =	smul.u32 $0x138800, s9  }
0xc: {  	s14 =	smul.u32 $0x140000, s9;
	s13 =	sshrl.u32 s10, $0x1;
	s26 =	sshrl.u32 s11, $0x2  }
0xd: {  	s9 =	sor.u32 $0x1C02, s29;
	s13 =	ssub.s32 s10, s13;
	s21 =	sadd.s32 s26, s3  }
0xe: {  	s15 =	sadd.s32 s8, s28;
	s11 =	sshrl.u32 s28, $0x3;
	s10 =	sadd.s32 s14, s8  }
0xf: {  	s30 =	sshrl.u32 s15, $0x3;
	s31 =	sadd.s32 s12, s11;
	s13 =	smax.u32 s13, $0x1  }
0x10: {  	s14 =	sshrl.u32 s21, $0x3;
	s15 =	simm.s32 $0x2;
	s20 =	sshrl.u32 @p0 s21, $0x3  }
0x11: {  	s21 =	sshrl.u32 @!p0 s21, $0x3;
	s11 =	sadd.s32 s12, s30;
	s12 =	sadd.s32 $0x25800, s31  }
.LBB2_1:
0x12: {  	[spmem:s14], [sflag:s9] =	dma.local [hbm:s2], $0x2800  }
0x13: {  	_ =	swait.ge [sflag:s15], $0x2800  }
0x14: {  	[sflag:s15] =	ssyncset.done $0x0  }
0x15: {  	[sflag:s15] =	ssyncadd.s32 $0xFFFFD800  }
0x16: {  	s22 =	simm.s32 $0x0;
	[bflag:$0x0] =	sbarrier.arrive $0xFFFF  }
.LBB2_2:
0x17: {  	s23 =	smul.u32 $0x1400, s22;
	_ =	sdelay $0x1  }
0x18: {  	s24 =	sadd.s32 s10, s23  }
0x19: {  	s24 =	sshrl.u32 s24, $0x3  }
0x1a: {  	s25 =	simm.s32 $0x0;
	s24 =	sadd.s32 s1, s24  }
0x1b: {  	[tilespmem:s25], [sflag:$0x2] =	stream.linear.gather [hbm4b:s24+s25], $0x1200, $0x38;
	[tilespmem:$0x19000] =	vst v63  }
0x1c: {  	s23 =	sadd.s32 s8, s23;
	_ =	swait.ge [sflag:s15], $0x1200  }
0x1d: {  	s23 =	sshrl.u32 s23, $0x3;
	[sflag:s15] =	ssyncset.done $0x0  }
0x1e: {  	s23 =	sadd.s32 s7, s23;
	[sflag:s15] =	ssyncadd.s32 $0xFFFFEE00  }
0x1f: {  	[tilespmem:s16], [sflag:$0x2] =	stream.linear.gather [hbm4b:s23+s25], $0x1200, $0x38;
	[tilespmem:$0x19000] =	vst v63  }
0x20: {  	_ =	swait.ge [sflag:s15], $0x1200  }
0x21: {  	[sflag:s15] =	ssyncset.done $0x0  }
0x22: {  	s30 =	simm.s32 $0x0;
	[sflag:s15] =	ssyncadd.s32 $0xFFFFEE00  }
0x23: {  	[tilespmem:s18], [sflag:$0x1] =	stream.indirect.gather [hbm4b:s6+s17], $0x80, s30, s17, $0xb8;
	[tilespmem:$0x19000] =	vst v63  }
0x24: {  	_ =	swait.ge [sflag:s19], $0x2800  }
0x25: {  	[sflag:s19] =	ssyncset.done $0x0  }
0x26: {  	s31 =	simm.s32 $0x1400;
	[sflag:s19] =	ssyncadd.s32 $0xFFFFD800  }
0x27: {  	[spmem:s3] =	stream.indirect.scatter.add.f32 [tilespmem:s18], [sflag:$0x2], $0x80, s31, s17, $0xb8;
	[tilespmem:$0x19000] =	vst v63  }
0x28: {  	_ =	swait.ge [sflag:s15], $0x2800  }
0x29: {  	s24 =	simm.s32 $0x400;
	s23 =	simm.s32 $0x200;
	[sflag:s15] =	ssyncset.done $0x0  }
.LBB2_3:
0x2a: {  	s25 =	sshra.s32 s23, $0x2  }
0x2b: {  	[sflag:s15] =	ssyncadd.s32 $0xFFFFD800;
	s23 =	smov.u32 s24;
	s26 =	sadd.s32 $0x200, s24  }
0x2c: {  	[tilespmem:s18], [sflag:$0x1] =	stream.indirect.gather [hbm4b:s6+s17], $0x80, s25, s17, $0xb8;
	[tilespmem:$0x19000] =	vst v63  }
0x2d: {  	p1 =	sne.s32 s24, $0x4600;
	_ =	swait.ge [sflag:s19], $0x2800  }
.Ltmp0:
0x2e: {  	[sflag:s19] =	ssyncset.done $0x0;
	(pc) =	sbr.rel @p1 .LBB2_3-.Ltmp0, $4  }
0x2f: {  	s24 =	sadd.s32 $0x1400, s25;
	[sflag:s19] =	ssyncadd.s32 $0xFFFFD800  }
0x30: {  	[spmem:s3] =	stream.indirect.scatter.add.f32 [tilespmem:s18], [sflag:$0x2], $0x80, s24, s17, $0xb8;
	[tilespmem:$0x19000] =	vst v63  }
0x31: {  	_ =	swait.ge [sflag:s15], $0x2800  }
0x32: {  	s24 =	smov.u32 s26;
	[sflag:s15] =	ssyncset.done $0x0  }
0x33: {  	s23 =	sshra.s32 s23, $0x2;
	[sflag:s15] =	ssyncadd.s32 $0xFFFFD800  }
0x34: {  	[tilespmem:s18], [sflag:$0x1] =	stream.indirect.gather [hbm4b:s6+s17], $0x80, s23, s17, $0xb8;
	[tilespmem:$0x19000] =	vst v63  }
0x35: {  	s22 =	sadd.s32 $0x1, s22;
	_ =	swait.ge [sflag:s19], $0x2800  }
0x36: {  	p1 =	sne.s32 s22, $0x10;
	[sflag:s19] =	ssyncset.done $0x0  }
.Ltmp1:
0x37: {  	s23 =	sadd.s32 $0x1400, s23;
	[sflag:s19] =	ssyncadd.s32 $0xFFFFD800;
	(pc) =	sbr.rel @p1 .LBB2_2-.Ltmp1, $4  }
0x38: {  	[spmem:s3] =	stream.indirect.scatter.add.f32 [tilespmem:s18], [sflag:$0x2], $0x80, s23, s17, $0xb8;
	[tilespmem:$0x19000] =	vst v63  }
0x39: {  	_ =	swait.ge [sflag:s15], $0x2800  }
0x3a: {  	[sflag:s15] =	ssyncset.done $0x0  }
0x3b: {  	[sflag:s15] =	ssyncadd.s32 $0xFFFFD800  }
0x3c: {  	[bflag:$0x0] =	sbarrier.arrive $0xFFFF;
	s22 =	simm.s32 @p0 $0x2  }
0x3d: {  	[hbm:s12], [sflag:s9] =	dma.local @p0 [spmem:s20], $0x1900  }
0x3e: {  	s4 =	sadd.s32 $0x1, s4;
	_ =	swait.ge @p0 [sflag:s22], $0x1900  }
0x3f: {  	p1 =	sne.s32 s4, s13;
	[sflag:s22] =	ssyncset.done @p0 $0x0  }
.Ltmp2:
0x40: {  	[sflag:s22] =	ssyncadd.s32 @p0 $0xFFFFE700;
	s22 =	simm.s32 @!p0 $0x2;
	(pc) =	sbr.rel @p1 .LBB2_1-.Ltmp2, $4  }
0x41: {  	[hbm:s11], [sflag:s9] =	dma.local @!p0 [spmem:s21], $0x2800  }
0x42: {  	_ =	swait.ge @!p0 [sflag:s22], $0x2800  }
0x43: {  	[sflag:s22] =	ssyncset.done @!p0 $0x0  }
0x44: {  	[sflag:s22] =	ssyncadd.s32 @!p0 $0xFFFFD800  }
0x45: {  	_ =	sfence.sel $0x180000  }
0x46: {  	[bflag:$0x0] =	sbarrier.arrive $0xFFFF  }
0x47: {  	p0 =	sne.s32 s5, $0x0;
	_ =	strace $0x9000004D  }
0x48: {  	s0 =	sadd.s32 @!p0 $0x100000, s0;
	[bflag:$0x2] =	sbarrier.arrive $0xFFFF  }
0x49: {  	[sflag:s0] =	ssyncadd.tile.s32 @!p0 $0x1;
	_ =	shalt  }
.Lfunc_end2:
_tile_overlayer_lowered:
.L_overlay_start_2:
0x4a: {  	(tag) =	ssettag $0x2  }
0x4b: {  	s0 =	rddreg [dreg:$0x0];
	s2 =	stileid.u32  }
0x4c: {  	s1 =	rddreg [dreg:$0x1];
	p0 =	sne.s32 s2, $0x0  }
0x4d: {  	s3 =	rddreg [dreg:$0x2];
	[bflag:$0x3] =	sbarrier.arrive $0xFFFF;
	s2 =	simm.s32 @!p0 $0x1C02  }
0x4e: {  	[timem:s3], [sflag:s2] =	dma.local @!p0 [hbm:s0], s1  }
0x4f: {  	s0 =	simm.s32 @!p0 $0x2  }
0x50: {  	_ =	swait.ge @!p0 [sflag:s0], s1  }
0x51: {  	s1 =	ssub.s32 @!p0 $0x0, s1;
	[sflag:s0] =	ssyncset.done @!p0 $0x0  }
0x52: {  	[sflag:s0] =	ssyncadd.s32 @!p0 s1  }
0x53: {  	[bflag:$0x3] =	sbarrier.arrive $0xFFFF  }
0x54: {  	_ =	shalt  }

// kernel: kernel.14.cloned.1.call-start
scs
__scs_entry_jumppad:
0x0: {  	(pc) =	sbr.rel $0x88, $3  }
0x1: {  	(tag) =	ssettag $0x0;
	lr =	simm.s32 $0x1  }
0x2: {  	[smem:$0x3F89] =	sst lr;
	_ =	strace $0xD0000000  }
0x3: {  	_ = 	snop  }
0x4: {  	_ = 	snop  }
0x5: {  	_ = 	snop  }
0x6: {  	_ = 	snop  }
0x7: {  	_ = 	snop  }
__scs_overlays_trampoline_lowered:
0x8: {  	[smem:$0x3F98] =	sst s0  }
0x9: {  	[smem:$0x3F99] =	sst s1  }
0xa: {  	[smem:$0x3F9A] =	sst s2  }
0xb: {  	[smem:$0x3F9B] =	sst s3  }
0xc: {  	[smem:$0x3F9C] =	sst s4  }
0xd: {  	[smem:$0x3F9D] =	sst s5  }
0xe: {  	[smem:$0x3F9E] =	sst s6  }
0xf: {  	[smem:$0x3F9F] =	sst s7  }
0x10: {  	[smem:$0x3FA0] =	sst s8  }
0x11: {  	[smem:$0x3FA1] =	sst s9;
	s0 =	simm.s32 @!p0 $0x0  }
0x12: {  	s1 =	sld [smem:$0x3F87];
	s0 =	simm.s32 @p0 $0x1  }
0x13: {  	[smem:$0x3FA2] =	sst s0;
	s0 =	simm.s32 @!p1 $0x0  }
0x14: {  	s2 =	sld [smem:$0x3F86];
	s0 =	simm.s32 @p1 $0x1  }
0x15: {  	[smem:$0x3FA3] =	sst s0;
	s0 =	simm.s32 @!p2 $0x0  }
0x16: {  	s3 =	sld [smem:$0x3FDB];
	s0 =	simm.s32 @p2 $0x1  }
0x17: {  	s4 =	simm.s32 $0x1BF5;
	[smem:$0x3FA5] =	sst s0  }
0x18: {  	s0 =	sld [smem:$0x3F88];
	_ =	swait.ge [sflag:s4], $0x0  }
0x19: {  	s7 =	sld [smem:$0x3F89]  }
0x1a: {  	s8 =	sadd.s32 $0xFFFFE003, lr  }
0x1b: {  	s9 =	sadd.s32 $0xFFFFFEF7, lr;
	s5 =	simm.s32 $0xFFFFFFFF;
	p2 =	slt.u32 s8, $0xFFFFF086  }
0x1c: {  	p1 =	slt.u32 s9, $0xF7A;
	s5 =	simm.s32 @!p2 $0x0  }
0x1d: {  	s5 =	simm.s32 @p1 $0x1;
	p0 =	seq.s32 s7, s2  }
0x1e: {  	s7 =	smul.u32 @!p0 $0xF7A, s2;
	p2 =	seq.s32 @!p0 s5, $0x0  }
0x1f: {  	s9 =	smul.u32 $0xF7A, s1;
	s8 =	simm.s32 @!p0 $0x1BF5;
	p2 =	por !p2, p0  }
0x20: {  	[sflag:s8] =	ssyncset.s32 @!p0 $0xFFFFF086;
	s6 =	sadd.s32 @!p0 s3, s7;
	s7 =	simm.s32 @!p0 $0x108  }
0x21: {  	s3 =	sadd.s32 s3, s9;
	s6 =	sadd.s32 @!p0 $0x88, s6;
	s7 =	simm.s32 @p2 $0x1082  }
0x22: {  	[simem:s7], [sflag:s8] =	dma.local @!p0 [hbm:s6], $0xF7A  }
0x23: {  	s9 =	sor.u32 $0xD0000000, s2;
	s6 =	simm.s32 $0x108;
	_ =	swait.ge @!p0 [sflag:s8], $0x0  }
0x24: {  	s3 =	sadd.s32 $0x88, s3;
	s6 =	simm.s32 @!p1 $0x1082;
	[sflag:s4] =	ssyncset.s32 $0xFFFFF086  }
0x25: {  	[simem:s6], [sflag:s4] =	dma.local [hbm:s3], $0xF7A  }
0x26: {  	[smem:$0x3F89] =	sst s1;
	(tag) =	ssettag s2;
	_ =	strace s9  }
0x27: {  	s1 =	sld [smem:$0x3F99]  }
0x28: {  	s2 =	sld [smem:$0x3F9A]  }
0x29: {  	s4 =	sld [smem:$0x3F9C]  }
0x2a: {  	p0 =	seq.s32 s5, $0x0;
	s5 =	sld [smem:$0x3F9D]  }
0x2b: {  	s6 =	sld [smem:$0x3F9E]  }
0x2c: {  	s7 =	sld [smem:$0x3F9F]  }
0x2d: {  	s3 =	simm.s32 $0x108;
	s8 =	sld [smem:$0x3FA0]  }
0x2e: {  	s3 =	simm.s32 @!p0 $0x1082;
	s9 =	sld [smem:$0x3FA1]  }
0x2f: {  	lr =	sadd.s32 s0, s3;
	s0 =	sld [smem:$0x3F98]  }
0x30: {  	s3 =	sld [smem:$0x3F9B]  }
0x31: {  	[smem:$0x3FA4] =	sst s10  }
0x32: {  	s10 =	sld [smem:$0x3FA2];
	_ =	sdelay $0x3  }
0x33: {  	p0 =	seq.s32 s10, $0x1;
	s10 =	sld [smem:$0x3FA4];
	_ =	sdelay $0x3  }
0x34: {  	[smem:$0x3FA4] =	sst s10  }
0x35: {  	s10 =	sld [smem:$0x3FA3];
	_ =	sdelay $0x3  }
0x36: {  	p1 =	seq.s32 s10, $0x1;
	s10 =	sld [smem:$0x3FA4];
	_ =	sdelay $0x3  }
0x37: {  	[smem:$0x3FA4] =	sst s10  }
0x38: {  	s10 =	sld [smem:$0x3FA5]  }
0x39: {  	_ = 	snop;
	(pc) =	sbr.ind lr, $3  }
0x3a: {  	_ = 	snop  }
0x3b: {  	_ = 	snop  }
0x3c: {  	p2 =	seq.s32 s10, $0x1;
	s10 =	sld [smem:$0x3FA4]  }
0x3d: {  	_ =	shalt  }
0x3e: {  	_ =	shalt  }
0x3f: {  	_ =	shalt  }
0x40: {  	_ =	shalt  }
0x41: {  	_ =	shalt  }
0x42: {  	_ =	shalt  }
0x43: {  	_ =	shalt  }
0x44: {  	_ =	shalt  }
0x45: {  	_ =	shalt  }
0x46: {  	_ =	shalt  }
0x47: {  	_ =	shalt  }
0x48: {  	_ =	shalt  }
0x49: {  	_ =	shalt  }
0x4a: {  	_ =	shalt  }
0x4b: {  	_ =	shalt  }
0x4c: {  	_ =	shalt  }
0x4d: {  	_ =	shalt  }
0x4e: {  	_ =	shalt  }
0x4f: {  	_ =	shalt  }
0x50: {  	_ =	shalt  }
0x51: {  	_ =	shalt  }
0x52: {  	_ =	shalt  }
0x53: {  	_ =	shalt  }
0x54: {  	_ =	shalt  }
0x55: {  	_ =	shalt  }
0x56: {  	_ =	shalt  }
0x57: {  	_ =	shalt  }
0x58: {  	_ =	shalt  }
0x59: {  	_ =	shalt  }
0x5a: {  	_ =	shalt  }
0x5b: {  	_ =	shalt  }
0x5c: {  	_ =	shalt  }
0x5d: {  	_ =	shalt  }
0x5e: {  	_ =	shalt  }
0x5f: {  	_ =	shalt  }
0x60: {  	_ =	shalt  }
0x61: {  	_ =	shalt  }
0x62: {  	_ =	shalt  }
0x63: {  	_ =	shalt  }
0x64: {  	_ =	shalt  }
0x65: {  	_ =	shalt  }
0x66: {  	_ =	shalt  }
0x67: {  	_ =	shalt  }
0x68: {  	_ =	shalt  }
0x69: {  	_ =	shalt  }
0x6a: {  	_ =	shalt  }
0x6b: {  	_ =	shalt  }
0x6c: {  	_ =	shalt  }
0x6d: {  	_ =	shalt  }
0x6e: {  	_ =	shalt  }
0x6f: {  	_ =	shalt  }
0x70: {  	_ =	shalt  }
0x71: {  	_ =	shalt  }
0x72: {  	_ =	shalt  }
0x73: {  	_ =	shalt  }
0x74: {  	_ =	shalt  }
0x75: {  	_ =	shalt  }
0x76: {  	_ =	shalt  }
0x77: {  	_ =	shalt  }
0x78: {  	_ =	shalt  }
0x79: {  	_ =	shalt  }
0x7a: {  	_ =	shalt  }
0x7b: {  	_ =	shalt  }
0x7c: {  	_ =	shalt  }
0x7d: {  	_ =	shalt  }
0x7e: {  	_ =	shalt  }
0x7f: {  	_ =	shalt  }
0x80: {  	_ =	shalt  }
0x81: {  	_ =	shalt  }
0x82: {  	_ =	shalt  }
0x83: {  	_ =	shalt  }
0x84: {  	_ =	shalt  }
0x85: {  	_ =	shalt  }
0x86: {  	_ =	shalt  }
0x87: {  	_ =	shalt  }
.Lfunc_end0:
.L_simem_size_0:
called_computation.4_lowered:
.L_overlay_start_0:
0x88: {  	s2 =	sld [smem:$0x3FD9]  }
0x89: {  	s3 =	sld [smem:$0x3FFE];
	_ =	sdelay $0x1  }
0x8a: {  	s1 =	srdreg.scid  }
0x8b: {  	s0 =	sand.u32 $0x1, s1  }
0x8c: {  	s14 =	sshll.u32 s0, $0xA;
	s2 =	sadd.s32 s3, s2  }
0x8d: {  	s2 =	sadd.s32 s2, s14  }
0x8e: {  	[smem:$0x3FB0] =	sst s2  }
0x8f: {  	_ = 	snop  }
0x90: {  	s2 =	sld [smem:$0x3FD0];
	_ =	sdelay $0x2  }
0x91: {  	s15 =	simm.s32 $0xA;
	s4 =	simm.s32 $0x10  }
0x92: {  	[smem:s4], [sflag:s15] =	dma.local [hbm:s2], $0x1  }
0x93: {  	_ =	swait.eq [sflag:s15], $0x1  }
0x94: {  	[sflag:s15] =	ssyncset.done $0x0  }
0x95: {  	s16 =	sld [smem:$0x10];
	[sflag:s15] =	ssyncadd.s32 $0xFFFFFFFF  }
0x96: {  	s17 =	sld [smem:$0x11];
	(tm) =	ssettm $0x1  }
0x97: {  	s18 =	sld [smem:$0x3FFB];
	_ =	sdelay $0x3  }
0x98: {  	_ =	strace s18  }
0x99: {  	s4 =	sld [smem:$0x3FFC];
	_ =	sdelay $0x3  }
0x9a: {  	_ =	strace s4  }
0x9b: {  	s4 =	sld [smem:$0x3FFD];
	_ =	sdelay $0x3  }
0x9c: {  	_ =	strace s4  }
0x9d: {  	_ =	strace $0x8FFFFFFF  }
0x9e: {  	s19 =	sld [smem:$0x3FDB];
	_ =	sdelay $0x1  }
0x9f: {  	s5 =	simm.s32 $_scs_section_size  }
0xa0: {  	s6 =	simm.s32 $_size__tile_overlayer_lowered;
	s7 =	simm.s32 $_tile_overlayer_lowered  }
0xa1: {  	s22 =	simm.s32 $0x1BFF;
	s21 =	sshll.u32 s7, $0x1;
	s4 =	sadd.s32 s5, s19  }
0xa2: {  	s8 =	simm.s32 $0x0;
	s20 =	sshll.u32 s6, $0x1;
	s6 =	sadd.s32 s21, s4  }
0xa3: {  	[timem:s8], [sflag:s22] =	dma.local [hbm:s6], s20  }
0xa4: {  	_ =	swait.ge [sflag:s22], s20  }
0xa5: {  	s5 =	ssub.s32 $0x0, s20;
	[sflag:s22] =	ssyncset.done $0x0  }
0xa6: {  	[sflag:s22] =	ssyncadd.s32 s5;
	_ =	sdelay $0x1  }
0xa7: {  	s23 =	simm.s32 $0x1B8B  }
0xa8: {  	_ =	swait.ge [sflag:s23], $0x1  }
0xa9: {  	[sflag:s23] =	ssyncset.done $0x0  }
0xaa: {  	s25 =	simm.s32 $0x1B8E;
	s24 =	sld [smem:$0x3FFE];
	[sflag:s23] =	ssyncadd.s32 $0xFFFFFFFF  }
0xab: {  	s26 =	simm.s32 $execute0_lowered;
	[smem:$0x3FD2] =	sst s25  }
0xac: {  	s6 =	sshll.u32 s26, $0x1;
	_ =	strace $0x8000004F;
	[dreg:$0x1] =	wrdreg $0xFFFFFFFF  }
0xad: {  	s28 =	simm.s32 $_size_execute0_lowered;
	s4 =	sadd.s32 s4, s6;
	[dreg:$0x0] =	wrdreg $0x0  }
0xae: {  	s6 =	sshll.u32 s28, $0x1;
	[dreg:$0x2] =	wrdreg s4  }
0xaf: {  	[dreg:$0x3] =	wrdreg s6  }
0xb0: {  	[dreg:$0x4] =	wrdreg $0xC0  }
0xb1: {  	_ =	task [dreg:s8], $0x5FFFF  }
0xb2: {  	[dreg:$0x1] =	wrdreg $0xFFFFFFFF  }
0xb3: {  	[dreg:$0x0] =	wrdreg $0x60  }
0xb4: {  	[dreg:$0x2] =	wrdreg s24  }
0xb5: {  	[dreg:$0x3] =	wrdreg s17  }
0xb6: {  	[dreg:$0x4] =	wrdreg s16  }
0xb7: {  	[dreg:$0x5] =	wrdreg $0x50000  }
0xb8: {  	[dreg:$0x6] =	wrdreg $0x9  }
0xb9: {  	_ =	task.clear_ibuf [dreg:s8], $0x7FFFF;
	_ =	strace $0x9000004F  }
0xba: {  	s29 =	simm.s32 $0x9;
	_ =	strace $0x80000051  }
0xbb: {  	_ =	swait.ge [sflag:s29], $0x1  }
0xbc: {  	[sflag:s29] =	ssyncadd.s32 $0xFFFFFFFF  }
0xbd: {  	_ =	strace $0x90000051  }
0xbe: {  	_ =	sfence  }
0xbf: {  	s30 =	sld [smem:$0x0];
	_ =	sdelay $0x2  }
0xc0: {  	s31 =	sshll.u32 s1, $0xD;
	s1 =	sshrl.u32 s1, $0x2  }
0xc1: {  	s3 =	sand.u32 $0x4000, s31;
	s1 =	sadd.s32 s1, s30  }
0xc2: {  	s0 =	sor.u32 s3, s0;
	s1 =	sshll.u32 s1, $0x11  }
0xc3: {  	s0 =	sor.u32 s1, s0  }
0xc4: {  	s0 =	sadd.s32 $0x8F2B, s0  }
0xc5: {  	[sflag:s0] =	ssyncadd.remote.s32 $0x1  }
0xc6: {  	_ =	sfence.sel $0xFFFF  }
0xc7: {  	[dreg:$0x0] =	wrdreg $0xFFFFFFFF;
	(pc) =	sbr.abs _section_cstart, $3  }
0xc8: {  	[dreg:$0x1] =	wrdreg $0xFFFFFFFF  }
0xc9: {  	_ =	task.clear_ibuf [dreg:s8], $0x2FFFF;
	_ =	strace $0x9FFFFFFF  }
0xca: {  	(tm) =	ssettm $0x7FFFFFFF  }
0xcb: {  	_ =	shalt  }
tec
execute0_lowered:
.L_overlay_start_1:
0x0: {  	(tag) =	ssettag $0x1  }
0x1: {  	s8 =	rddreg [dreg:$0x0]  }
0x2: {  	s1 =	rddreg [dreg:$0x1]  }
0x3: {  	s2 =	rddreg [dreg:$0x2]  }
0x4: {  	s3 =	rddreg [dreg:$0x3]  }
0x5: {  	s0 =	rddreg [dreg:$0x4];
	s4 =	simm.s32 $0x0  }
0x6: {  	s7 =	srdreg.scid;
	s5 =	stileid.u32;
	s16 =	simm.s32 $0x1400  }
0x7: {  	s17 =	simm.s32 $0x50;
	s18 =	simm.s32 $0x2800;
	s19 =	simm.s32 $0x1  }
0x8: {  	[smem:$0x7FF] =	sst s4;
	s6 =	sadd.s32 $0x96A00, s8;
	s9 =	sand.u32 $0x1, s7  }
0x9: {  	s7 =	sadd.s32 $0x6EA00, s8;
	s11 =	smul.u32 $0x50000, s5;
	s12 =	sadd.s32 $0x2E00, s8  }
0xa: {  	s8 =	smul.u32 $0x14000, s5;
	s29 =	sshll.u32 s5, $0x6;
	p0 =	seq.s32 s5, $0xF  }
0xb: {  	_ =	strace $0x80000050;
	s10 =	ssub.s32 $0x2, s9;
	s28 =	smul.u32 $0x138800, s9  }
0xc: {  	s14 =	smul.u32 $0x140000, s9;
	s13 =	sshrl.u32 s10, $0x1;
	s26 =	sshrl.u32 s11, $0x2  }
0xd: {  	s9 =	sor.u32 $0x1C02, s29;
	s13 =	ssub.s32 s10, s13;
	s21 =	sadd.s32 s26, s3  }
0xe: {  	s15 =	sadd.s32 s8, s28;
	s11 =	sshrl.u32 s28, $0x3;
	s10 =	sadd.s32 s14, s8  }
0xf: {  	s30 =	sshrl.u32 s15, $0x3;
	s31 =	sadd.s32 s12, s11;
	s13 =	smax.u32 s13, $0x1  }
0x10: {  	s14 =	sshrl.u32 s21, $0x3;
	s15 =	simm.s32 $0x2;
	s20 =	sshrl.u32 @p0 s21, $0x3  }
0x11: {  	s21 =	sshrl.u32 @!p0 s21, $0x3;
	s11 =	sadd.s32 s12, s30;
	s12 =	sadd.s32 $0x25800, s31  }
.LBB2_1:
0x12: {  	[spmem:s14], [sflag:s9] =	dma.local [hbm:s2], $0x2800  }
0x13: {  	_ =	swait.ge [sflag:s15], $0x2800  }
0x14: {  	[sflag:s15] =	ssyncset.done $0x0  }
0x15: {  	[sflag:s15] =	ssyncadd.s32 $0xFFFFD800  }
0x16: {  	s22 =	simm.s32 $0x0;
	[bflag:$0x0] =	sbarrier.arrive $0xFFFF  }
.LBB2_2:
0x17: {  	s23 =	smul.u32 $0x1400, s22;
	_ =	sdelay $0x1  }
0x18: {  	s24 =	sadd.s32 s10, s23  }
0x19: {  	s24 =	sshrl.u32 s24, $0x3  }
0x1a: {  	s25 =	simm.s32 $0x0;
	s24 =	sadd.s32 s1, s24  }
0x1b: {  	[tilespmem:s25], [sflag:$0x2] =	stream.linear.gather [hbm4b:s24+s25], $0x1200, $0x38;
	[tilespmem:$0x19000] =	vst v63  }
0x1c: {  	s23 =	sadd.s32 s8, s23;
	_ =	swait.ge [sflag:s15], $0x1200  }
0x1d: {  	s23 =	sshrl.u32 s23, $0x3;
	[sflag:s15] =	ssyncset.done $0x0  }
0x1e: {  	s23 =	sadd.s32 s7, s23;
	[sflag:s15] =	ssyncadd.s32 $0xFFFFEE00  }
0x1f: {  	[tilespmem:s16], [sflag:$0x2] =	stream.linear.gather [hbm4b:s23+s25], $0x1200, $0x38;
	[tilespmem:$0x19000] =	vst v63  }
0x20: {  	_ =	swait.ge [sflag:s15], $0x1200  }
0x21: {  	[sflag:s15] =	ssyncset.done $0x0  }
0x22: {  	s30 =	simm.s32 $0x0;
	[sflag:s15] =	ssyncadd.s32 $0xFFFFEE00  }
0x23: {  	[tilespmem:s18], [sflag:$0x1] =	stream.indirect.gather [hbm4b:s6+s17], $0x80, s30, s17, $0xb8;
	[tilespmem:$0x19000] =	vst v63  }
0x24: {  	_ =	swait.ge [sflag:s19], $0x2800  }
0x25: {  	[sflag:s19] =	ssyncset.done $0x0  }
0x26: {  	s31 =	simm.s32 $0x1400;
	[sflag:s19] =	ssyncadd.s32 $0xFFFFD800  }
0x27: {  	[spmem:s3] =	stream.indirect.scatter.add.f32 [tilespmem:s18], [sflag:$0x2], $0x80, s31, s17, $0xb8;
	[tilespmem:$0x19000] =	vst v63  }
0x28: {  	_ =	swait.ge [sflag:s15], $0x2800  }
0x29: {  	s24 =	simm.s32 $0x400;
	s23 =	simm.s32 $0x200;
	[sflag:s15] =	ssyncset.done $0x0  }
.LBB2_3:
0x2a: {  	s25 =	sshra.s32 s23, $0x2  }
0x2b: {  	[sflag:s15] =	ssyncadd.s32 $0xFFFFD800;
	s23 =	smov.u32 s24;
	s26 =	sadd.s32 $0x200, s24  }
0x2c: {  	[tilespmem:s18], [sflag:$0x1] =	stream.indirect.gather [hbm4b:s6+s17], $0x80, s25, s17, $0xb8;
	[tilespmem:$0x19000] =	vst v63  }
0x2d: {  	p1 =	sne.s32 s24, $0x4600;
	_ =	swait.ge [sflag:s19], $0x2800  }
.Ltmp0:
0x2e: {  	[sflag:s19] =	ssyncset.done $0x0;
	(pc) =	sbr.rel @p1 .LBB2_3-.Ltmp0, $4  }
0x2f: {  	s24 =	sadd.s32 $0x1400, s25;
	[sflag:s19] =	ssyncadd.s32 $0xFFFFD800  }
0x30: {  	[spmem:s3] =	stream.indirect.scatter.add.f32 [tilespmem:s18], [sflag:$0x2], $0x80, s24, s17, $0xb8;
	[tilespmem:$0x19000] =	vst v63  }
0x31: {  	_ =	swait.ge [sflag:s15], $0x2800  }
0x32: {  	s24 =	smov.u32 s26;
	[sflag:s15] =	ssyncset.done $0x0  }
0x33: {  	s23 =	sshra.s32 s23, $0x2;
	[sflag:s15] =	ssyncadd.s32 $0xFFFFD800  }
0x34: {  	[tilespmem:s18], [sflag:$0x1] =	stream.indirect.gather [hbm4b:s6+s17], $0x80, s23, s17, $0xb8;
	[tilespmem:$0x19000] =	vst v63  }
0x35: {  	s22 =	sadd.s32 $0x1, s22;
	_ =	swait.ge [sflag:s19], $0x2800  }
0x36: {  	p1 =	sne.s32 s22, $0x10;
	[sflag:s19] =	ssyncset.done $0x0  }
.Ltmp1:
0x37: {  	s23 =	sadd.s32 $0x1400, s23;
	[sflag:s19] =	ssyncadd.s32 $0xFFFFD800;
	(pc) =	sbr.rel @p1 .LBB2_2-.Ltmp1, $4  }
0x38: {  	[spmem:s3] =	stream.indirect.scatter.add.f32 [tilespmem:s18], [sflag:$0x2], $0x80, s23, s17, $0xb8;
	[tilespmem:$0x19000] =	vst v63  }
0x39: {  	_ =	swait.ge [sflag:s15], $0x2800  }
0x3a: {  	[sflag:s15] =	ssyncset.done $0x0  }
0x3b: {  	[sflag:s15] =	ssyncadd.s32 $0xFFFFD800  }
0x3c: {  	[bflag:$0x0] =	sbarrier.arrive $0xFFFF;
	s22 =	simm.s32 @p0 $0x2  }
0x3d: {  	[hbm:s12], [sflag:s9] =	dma.local @p0 [spmem:s20], $0x1900  }
0x3e: {  	s4 =	sadd.s32 $0x1, s4;
	_ =	swait.ge @p0 [sflag:s22], $0x1900  }
0x3f: {  	p1 =	sne.s32 s4, s13;
	[sflag:s22] =	ssyncset.done @p0 $0x0  }
.Ltmp2:
0x40: {  	[sflag:s22] =	ssyncadd.s32 @p0 $0xFFFFE700;
	s22 =	simm.s32 @!p0 $0x2;
	(pc) =	sbr.rel @p1 .LBB2_1-.Ltmp2, $4  }
0x41: {  	[hbm:s11], [sflag:s9] =	dma.local @!p0 [spmem:s21], $0x2800  }
0x42: {  	_ =	swait.ge @!p0 [sflag:s22], $0x2800  }
0x43: {  	[sflag:s22] =	ssyncset.done @!p0 $0x0  }
0x44: {  	[sflag:s22] =	ssyncadd.s32 @!p0 $0xFFFFD800  }
0x45: {  	_ =	sfence.sel $0x180000  }
0x46: {  	[bflag:$0x0] =	sbarrier.arrive $0xFFFF  }
0x47: {  	p0 =	sne.s32 s5, $0x0;
	_ =	strace $0x90000050  }
0x48: {  	s0 =	sadd.s32 @!p0 $0x100000, s0;
	[bflag:$0x2] =	sbarrier.arrive $0xFFFF  }
0x49: {  	[sflag:s0] =	ssyncadd.tile.s32 @!p0 $0x1;
	_ =	shalt  }
.Lfunc_end2:
_tile_overlayer_lowered:
.L_overlay_start_2:
0x4a: {  	(tag) =	ssettag $0x2  }
0x4b: {  	s0 =	rddreg [dreg:$0x0];
	s2 =	stileid.u32  }
0x4c: {  	s1 =	rddreg [dreg:$0x1];
	p0 =	sne.s32 s2, $0x0  }
0x4d: {  	s3 =	rddreg [dreg:$0x2];
	[bflag:$0x3] =	sbarrier.arrive $0xFFFF;
	s2 =	simm.s32 @!p0 $0x1C02  }
0x4e: {  	[timem:s3], [sflag:s2] =	dma.local @!p0 [hbm:s0], s1  }
0x4f: {  	s0 =	simm.s32 @!p0 $0x2  }
0x50: {  	_ =	swait.ge @!p0 [sflag:s0], s1  }
0x51: {  	s1 =	ssub.s32 @!p0 $0x0, s1;
	[sflag:s0] =	ssyncset.done @!p0 $0x0  }
0x52: {  	[sflag:s0] =	ssyncadd.s32 @!p0 s1  }
0x53: {  	[bflag:$0x3] =	sbarrier.arrive $0xFFFF  }
0x54: {  	_ =	shalt  }

// kernel: kernel.17.cloned.1.call-start
scs
__scs_entry_jumppad:
0x0: {  	(pc) =	sbr.rel $0x88, $3  }
0x1: {  	(tag) =	ssettag $0x0;
	lr =	simm.s32 $0x1  }
0x2: {  	[smem:$0x3F89] =	sst lr;
	_ =	strace $0xD0000000  }
0x3: {  	_ = 	snop  }
0x4: {  	_ = 	snop  }
0x5: {  	_ = 	snop  }
0x6: {  	_ = 	snop  }
0x7: {  	_ = 	snop  }
__scs_overlays_trampoline_lowered:
0x8: {  	[smem:$0x3F98] =	sst s0  }
0x9: {  	[smem:$0x3F99] =	sst s1  }
0xa: {  	[smem:$0x3F9A] =	sst s2  }
0xb: {  	[smem:$0x3F9B] =	sst s3  }
0xc: {  	[smem:$0x3F9C] =	sst s4  }
0xd: {  	[smem:$0x3F9D] =	sst s5  }
0xe: {  	[smem:$0x3F9E] =	sst s6  }
0xf: {  	[smem:$0x3F9F] =	sst s7  }
0x10: {  	[smem:$0x3FA0] =	sst s8  }
0x11: {  	[smem:$0x3FA1] =	sst s9;
	s0 =	simm.s32 @!p0 $0x0  }
0x12: {  	s1 =	sld [smem:$0x3F87];
	s0 =	simm.s32 @p0 $0x1  }
0x13: {  	[smem:$0x3FA2] =	sst s0;
	s0 =	simm.s32 @!p1 $0x0  }
0x14: {  	s2 =	sld [smem:$0x3F86];
	s0 =	simm.s32 @p1 $0x1  }
0x15: {  	[smem:$0x3FA3] =	sst s0;
	s0 =	simm.s32 @!p2 $0x0  }
0x16: {  	s3 =	sld [smem:$0x3FDB];
	s0 =	simm.s32 @p2 $0x1  }
0x17: {  	s4 =	simm.s32 $0x1BF5;
	[smem:$0x3FA5] =	sst s0  }
0x18: {  	s0 =	sld [smem:$0x3F88];
	_ =	swait.ge [sflag:s4], $0x0  }
0x19: {  	s7 =	sld [smem:$0x3F89]  }
0x1a: {  	s8 =	sadd.s32 $0xFFFFE003, lr  }
0x1b: {  	s9 =	sadd.s32 $0xFFFFFEF7, lr;
	s5 =	simm.s32 $0xFFFFFFFF;
	p2 =	slt.u32 s8, $0xFFFFF086  }
0x1c: {  	p1 =	slt.u32 s9, $0xF7A;
	s5 =	simm.s32 @!p2 $0x0  }
0x1d: {  	s5 =	simm.s32 @p1 $0x1;
	p0 =	seq.s32 s7, s2  }
0x1e: {  	s7 =	smul.u32 @!p0 $0xF7A, s2;
	p2 =	seq.s32 @!p0 s5, $0x0  }
0x1f: {  	s9 =	smul.u32 $0xF7A, s1;
	s8 =	simm.s32 @!p0 $0x1BF5;
	p2 =	por !p2, p0  }
0x20: {  	[sflag:s8] =	ssyncset.s32 @!p0 $0xFFFFF086;
	s6 =	sadd.s32 @!p0 s3, s7;
	s7 =	simm.s32 @!p0 $0x108  }
0x21: {  	s3 =	sadd.s32 s3, s9;
	s6 =	sadd.s32 @!p0 $0x88, s6;
	s7 =	simm.s32 @p2 $0x1082  }
0x22: {  	[simem:s7], [sflag:s8] =	dma.local @!p0 [hbm:s6], $0xF7A  }
0x23: {  	s9 =	sor.u32 $0xD0000000, s2;
	s6 =	simm.s32 $0x108;
	_ =	swait.ge @!p0 [sflag:s8], $0x0  }
0x24: {  	s3 =	sadd.s32 $0x88, s3;
	s6 =	simm.s32 @!p1 $0x1082;
	[sflag:s4] =	ssyncset.s32 $0xFFFFF086  }
0x25: {  	[simem:s6], [sflag:s4] =	dma.local [hbm:s3], $0xF7A  }
0x26: {  	[smem:$0x3F89] =	sst s1;
	(tag) =	ssettag s2;
	_ =	strace s9  }
0x27: {  	s1 =	sld [smem:$0x3F99]  }
0x28: {  	s2 =	sld [smem:$0x3F9A]  }
0x29: {  	s4 =	sld [smem:$0x3F9C]  }
0x2a: {  	p0 =	seq.s32 s5, $0x0;
	s5 =	sld [smem:$0x3F9D]  }
0x2b: {  	s6 =	sld [smem:$0x3F9E]  }
0x2c: {  	s7 =	sld [smem:$0x3F9F]  }
0x2d: {  	s3 =	simm.s32 $0x108;
	s8 =	sld [smem:$0x3FA0]  }
0x2e: {  	s3 =	simm.s32 @!p0 $0x1082;
	s9 =	sld [smem:$0x3FA1]  }
0x2f: {  	lr =	sadd.s32 s0, s3;
	s0 =	sld [smem:$0x3F98]  }
0x30: {  	s3 =	sld [smem:$0x3F9B]  }
0x31: {  	[smem:$0x3FA4] =	sst s10  }
0x32: {  	s10 =	sld [smem:$0x3FA2];
	_ =	sdelay $0x3  }
0x33: {  	p0 =	seq.s32 s10, $0x1;
	s10 =	sld [smem:$0x3FA4];
	_ =	sdelay $0x3  }
0x34: {  	[smem:$0x3FA4] =	sst s10  }
0x35: {  	s10 =	sld [smem:$0x3FA3];
	_ =	sdelay $0x3  }
0x36: {  	p1 =	seq.s32 s10, $0x1;
	s10 =	sld [smem:$0x3FA4];
	_ =	sdelay $0x3  }
0x37: {  	[smem:$0x3FA4] =	sst s10  }
0x38: {  	s10 =	sld [smem:$0x3FA5]  }
0x39: {  	_ = 	snop;
	(pc) =	sbr.ind lr, $3  }
0x3a: {  	_ = 	snop  }
0x3b: {  	_ = 	snop  }
0x3c: {  	p2 =	seq.s32 s10, $0x1;
	s10 =	sld [smem:$0x3FA4]  }
0x3d: {  	_ =	shalt  }
0x3e: {  	_ =	shalt  }
0x3f: {  	_ =	shalt  }
0x40: {  	_ =	shalt  }
0x41: {  	_ =	shalt  }
0x42: {  	_ =	shalt  }
0x43: {  	_ =	shalt  }
0x44: {  	_ =	shalt  }
0x45: {  	_ =	shalt  }
0x46: {  	_ =	shalt  }
0x47: {  	_ =	shalt  }
0x48: {  	_ =	shalt  }
0x49: {  	_ =	shalt  }
0x4a: {  	_ =	shalt  }
0x4b: {  	_ =	shalt  }
0x4c: {  	_ =	shalt  }
0x4d: {  	_ =	shalt  }
0x4e: {  	_ =	shalt  }
0x4f: {  	_ =	shalt  }
0x50: {  	_ =	shalt  }
0x51: {  	_ =	shalt  }
0x52: {  	_ =	shalt  }
0x53: {  	_ =	shalt  }
0x54: {  	_ =	shalt  }
0x55: {  	_ =	shalt  }
0x56: {  	_ =	shalt  }
0x57: {  	_ =	shalt  }
0x58: {  	_ =	shalt  }
0x59: {  	_ =	shalt  }
0x5a: {  	_ =	shalt  }
0x5b: {  	_ =	shalt  }
0x5c: {  	_ =	shalt  }
0x5d: {  	_ =	shalt  }
0x5e: {  	_ =	shalt  }
0x5f: {  	_ =	shalt  }
0x60: {  	_ =	shalt  }
0x61: {  	_ =	shalt  }
0x62: {  	_ =	shalt  }
0x63: {  	_ =	shalt  }
0x64: {  	_ =	shalt  }
0x65: {  	_ =	shalt  }
0x66: {  	_ =	shalt  }
0x67: {  	_ =	shalt  }
0x68: {  	_ =	shalt  }
0x69: {  	_ =	shalt  }
0x6a: {  	_ =	shalt  }
0x6b: {  	_ =	shalt  }
0x6c: {  	_ =	shalt  }
0x6d: {  	_ =	shalt  }
0x6e: {  	_ =	shalt  }
0x6f: {  	_ =	shalt  }
0x70: {  	_ =	shalt  }
0x71: {  	_ =	shalt  }
0x72: {  	_ =	shalt  }
0x73: {  	_ =	shalt  }
0x74: {  	_ =	shalt  }
0x75: {  	_ =	shalt  }
0x76: {  	_ =	shalt  }
0x77: {  	_ =	shalt  }
0x78: {  	_ =	shalt  }
0x79: {  	_ =	shalt  }
0x7a: {  	_ =	shalt  }
0x7b: {  	_ =	shalt  }
0x7c: {  	_ =	shalt  }
0x7d: {  	_ =	shalt  }
0x7e: {  	_ =	shalt  }
0x7f: {  	_ =	shalt  }
0x80: {  	_ =	shalt  }
0x81: {  	_ =	shalt  }
0x82: {  	_ =	shalt  }
0x83: {  	_ =	shalt  }
0x84: {  	_ =	shalt  }
0x85: {  	_ =	shalt  }
0x86: {  	_ =	shalt  }
0x87: {  	_ =	shalt  }
.Lfunc_end0:
.L_simem_size_0:
called_computation.5_lowered:
.L_overlay_start_0:
0x88: {  	s2 =	sld [smem:$0x3FD9]  }
0x89: {  	s3 =	sld [smem:$0x3FFE];
	_ =	sdelay $0x1  }
0x8a: {  	s1 =	srdreg.scid  }
0x8b: {  	s0 =	sand.u32 $0x1, s1  }
0x8c: {  	s14 =	sshll.u32 s0, $0xA;
	s2 =	sadd.s32 s3, s2  }
0x8d: {  	s2 =	sadd.s32 s2, s14  }
0x8e: {  	[smem:$0x3FB0] =	sst s2  }
0x8f: {  	_ = 	snop  }
0x90: {  	s2 =	sld [smem:$0x3FD0];
	_ =	sdelay $0x2  }
0x91: {  	s15 =	simm.s32 $0xA;
	s4 =	simm.s32 $0x10  }
0x92: {  	[smem:s4], [sflag:s15] =	dma.local [hbm:s2], $0x1  }
0x93: {  	_ =	swait.eq [sflag:s15], $0x1  }
0x94: {  	[sflag:s15] =	ssyncset.done $0x0  }
0x95: {  	s16 =	sld [smem:$0x10];
	[sflag:s15] =	ssyncadd.s32 $0xFFFFFFFF  }
0x96: {  	s17 =	sld [smem:$0x11];
	(tm) =	ssettm $0x1  }
0x97: {  	s18 =	sld [smem:$0x3FFB];
	_ =	sdelay $0x3  }
0x98: {  	_ =	strace s18  }
0x99: {  	s4 =	sld [smem:$0x3FFC];
	_ =	sdelay $0x3  }
0x9a: {  	_ =	strace s4  }
0x9b: {  	s4 =	sld [smem:$0x3FFD];
	_ =	sdelay $0x3  }
0x9c: {  	_ =	strace s4  }
0x9d: {  	_ =	strace $0x8FFFFFFF  }
0x9e: {  	s19 =	sld [smem:$0x3FDB];
	_ =	sdelay $0x1  }
0x9f: {  	s5 =	simm.s32 $_scs_section_size  }
0xa0: {  	s6 =	simm.s32 $_size__tile_overlayer_lowered;
	s7 =	simm.s32 $_tile_overlayer_lowered  }
0xa1: {  	s22 =	simm.s32 $0x1BFF;
	s21 =	sshll.u32 s7, $0x1;
	s4 =	sadd.s32 s5, s19  }
0xa2: {  	s8 =	simm.s32 $0x0;
	s20 =	sshll.u32 s6, $0x1;
	s6 =	sadd.s32 s21, s4  }
0xa3: {  	[timem:s8], [sflag:s22] =	dma.local [hbm:s6], s20  }
0xa4: {  	_ =	swait.ge [sflag:s22], s20  }
0xa5: {  	s5 =	ssub.s32 $0x0, s20;
	[sflag:s22] =	ssyncset.done $0x0  }
0xa6: {  	[sflag:s22] =	ssyncadd.s32 s5;
	_ =	sdelay $0x1  }
0xa7: {  	s23 =	simm.s32 $0x1B8B  }
0xa8: {  	_ =	swait.ge [sflag:s23], $0x1  }
0xa9: {  	[sflag:s23] =	ssyncset.done $0x0  }
0xaa: {  	s25 =	simm.s32 $0x1B8E;
	s24 =	sld [smem:$0x3FFE];
	[sflag:s23] =	ssyncadd.s32 $0xFFFFFFFF  }
0xab: {  	s26 =	simm.s32 $execute0_lowered;
	[smem:$0x3FD2] =	sst s25  }
0xac: {  	s6 =	sshll.u32 s26, $0x1;
	_ =	strace $0x80000052;
	[dreg:$0x1] =	wrdreg $0xFFFFFFFF  }
0xad: {  	s28 =	simm.s32 $_size_execute0_lowered;
	s4 =	sadd.s32 s4, s6;
	[dreg:$0x0] =	wrdreg $0x0  }
0xae: {  	s6 =	sshll.u32 s28, $0x1;
	[dreg:$0x2] =	wrdreg s4  }
0xaf: {  	[dreg:$0x3] =	wrdreg s6  }
0xb0: {  	[dreg:$0x4] =	wrdreg $0xC0  }
0xb1: {  	_ =	task [dreg:s8], $0x5FFFF  }
0xb2: {  	[dreg:$0x1] =	wrdreg $0xFFFFFFFF  }
0xb3: {  	[dreg:$0x0] =	wrdreg $0x60  }
0xb4: {  	[dreg:$0x2] =	wrdreg s24  }
0xb5: {  	[dreg:$0x3] =	wrdreg s17  }
0xb6: {  	[dreg:$0x4] =	wrdreg s16  }
0xb7: {  	[dreg:$0x5] =	wrdreg $0x50000  }
0xb8: {  	[dreg:$0x6] =	wrdreg $0x9  }
0xb9: {  	_ =	task.clear_ibuf [dreg:s8], $0x7FFFF;
	_ =	strace $0x90000052  }
0xba: {  	s29 =	simm.s32 $0x9;
	_ =	strace $0x80000054  }
0xbb: {  	_ =	swait.ge [sflag:s29], $0x1  }
0xbc: {  	[sflag:s29] =	ssyncadd.s32 $0xFFFFFFFF  }
0xbd: {  	_ =	strace $0x90000054  }
0xbe: {  	_ =	sfence  }
0xbf: {  	s30 =	sld [smem:$0x0];
	_ =	sdelay $0x2  }
0xc0: {  	s31 =	sshll.u32 s1, $0xD;
	s1 =	sshrl.u32 s1, $0x2  }
0xc1: {  	s3 =	sand.u32 $0x4000, s31;
	s1 =	sadd.s32 s1, s30  }
0xc2: {  	s0 =	sor.u32 s3, s0;
	s1 =	sshll.u32 s1, $0x11  }
0xc3: {  	s0 =	sor.u32 s1, s0  }
0xc4: {  	s0 =	sadd.s32 $0x8F2B, s0  }
0xc5: {  	[sflag:s0] =	ssyncadd.remote.s32 $0x1  }
0xc6: {  	_ =	sfence.sel $0xFFFF  }
0xc7: {  	[dreg:$0x0] =	wrdreg $0xFFFFFFFF;
	(pc) =	sbr.abs _section_cstart, $3  }
0xc8: {  	[dreg:$0x1] =	wrdreg $0xFFFFFFFF  }
0xc9: {  	_ =	task.clear_ibuf [dreg:s8], $0x2FFFF;
	_ =	strace $0x9FFFFFFF  }
0xca: {  	(tm) =	ssettm $0x7FFFFFFF  }
0xcb: {  	_ =	shalt  }
tec
execute0_lowered:
.L_overlay_start_1:
0x0: {  	(tag) =	ssettag $0x1  }
0x1: {  	s8 =	rddreg [dreg:$0x0]  }
0x2: {  	s1 =	rddreg [dreg:$0x1]  }
0x3: {  	s2 =	rddreg [dreg:$0x2]  }
0x4: {  	s3 =	rddreg [dreg:$0x3]  }
0x5: {  	s0 =	rddreg [dreg:$0x4];
	s4 =	simm.s32 $0x0  }
0x6: {  	s7 =	srdreg.scid;
	s5 =	stileid.u32;
	s16 =	simm.s32 $0x1400  }
0x7: {  	s17 =	simm.s32 $0x50;
	s18 =	simm.s32 $0x2800;
	s19 =	simm.s32 $0x1  }
0x8: {  	[smem:$0x7FF] =	sst s4;
	s6 =	sadd.s32 $0x2E00, s8;
	s9 =	sand.u32 $0x1, s7  }
0x9: {  	s7 =	sadd.s32 $0x6EA00, s8;
	s11 =	smul.u32 $0x50000, s5;
	s12 =	sadd.s32 $0x96A00, s8  }
0xa: {  	s8 =	smul.u32 $0x14000, s5;
	s29 =	sshll.u32 s5, $0x6;
	p0 =	seq.s32 s5, $0xF  }
0xb: {  	_ =	strace $0x80000053;
	s10 =	ssub.s32 $0x2, s9;
	s28 =	smul.u32 $0x138800, s9  }
0xc: {  	s14 =	smul.u32 $0x140000, s9;
	s13 =	sshrl.u32 s10, $0x1;
	s26 =	sshrl.u32 s11, $0x2  }
0xd: {  	s9 =	sor.u32 $0x1C02, s29;
	s13 =	ssub.s32 s10, s13;
	s21 =	sadd.s32 s26, s3  }
0xe: {  	s15 =	sadd.s32 s8, s28;
	s11 =	sshrl.u32 s28, $0x3;
	s10 =	sadd.s32 s14, s8  }
0xf: {  	s30 =	sshrl.u32 s15, $0x3;
	s31 =	sadd.s32 s12, s11;
	s13 =	smax.u32 s13, $0x1  }
0x10: {  	s14 =	sshrl.u32 s21, $0x3;
	s15 =	simm.s32 $0x2;
	s20 =	sshrl.u32 @p0 s21, $0x3  }
0x11: {  	s21 =	sshrl.u32 @!p0 s21, $0x3;
	s11 =	sadd.s32 s12, s30;
	s12 =	sadd.s32 $0x25800, s31  }
.LBB2_1:
0x12: {  	[spmem:s14], [sflag:s9] =	dma.local [hbm:s2], $0x2800  }
0x13: {  	_ =	swait.ge [sflag:s15], $0x2800  }
0x14: {  	[sflag:s15] =	ssyncset.done $0x0  }
0x15: {  	[sflag:s15] =	ssyncadd.s32 $0xFFFFD800  }
0x16: {  	s22 =	simm.s32 $0x0;
	[bflag:$0x0] =	sbarrier.arrive $0xFFFF  }
.LBB2_2:
0x17: {  	s23 =	smul.u32 $0x1400, s22;
	_ =	sdelay $0x1  }
0x18: {  	s24 =	sadd.s32 s10, s23  }
0x19: {  	s24 =	sshrl.u32 s24, $0x3  }
0x1a: {  	s25 =	simm.s32 $0x0;
	s24 =	sadd.s32 s1, s24  }
0x1b: {  	[tilespmem:s25], [sflag:$0x2] =	stream.linear.gather [hbm4b:s24+s25], $0x1200, $0x38;
	[tilespmem:$0x19000] =	vst v63  }
0x1c: {  	s23 =	sadd.s32 s8, s23;
	_ =	swait.ge [sflag:s15], $0x1200  }
0x1d: {  	s23 =	sshrl.u32 s23, $0x3;
	[sflag:s15] =	ssyncset.done $0x0  }
0x1e: {  	s23 =	sadd.s32 s7, s23;
	[sflag:s15] =	ssyncadd.s32 $0xFFFFEE00  }
0x1f: {  	[tilespmem:s16], [sflag:$0x2] =	stream.linear.gather [hbm4b:s23+s25], $0x1200, $0x38;
	[tilespmem:$0x19000] =	vst v63  }
0x20: {  	_ =	swait.ge [sflag:s15], $0x1200  }
0x21: {  	[sflag:s15] =	ssyncset.done $0x0  }
0x22: {  	s30 =	simm.s32 $0x0;
	[sflag:s15] =	ssyncadd.s32 $0xFFFFEE00  }
0x23: {  	[tilespmem:s18], [sflag:$0x1] =	stream.indirect.gather [hbm4b:s6+s17], $0x80, s30, s17, $0xb8;
	[tilespmem:$0x19000] =	vst v63  }
0x24: {  	_ =	swait.ge [sflag:s19], $0x2800  }
0x25: {  	[sflag:s19] =	ssyncset.done $0x0  }
0x26: {  	s31 =	simm.s32 $0x1400;
	[sflag:s19] =	ssyncadd.s32 $0xFFFFD800  }
0x27: {  	[spmem:s3] =	stream.indirect.scatter.add.f32 [tilespmem:s18], [sflag:$0x2], $0x80, s31, s17, $0xb8;
	[tilespmem:$0x19000] =	vst v63  }
0x28: {  	_ =	swait.ge [sflag:s15], $0x2800  }
0x29: {  	s24 =	simm.s32 $0x400;
	s23 =	simm.s32 $0x200;
	[sflag:s15] =	ssyncset.done $0x0  }
.LBB2_3:
0x2a: {  	s25 =	sshra.s32 s23, $0x2  }
0x2b: {  	[sflag:s15] =	ssyncadd.s32 $0xFFFFD800;
	s23 =	smov.u32 s24;
	s26 =	sadd.s32 $0x200, s24  }
0x2c: {  	[tilespmem:s18], [sflag:$0x1] =	stream.indirect.gather [hbm4b:s6+s17], $0x80, s25, s17, $0xb8;
	[tilespmem:$0x19000] =	vst v63  }
0x2d: {  	p1 =	sne.s32 s24, $0x4600;
	_ =	swait.ge [sflag:s19], $0x2800  }
.Ltmp0:
0x2e: {  	[sflag:s19] =	ssyncset.done $0x0;
	(pc) =	sbr.rel @p1 .LBB2_3-.Ltmp0, $4  }
0x2f: {  	s24 =	sadd.s32 $0x1400, s25;
	[sflag:s19] =	ssyncadd.s32 $0xFFFFD800  }
0x30: {  	[spmem:s3] =	stream.indirect.scatter.add.f32 [tilespmem:s18], [sflag:$0x2], $0x80, s24, s17, $0xb8;
	[tilespmem:$0x19000] =	vst v63  }
0x31: {  	_ =	swait.ge [sflag:s15], $0x2800  }
0x32: {  	s24 =	smov.u32 s26;
	[sflag:s15] =	ssyncset.done $0x0  }
0x33: {  	s23 =	sshra.s32 s23, $0x2;
	[sflag:s15] =	ssyncadd.s32 $0xFFFFD800  }
0x34: {  	[tilespmem:s18], [sflag:$0x1] =	stream.indirect.gather [hbm4b:s6+s17], $0x80, s23, s17, $0xb8;
	[tilespmem:$0x19000] =	vst v63  }
0x35: {  	s22 =	sadd.s32 $0x1, s22;
	_ =	swait.ge [sflag:s19], $0x2800  }
0x36: {  	p1 =	sne.s32 s22, $0x10;
	[sflag:s19] =	ssyncset.done $0x0  }
.Ltmp1:
0x37: {  	s23 =	sadd.s32 $0x1400, s23;
	[sflag:s19] =	ssyncadd.s32 $0xFFFFD800;
	(pc) =	sbr.rel @p1 .LBB2_2-.Ltmp1, $4  }
0x38: {  	[spmem:s3] =	stream.indirect.scatter.add.f32 [tilespmem:s18], [sflag:$0x2], $0x80, s23, s17, $0xb8;
	[tilespmem:$0x19000] =	vst v63  }
0x39: {  	_ =	swait.ge [sflag:s15], $0x2800  }
0x3a: {  	[sflag:s15] =	ssyncset.done $0x0  }
0x3b: {  	[sflag:s15] =	ssyncadd.s32 $0xFFFFD800  }
0x3c: {  	[bflag:$0x0] =	sbarrier.arrive $0xFFFF;
	s22 =	simm.s32 @p0 $0x2  }
0x3d: {  	[hbm:s12], [sflag:s9] =	dma.local @p0 [spmem:s20], $0x1900  }
0x3e: {  	s4 =	sadd.s32 $0x1, s4;
	_ =	swait.ge @p0 [sflag:s22], $0x1900  }
0x3f: {  	p1 =	sne.s32 s4, s13;
	[sflag:s22] =	ssyncset.done @p0 $0x0  }
.Ltmp2:
0x40: {  	[sflag:s22] =	ssyncadd.s32 @p0 $0xFFFFE700;
	s22 =	simm.s32 @!p0 $0x2;
	(pc) =	sbr.rel @p1 .LBB2_1-.Ltmp2, $4  }
0x41: {  	[hbm:s11], [sflag:s9] =	dma.local @!p0 [spmem:s21], $0x2800  }
0x42: {  	_ =	swait.ge @!p0 [sflag:s22], $0x2800  }
0x43: {  	[sflag:s22] =	ssyncset.done @!p0 $0x0  }
0x44: {  	[sflag:s22] =	ssyncadd.s32 @!p0 $0xFFFFD800  }
0x45: {  	_ =	sfence.sel $0x180000  }
0x46: {  	[bflag:$0x0] =	sbarrier.arrive $0xFFFF  }
0x47: {  	p0 =	sne.s32 s5, $0x0;
	_ =	strace $0x90000053  }
0x48: {  	s0 =	sadd.s32 @!p0 $0x100000, s0;
	[bflag:$0x2] =	sbarrier.arrive $0xFFFF  }
0x49: {  	[sflag:s0] =	ssyncadd.tile.s32 @!p0 $0x1;
	_ =	shalt  }
.Lfunc_end2:
_tile_overlayer_lowered:
.L_overlay_start_2:
0x4a: {  	(tag) =	ssettag $0x2  }
0x4b: {  	s0 =	rddreg [dreg:$0x0];
	s2 =	stileid.u32  }
0x4c: {  	s1 =	rddreg [dreg:$0x1];
	p0 =	sne.s32 s2, $0x0  }
0x4d: {  	s3 =	rddreg [dreg:$0x2];
	[bflag:$0x3] =	sbarrier.arrive $0xFFFF;
	s2 =	simm.s32 @!p0 $0x1C02  }
0x4e: {  	[timem:s3], [sflag:s2] =	dma.local @!p0 [hbm:s0], s1  }
0x4f: {  	s0 =	simm.s32 @!p0 $0x2  }
0x50: {  	_ =	swait.ge @!p0 [sflag:s0], s1  }
0x51: {  	s1 =	ssub.s32 @!p0 $0x0, s1;
	[sflag:s0] =	ssyncset.done @!p0 $0x0  }
0x52: {  	[sflag:s0] =	ssyncadd.s32 @!p0 s1  }
0x53: {  	[bflag:$0x3] =	sbarrier.arrive $0xFFFF  }
0x54: {  	_ =	shalt  }

</sc_bundles>
